<compile_context>
chip_gen: v7x
topology: tpu7x:2x2x1
jax: 0.10.2.dev20260603
libtpu: 0.0.44.dev20260713+nightly
codegen_flags: <defaults>
</compile_context>

<pallas_src>
import functools

import jax
import jax.numpy as jnp
from jax import lax
from jax.experimental import pallas as pl
from jax.experimental.pallas import tpu as pltpu
from jax.experimental.pallas import tpu_sc as plsc

_NW = 32
_CW = 128
_L = 16
_TBLK = 4096


def _fmt_rows(x_t):
    D, N = x_t.shape
    nblk = (N + _TBLK - 1) // _TBLK

    def body(in_ref, out_ref):
        eye = jnp.eye(D, dtype=jnp.float32)
        eye2 = jnp.concatenate([eye, eye], axis=1)
        out_ref[...] = jax.lax.dot_general(
            in_ref[...], eye2, (((0,), (0,)), ((), ())),
            precision=jax.lax.Precision.DEFAULT,
        )

    return pl.pallas_call(
        body,
        grid=(nblk,),
        in_specs=[pl.BlockSpec((D, _TBLK), lambda i: (0, i))],
        out_specs=pl.BlockSpec((_TBLK, 2 * D), lambda i: (i, 0)),
        out_shape=jax.ShapeDtypeStruct((N, 2 * D), jnp.float32),
    )(x_t)


def kernel(embeddings, labels, centers):
    B, D = embeddings.shape
    ch = B // (_NW * _CW)
    bw = _CW * ch
    DP = 2 * D
    nring = 2

    ctr_r = _fmt_rows(centers.T)
    idx = labels.astype(jnp.int32)

    mesh = plsc.VectorSubcoreMesh(core_axis_name="c", subcore_axis_name="s")

    @functools.partial(
        pl.kernel,
        mesh=mesh,
        compiler_params=pltpu.CompilerParams(
            use_tc_tiling_on_sc=True, needs_layout_passes=False
        ),
        out_type=jax.ShapeDtypeStruct((_NW * _L,), jnp.float32),
        scratch_types=[
            pltpu.VMEM((bw,), jnp.int32),
            pltpu.VMEM((bw, D), jnp.float32),
            pltpu.VMEM((nring * _CW, DP), jnp.float32),
            pltpu.VMEM((_L,), jnp.float32),
            pltpu.SemaphoreType.DMA,
            pltpu.SemaphoreType.DMA,
            pltpu.SemaphoreType.DMA,
        ],
    )
    def sc_kernel(emb_hbm, idx_hbm, ctr_hbm, out_hbm,
                  idx_v, emb_v, ctr_v, acc_v, sem_e, sem_g0, sem_g1):
        wid = lax.axis_index("s") * 2 + lax.axis_index("c")
        base = pl.multiple_of(wid * bw, bw)

        emb_dma = pltpu.async_copy(emb_hbm.at[pl.ds(base, bw)], emb_v, sem_e)
        pltpu.sync_copy(idx_hbm.at[pl.ds(base, bw)], idx_v)
        sems = [sem_g0, sem_g1]

        def fire(j):
            return pltpu.async_copy(
                ctr_hbm.at[idx_v.at[pl.ds(j * _CW, _CW)]],
                ctr_v.at[pl.ds((j % nring) * _CW, _CW)],
                sems[j % nring],
            )

        gathers = [fire(0), fire(1)]
        emb_dma.wait()

        ngrp = _CW // 8

        def make_grp_body(slot):
            def grp_body(g, acc):
                ebase = pl.multiple_of(g * 8, 8)
                cbase = pl.multiple_of((slot * ngrp + g % ngrp) * 8, 8)
                ev = emb_v.at[pl.ds(ebase, 8)]
                cv = ctr_v.at[pl.ds(cbase, 8)]
                for k in range(8):
                    for c in range(D // _L):
                        e = ev[k, pl.ds(c * _L, _L)]
                        t = cv[k, pl.ds(c * _L, _L)]
                        d = e - t
                        acc = acc + d * d
                return acc
            return grp_body

        acc = jnp.zeros((_L,), jnp.float32)
        for j in range(ch):
            gathers[j].wait()
            acc = lax.fori_loop(j * ngrp, (j + 1) * ngrp,
                                make_grp_body(j % nring), acc)
            if j + nring < ch:
                gathers.append(fire(j + nring))

        acc_v[...] = acc
        pltpu.sync_copy(acc_v, out_hbm.at[pl.ds(wid * _L, _L)])

    partials = sc_kernel(embeddings, idx, ctr_r)
    return partials.sum() / B

# --- scband reference (transcript-rebuilt; emitter-appended) ---
"""Pipeline reference for scband-center-loss-80161269612714 (READ-ONLY COPY).

The authoritative reference and input builder live on the scoring server;
editing this copy changes nothing except your own understanding.
"""

import jax, jax.numpy as jnp
import numpy as np

NUM_CLASSES = 100000
FEAT_DIM = 64
BATCH = 16384


def setup_inputs(seed: int = 0) -> dict:
    key = jax.random.key(seed)
    k1, k2, k3 = jax.random.split(key, 3)
    embeddings = jax.random.normal(k1, (BATCH, FEAT_DIM), dtype=jnp.float32)
    labels = jax.random.randint(k2, (BATCH,), 0, NUM_CLASSES, dtype=jnp.int64 if jax.config.read('jax_enable_x64') else jnp.int32)
    centers = jax.random.normal(k3, (NUM_CLASSES, FEAT_DIM), dtype=jnp.float32)
    return {"embeddings": embeddings, "labels": labels, "centers": centers}


def reference(embeddings, labels, centers):
    batch_centers = jnp.take(centers, labels, axis=0)
    return ((embeddings - batch_centers) ** 2).sum(axis=1).mean()

if __name__ == "__main__":
    import jax
    _d = setup_inputs()
    print(jax.jit(kernel)(*tuple(_d.values())))

</pallas_src>

<mosaic_0001>
#map = affine_map<(d0, d1) -> (0, 0)>
#map1 = affine_map<(d0, d1) -> (0)>
module attributes {stable_mosaic.version = 14 : i64} {
  func.func @sc_kernel(%arg0: i32, %arg1: i32, %arg2: memref<16384x64xf32, #tpu.memory_space<hbm>>, %arg3: memref<16384xi32, #tpu.memory_space<hbm>>, %arg4: memref<100000x128xf32, #tpu.memory_space<hbm>>, %arg5: memref<512xf32, #tpu.memory_space<hbm>>, %arg6: memref<512xi32, #tpu.memory_space<vmem>>, %arg7: memref<512x64xf32, #tpu.memory_space<vmem>>, %arg8: memref<256x128xf32, #tpu.memory_space<vmem>>, %arg9: memref<16xf32, #tpu.memory_space<vmem>>, %arg10: memref<!tpu.dma_semaphore, #tpu.memory_space<semaphore_mem>>, %arg11: memref<!tpu.dma_semaphore, #tpu.memory_space<semaphore_mem>>, %arg12: memref<!tpu.dma_semaphore, #tpu.memory_space<semaphore_mem>>) attributes {dimension_semantics = [#tpu.dimension_semantics<core_parallel>, #tpu.dimension_semantics<subcore_parallel>], iteration_bounds = array<i64: 2, 16>, scalar_prefetch = 0 : i64, scratch_operands = 7 : i64, tpu.core_type = #tpu.core_type<sc_vector_subcore>, window_params = [{transform_indices = #map}, {transform_indices = #map1}, {transform_indices = #map}, {transform_indices = #map1}]} {
    %mul3A = arith.constant 2 : i32
    %mul3A_0 = arith.muli %arg1, %mul3A : i32
    %add3A = arith.addi %mul3A_0, %arg0 : i32
    %mul3A_1 = arith.constant 512 : i32
    %mul3A_2 = arith.muli %add3A, %mul3A_1 : i32
    %multiple_of3A = tpu.assume_multiple %mul3A_2, 512 : i32
    %dma_start3A = arith.constant 0 : i32
    %dma_start3A_3 = tpu.memref_slice %arg2[%multiple_of3A, %dma_start3A] : memref<16384x64xf32, #tpu.memory_space<hbm>> -> memref<512x64xf32, #tpu.memory_space<hbm>>
    %dma_start3A_4 = arith.constant 0 : i32
    %dma_start3A_5 = tpu.memref_slice %arg2[%multiple_of3A, %dma_start3A_4] : memref<16384x64xf32, #tpu.memory_space<hbm>> -> memref<512x64xf32, #tpu.memory_space<hbm>>
    tpu.enqueue_dma source(%dma_start3A_5 : memref<512x64xf32, #tpu.memory_space<hbm>>) target(%arg7 : memref<512x64xf32, #tpu.memory_space<vmem>>) target_semaphore(%arg10 : memref<!tpu.dma_semaphore, #tpu.memory_space<semaphore_mem>>)
    "tpu.region"() ({
      %run_scoped3A = tpu.sem_alloc : memref<!tpu.dma_semaphore, #tpu.memory_space<semaphore_mem>>
      %dma_start3A_100 = tpu.memref_slice %arg3[%multiple_of3A] : memref<16384xi32, #tpu.memory_space<hbm>> -> memref<512xi32, #tpu.memory_space<hbm>>
      %dma_start3A_101 = tpu.memref_slice %arg3[%multiple_of3A] : memref<16384xi32, #tpu.memory_space<hbm>> -> memref<512xi32, #tpu.memory_space<hbm>>
      tpu.enqueue_dma source(%dma_start3A_101 : memref<512xi32, #tpu.memory_space<hbm>>) target(%arg6 : memref<512xi32, #tpu.memory_space<vmem>>) target_semaphore(%run_scoped3A : memref<!tpu.dma_semaphore, #tpu.memory_space<semaphore_mem>>)
      %dma_wait3A_102 = tpu.memref_slice %arg3[%multiple_of3A] : memref<16384xi32, #tpu.memory_space<hbm>> -> memref<512xi32, #tpu.memory_space<hbm>>
      %dma_wait3A_103 = tpu.memref_slice %arg3[%multiple_of3A] : memref<16384xi32, #tpu.memory_space<hbm>> -> memref<512xi32, #tpu.memory_space<hbm>>
      tpu.wait_dma2 semaphore(%run_scoped3A : memref<!tpu.dma_semaphore, #tpu.memory_space<semaphore_mem>>) src(%dma_wait3A_103 : memref<512xi32, #tpu.memory_space<hbm>>) dst(%arg6 : memref<512xi32, #tpu.memory_space<vmem>>)
      tpu.yield
    }) : () -> ()
    %dma_start3A_6 = arith.constant 0 : i32
    %dma_start3A_7 = arith.constant 0 : i32
    %dma_start3A_8 = tpu.memref_slice %arg8[%dma_start3A_6, %dma_start3A_7] : memref<256x128xf32, #tpu.memory_space<vmem>> -> memref<128x128xf32, #tpu.memory_space<vmem>>
    %dma_start3A_9 = arith.constant 0 : i32
    %dma_start3A_10 = tpu.memref_slice %arg6[%dma_start3A_9] : memref<512xi32, #tpu.memory_space<vmem>> -> memref<128xi32, #tpu.memory_space<vmem>>
    %dma_start3A_11 = arith.constant 0 : i32
    %dma_start3A_12 = arith.constant 0 : i32
    %dma_start3A_13 = tpu.memref_slice %arg4[%dma_start3A_11, %dma_start3A_12] : memref<100000x128xf32, #tpu.memory_space<hbm>> -> memref<100000x128xf32, #tpu.memory_space<hbm>>
    tpu.enqueue_indirect_dma source(%dma_start3A_13 : memref<100000x128xf32, #tpu.memory_space<hbm>>) target(%dma_start3A_8 : memref<128x128xf32, #tpu.memory_space<vmem>>) offsets(%dma_start3A_10 : memref<128xi32, #tpu.memory_space<vmem>>) semaphore(%arg11 : memref<!tpu.dma_semaphore, #tpu.memory_space<semaphore_mem>>)
    %dma_start3A_14 = arith.constant 128 : i32
    %dma_start3A_15 = arith.constant 0 : i32
    %dma_start3A_16 = tpu.memref_slice %arg8[%dma_start3A_14, %dma_start3A_15] : memref<256x128xf32, #tpu.memory_space<vmem>> -> memref<128x128xf32, #tpu.memory_space<vmem>>
    %dma_start3A_17 = arith.constant 128 : i32
    %dma_start3A_18 = tpu.memref_slice %arg6[%dma_start3A_17] : memref<512xi32, #tpu.memory_space<vmem>> -> memref<128xi32, #tpu.memory_space<vmem>>
    %dma_start3A_19 = arith.constant 0 : i32
    %dma_start3A_20 = arith.constant 0 : i32
    %dma_start3A_21 = tpu.memref_slice %arg4[%dma_start3A_19, %dma_start3A_20] : memref<100000x128xf32, #tpu.memory_space<hbm>> -> memref<100000x128xf32, #tpu.memory_space<hbm>>
    tpu.enqueue_indirect_dma source(%dma_start3A_21 : memref<100000x128xf32, #tpu.memory_space<hbm>>) target(%dma_start3A_16 : memref<128x128xf32, #tpu.memory_space<vmem>>) offsets(%dma_start3A_18 : memref<128xi32, #tpu.memory_space<vmem>>) semaphore(%arg12 : memref<!tpu.dma_semaphore, #tpu.memory_space<semaphore_mem>>)
    %dma_wait3A = arith.constant 0 : i32
    %dma_wait3A_22 = tpu.memref_slice %arg2[%multiple_of3A, %dma_wait3A] : memref<16384x64xf32, #tpu.memory_space<hbm>> -> memref<512x64xf32, #tpu.memory_space<hbm>>
    %dma_wait3A_23 = arith.constant 0 : i32
    %dma_wait3A_24 = tpu.memref_slice %arg2[%multiple_of3A, %dma_wait3A_23] : memref<16384x64xf32, #tpu.memory_space<hbm>> -> memref<512x64xf32, #tpu.memory_space<hbm>>
    tpu.wait_dma2 semaphore(%arg10 : memref<!tpu.dma_semaphore, #tpu.memory_space<semaphore_mem>>) src(%dma_wait3A_24 : memref<512x64xf32, #tpu.memory_space<hbm>>) dst(%arg7 : memref<512x64xf32, #tpu.memory_space<vmem>>)
    %broadcast_in_dim3A = arith.constant 0.000000e+00 : f32
    %broadcast_in_dim3A_25 = vector.broadcast %broadcast_in_dim3A : f32 to vector<16xf32>
    %dma_wait3A_26 = arith.constant 0 : i32
    %dma_wait3A_27 = arith.constant 0 : i32
    %dma_wait3A_28 = tpu.memref_slice %arg8[%dma_wait3A_26, %dma_wait3A_27] : memref<256x128xf32, #tpu.memory_space<vmem>> -> memref<128x128xf32, #tpu.memory_space<vmem>>
    %dma_wait3A_29 = arith.constant 0 : i32
    %dma_wait3A_30 = tpu.memref_slice %arg6[%dma_wait3A_29] : memref<512xi32, #tpu.memory_space<vmem>> -> memref<128xi32, #tpu.memory_space<vmem>>
    %dma_wait3A_31 = arith.constant 0 : i32
    %dma_wait3A_32 = arith.constant 0 : i32
    %dma_wait3A_33 = tpu.memref_slice %arg4[%dma_wait3A_31, %dma_wait3A_32] : memref<100000x128xf32, #tpu.memory_space<hbm>> -> memref<100000x128xf32, #tpu.memory_space<hbm>>
    tpu.wait_indirect_dma semaphore(%arg11 : memref<!tpu.dma_semaphore, #tpu.memory_space<semaphore_mem>>) src(%dma_wait3A_33 : memref<100000x128xf32, #tpu.memory_space<hbm>>) dst(%dma_wait3A_28 : memref<128x128xf32, #tpu.memory_space<vmem>>)
    %scan3A = arith.constant 0 : i32
    %scan3A_34 = arith.constant 16 : i32
    %scan3A_35 = arith.addi %scan3A, %scan3A_34 : i32
    %scan3A_36 = arith.constant 1 : i32
    %scan3A_37 = scf.for %scan3A_100 = %scan3A to %scan3A_35 step %scan3A_36 iter_args(%scan3A_101 = %broadcast_in_dim3A_25) -> (vector<16xf32>)  : i32 {
      %mul3A_102 = arith.constant 8 : i32
      %mul3A_103 = arith.muli %scan3A_100, %mul3A_102 : i32
      %multiple_of3A_104 = tpu.assume_multiple %mul3A_103, 8 : i32
      %jit3A = arith.constant 16 : i32
      %eq3A = arith.constant 0 : i32
      %eq3A_105 = arith.cmpi eq, %jit3A, %eq3A : i32
      %jit3A_106 = arith.constant 1 : i32
      %select_n3A = arith.select %eq3A_105, %jit3A_106, %jit3A : i32
      %rem3A = arith.remsi %scan3A_100, %select_n3A : i32
      %ne3A = arith.constant 0 : i32
      %ne3A_107 = arith.cmpi ne, %rem3A, %ne3A : i32
      %lt3A = arith.constant 0 : i32
      %lt3A_108 = arith.cmpi slt, %rem3A, %lt3A : i32
      %lt3A_109 = arith.constant 0 : i32
      %lt3A_110 = arith.cmpi slt, %select_n3A, %lt3A_109 : i32
      %ne3A_111 = arith.xori %lt3A_108, %lt3A_110 : i1
      %and3A = arith.andi %ne3A_111, %ne3A_107 : i1
      %add3A_112 = arith.addi %rem3A, %select_n3A : i32
      %select_n3A_113 = arith.select %and3A, %add3A_112, %rem3A : i32
      %add3A_114 = arith.constant 0 : i32
      %add3A_115 = arith.addi %add3A_114, %select_n3A_113 : i32
      %mul3A_116 = arith.constant 8 : i32
      %mul3A_117 = arith.muli %add3A_115, %mul3A_116 : i32
      %multiple_of3A_118 = tpu.assume_multiple %mul3A_117, 8 : i32
      %get3A = arith.constant 0 : i32
      %get3A_119 = arith.constant 0 : i32
      %get3A_120 = tpu.memref_slice %arg7[%multiple_of3A_104, %get3A_119] : memref<512x64xf32, #tpu.memory_space<vmem>> -> memref<8x64xf32, #tpu.memory_space<vmem>>
      %get3A_121 = arith.index_cast %get3A : i32 to index
      %get3A_122 = arith.constant 0 : index
      %get3A_123 = tpu.vector_load %get3A_120[%get3A_121, %get3A_122] {strides = array<i32>} : memref<8x64xf32, #tpu.memory_space<vmem>>, vector<16xf32>,
      %get3A_124 = arith.constant 0 : i32
      %get3A_125 = arith.constant 0 : i32
      %get3A_126 = tpu.memref_slice %arg8[%multiple_of3A_118, %get3A_125] : memref<256x128xf32, #tpu.memory_space<vmem>> -> memref<8x128xf32, #tpu.memory_space<vmem>>
      %get3A_127 = arith.index_cast %get3A_124 : i32 to index
      %get3A_128 = arith.constant 0 : index
      %get3A_129 = tpu.vector_load %get3A_126[%get3A_127, %get3A_128] {strides = array<i32>} : memref<8x128xf32, #tpu.memory_space<vmem>>, vector<16xf32>,
      %sub3A = arith.subf %get3A_123, %get3A_129 : vector<16xf32>
      %mul3A_130 = arith.mulf %sub3A, %sub3A : vector<16xf32>
      %add3A_131 = arith.addf %scan3A_101, %mul3A_130 : vector<16xf32>
      %get3A_132 = arith.constant 0 : i32
      %get3A_133 = arith.constant 0 : i32
      %get3A_134 = tpu.memref_slice %arg7[%multiple_of3A_104, %get3A_133] : memref<512x64xf32, #tpu.memory_space<vmem>> -> memref<8x64xf32, #tpu.memory_space<vmem>>
      %get3A_135 = arith.index_cast %get3A_132 : i32 to index
      %get3A_136 = arith.constant 16 : index
      %get3A_137 = tpu.vector_load %get3A_134[%get3A_135, %get3A_136] {strides = array<i32>} : memref<8x64xf32, #tpu.memory_space<vmem>>, vector<16xf32>,
      %get3A_138 = arith.constant 0 : i32
      %get3A_139 = arith.constant 0 : i32
      %get3A_140 = tpu.memref_slice %arg8[%multiple_of3A_118, %get3A_139] : memref<256x128xf32, #tpu.memory_space<vmem>> -> memref<8x128xf32, #tpu.memory_space<vmem>>
      %get3A_141 = arith.index_cast %get3A_138 : i32 to index
      %get3A_142 = arith.constant 16 : index
      %get3A_143 = tpu.vector_load %get3A_140[%get3A_141, %get3A_142] {strides = array<i32>} : memref<8x128xf32, #tpu.memory_space<vmem>>, vector<16xf32>,
      %sub3A_144 = arith.subf %get3A_137, %get3A_143 : vector<16xf32>
      %mul3A_145 = arith.mulf %sub3A_144, %sub3A_144 : vector<16xf32>
      %add3A_146 = arith.addf %add3A_131, %mul3A_145 : vector<16xf32>
      %get3A_147 = arith.constant 0 : i32
      %get3A_148 = arith.constant 0 : i32
      %get3A_149 = tpu.memref_slice %arg7[%multiple_of3A_104, %get3A_148] : memref<512x64xf32, #tpu.memory_space<vmem>> -> memref<8x64xf32, #tpu.memory_space<vmem>>
      %get3A_150 = arith.index_cast %get3A_147 : i32 to index
      %get3A_151 = arith.constant 32 : index
      %get3A_152 = tpu.vector_load %get3A_149[%get3A_150, %get3A_151] {strides = array<i32>} : memref<8x64xf32, #tpu.memory_space<vmem>>, vector<16xf32>,
      %get3A_153 = arith.constant 0 : i32
      %get3A_154 = arith.constant 0 : i32
      %get3A_155 = tpu.memref_slice %arg8[%multiple_of3A_118, %get3A_154] : memref<256x128xf32, #tpu.memory_space<vmem>> -> memref<8x128xf32, #tpu.memory_space<vmem>>
      %get3A_156 = arith.index_cast %get3A_153 : i32 to index
      %get3A_157 = arith.constant 32 : index
      %get3A_158 = tpu.vector_load %get3A_155[%get3A_156, %get3A_157] {strides = array<i32>} : memref<8x128xf32, #tpu.memory_space<vmem>>, vector<16xf32>,
      %sub3A_159 = arith.subf %get3A_152, %get3A_158 : vector<16xf32>
      %mul3A_160 = arith.mulf %sub3A_159, %sub3A_159 : vector<16xf32>
      %add3A_161 = arith.addf %add3A_146, %mul3A_160 : vector<16xf32>
      %get3A_162 = arith.constant 0 : i32
      %get3A_163 = arith.constant 0 : i32
      %get3A_164 = tpu.memref_slice %arg7[%multiple_of3A_104, %get3A_163] : memref<512x64xf32, #tpu.memory_space<vmem>> -> memref<8x64xf32, #tpu.memory_space<vmem>>
      %get3A_165 = arith.index_cast %get3A_162 : i32 to index
      %get3A_166 = arith.constant 48 : index
      %get3A_167 = tpu.vector_load %get3A_164[%get3A_165, %get3A_166] {strides = array<i32>} : memref<8x64xf32, #tpu.memory_space<vmem>>, vector<16xf32>,
      %get3A_168 = arith.constant 0 : i32
      %get3A_169 = arith.constant 0 : i32
      %get3A_170 = tpu.memref_slice %arg8[%multiple_of3A_118, %get3A_169] : memref<256x128xf32, #tpu.memory_space<vmem>> -> memref<8x128xf32, #tpu.memory_space<vmem>>
      %get3A_171 = arith.index_cast %get3A_168 : i32 to index
      %get3A_172 = arith.constant 48 : index
      %get3A_173 = tpu.vector_load %get3A_170[%get3A_171, %get3A_172] {strides = array<i32>} : memref<8x128xf32, #tpu.memory_space<vmem>>, vector<16xf32>,
      %sub3A_174 = arith.subf %get3A_167, %get3A_173 : vector<16xf32>
      %mul3A_175 = arith.mulf %sub3A_174, %sub3A_174 : vector<16xf32>
      %add3A_176 = arith.addf %add3A_161, %mul3A_175 : vector<16xf32>
      %get3A_177 = arith.constant 1 : i32
      %get3A_178 = arith.constant 0 : i32
      %get3A_179 = tpu.memref_slice %arg7[%multiple_of3A_104, %get3A_178] : memref<512x64xf32, #tpu.memory_space<vmem>> -> memref<8x64xf32, #tpu.memory_space<vmem>>
      %get3A_180 = arith.index_cast %get3A_177 : i32 to index
      %get3A_181 = arith.constant 0 : index
      %get3A_182 = tpu.vector_load %get3A_179[%get3A_180, %get3A_181] {strides = array<i32>} : memref<8x64xf32, #tpu.memory_space<vmem>>, vector<16xf32>,
      %get3A_183 = arith.constant 1 : i32
      %get3A_184 = arith.constant 0 : i32
      %get3A_185 = tpu.memref_slice %arg8[%multiple_of3A_118, %get3A_184] : memref<256x128xf32, #tpu.memory_space<vmem>> -> memref<8x128xf32, #tpu.memory_space<vmem>>
      %get3A_186 = arith.index_cast %get3A_183 : i32 to index
      %get3A_187 = arith.constant 0 : index
      %get3A_188 = tpu.vector_load %get3A_185[%get3A_186, %get3A_187] {strides = array<i32>} : memref<8x128xf32, #tpu.memory_space<vmem>>, vector<16xf32>,
      %sub3A_189 = arith.subf %get3A_182, %get3A_188 : vector<16xf32>
      %mul3A_190 = arith.mulf %sub3A_189, %sub3A_189 : vector<16xf32>
      %add3A_191 = arith.addf %add3A_176, %mul3A_190 : vector<16xf32>
      %get3A_192 = arith.constant 1 : i32
      %get3A_193 = arith.constant 0 : i32
      %get3A_194 = tpu.memref_slice %arg7[%multiple_of3A_104, %get3A_193] : memref<512x64xf32, #tpu.memory_space<vmem>> -> memref<8x64xf32, #tpu.memory_space<vmem>>
      %get3A_195 = arith.index_cast %get3A_192 : i32 to index
      %get3A_196 = arith.constant 16 : index
      %get3A_197 = tpu.vector_load %get3A_194[%get3A_195, %get3A_196] {strides = array<i32>} : memref<8x64xf32, #tpu.memory_space<vmem>>, vector<16xf32>,
      %get3A_198 = arith.constant 1 : i32
      %get3A_199 = arith.constant 0 : i32
      %get3A_200 = tpu.memref_slice %arg8[%multiple_of3A_118, %get3A_199] : memref<256x128xf32, #tpu.memory_space<vmem>> -> memref<8x128xf32, #tpu.memory_space<vmem>>
      %get3A_201 = arith.index_cast %get3A_198 : i32 to index
      %get3A_202 = arith.constant 16 : index
      %get3A_203 = tpu.vector_load %get3A_200[%get3A_201, %get3A_202] {strides = array<i32>} : memref<8x128xf32, #tpu.memory_space<vmem>>, vector<16xf32>,
      %sub3A_204 = arith.subf %get3A_197, %get3A_203 : vector<16xf32>
      %mul3A_205 = arith.mulf %sub3A_204, %sub3A_204 : vector<16xf32>
      %add3A_206 = arith.addf %add3A_191, %mul3A_205 : vector<16xf32>
      %get3A_207 = arith.constant 1 : i32
      %get3A_208 = arith.constant 0 : i32
      %get3A_209 = tpu.memref_slice %arg7[%multiple_of3A_104, %get3A_208] : memref<512x64xf32, #tpu.memory_space<vmem>> -> memref<8x64xf32, #tpu.memory_space<vmem>>
      %get3A_210 = arith.index_cast %get3A_207 : i32 to index
      %get3A_211 = arith.constant 32 : index
      %get3A_212 = tpu.vector_load %get3A_209[%get3A_210, %get3A_211] {strides = array<i32>} : memref<8x64xf32, #tpu.memory_space<vmem>>, vector<16xf32>,
      %get3A_213 = arith.constant 1 : i32
      %get3A_214 = arith.constant 0 : i32
      %get3A_215 = tpu.memref_slice %arg8[%multiple_of3A_118, %get3A_214] : memref<256x128xf32, #tpu.memory_space<vmem>> -> memref<8x128xf32, #tpu.memory_space<vmem>>
      %get3A_216 = arith.index_cast %get3A_213 : i32 to index
      %get3A_217 = arith.constant 32 : index
      %get3A_218 = tpu.vector_load %get3A_215[%get3A_216, %get3A_217] {strides = array<i32>} : memref<8x128xf32, #tpu.memory_space<vmem>>, vector<16xf32>,
      %sub3A_219 = arith.subf %get3A_212, %get3A_218 : vector<16xf32>
      %mul3A_220 = arith.mulf %sub3A_219, %sub3A_219 : vector<16xf32>
      %add3A_221 = arith.addf %add3A_206, %mul3A_220 : vector<16xf32>
      %get3A_222 = arith.constant 1 : i32
      %get3A_223 = arith.constant 0 : i32
      %get3A_224 = tpu.memref_slice %arg7[%multiple_of3A_104, %get3A_223] : memref<512x64xf32, #tpu.memory_space<vmem>> -> memref<8x64xf32, #tpu.memory_space<vmem>>
      %get3A_225 = arith.index_cast %get3A_222 : i32 to index
      %get3A_226 = arith.constant 48 : index
      %get3A_227 = tpu.vector_load %get3A_224[%get3A_225, %get3A_226] {strides = array<i32>} : memref<8x64xf32, #tpu.memory_space<vmem>>, vector<16xf32>,
      %get3A_228 = arith.constant 1 : i32
      %get3A_229 = arith.constant 0 : i32
      %get3A_230 = tpu.memref_slice %arg8[%multiple_of3A_118, %get3A_229] : memref<256x128xf32, #tpu.memory_space<vmem>> -> memref<8x128xf32, #tpu.memory_space<vmem>>
      %get3A_231 = arith.index_cast %get3A_228 : i32 to index
      %get3A_232 = arith.constant 48 : index
      %get3A_233 = tpu.vector_load %get3A_230[%get3A_231, %get3A_232] {strides = array<i32>} : memref<8x128xf32, #tpu.memory_space<vmem>>, vector<16xf32>,
      %sub3A_234 = arith.subf %get3A_227, %get3A_233 : vector<16xf32>
      %mul3A_235 = arith.mulf %sub3A_234, %sub3A_234 : vector<16xf32>
      %add3A_236 = arith.addf %add3A_221, %mul3A_235 : vector<16xf32>
      %get3A_237 = arith.constant 2 : i32
      %get3A_238 = arith.constant 0 : i32
      %get3A_239 = tpu.memref_slice %arg7[%multiple_of3A_104, %get3A_238] : memref<512x64xf32, #tpu.memory_space<vmem>> -> memref<8x64xf32, #tpu.memory_space<vmem>>
      %get3A_240 = arith.index_cast %get3A_237 : i32 to index
      %get3A_241 = arith.constant 0 : index
      %get3A_242 = tpu.vector_load %get3A_239[%get3A_240, %get3A_241] {strides = array<i32>} : memref<8x64xf32, #tpu.memory_space<vmem>>, vector<16xf32>,
      %get3A_243 = arith.constant 2 : i32
      %get3A_244 = arith.constant 0 : i32
      %get3A_245 = tpu.memref_slice %arg8[%multiple_of3A_118, %get3A_244] : memref<256x128xf32, #tpu.memory_space<vmem>> -> memref<8x128xf32, #tpu.memory_space<vmem>>
      %get3A_246 = arith.index_cast %get3A_243 : i32 to index
      %get3A_247 = arith.constant 0 : index
      %get3A_248 = tpu.vector_load %get3A_245[%get3A_246, %get3A_247] {strides = array<i32>} : memref<8x128xf32, #tpu.memory_space<vmem>>, vector<16xf32>,
      %sub3A_249 = arith.subf %get3A_242, %get3A_248 : vector<16xf32>
      %mul3A_250 = arith.mulf %sub3A_249, %sub3A_249 : vector<16xf32>
      %add3A_251 = arith.addf %add3A_236, %mul3A_250 : vector<16xf32>
      %get3A_252 = arith.constant 2 : i32
      %get3A_253 = arith.constant 0 : i32
      %get3A_254 = tpu.memref_slice %arg7[%multiple_of3A_104, %get3A_253] : memref<512x64xf32, #tpu.memory_space<vmem>> -> memref<8x64xf32, #tpu.memory_space<vmem>>
      %get3A_255 = arith.index_cast %get3A_252 : i32 to index
      %get3A_256 = arith.constant 16 : index
      %get3A_257 = tpu.vector_load %get3A_254[%get3A_255, %get3A_256] {strides = array<i32>} : memref<8x64xf32, #tpu.memory_space<vmem>>, vector<16xf32>,
      %get3A_258 = arith.constant 2 : i32
      %get3A_259 = arith.constant 0 : i32
      %get3A_260 = tpu.memref_slice %arg8[%multiple_of3A_118, %get3A_259] : memref<256x128xf32, #tpu.memory_space<vmem>> -> memref<8x128xf32, #tpu.memory_space<vmem>>
      %get3A_261 = arith.index_cast %get3A_258 : i32 to index
      %get3A_262 = arith.constant 16 : index
      %get3A_263 = tpu.vector_load %get3A_260[%get3A_261, %get3A_262] {strides = array<i32>} : memref<8x128xf32, #tpu.memory_space<vmem>>, vector<16xf32>,
      %sub3A_264 = arith.subf %get3A_257, %get3A_263 : vector<16xf32>
      %mul3A_265 = arith.mulf %sub3A_264, %sub3A_264 : vector<16xf32>
      %add3A_266 = arith.addf %add3A_251, %mul3A_265 : vector<16xf32>
      %get3A_267 = arith.constant 2 : i32
      %get3A_268 = arith.constant 0 : i32
      %get3A_269 = tpu.memref_slice %arg7[%multiple_of3A_104, %get3A_268] : memref<512x64xf32, #tpu.memory_space<vmem>> -> memref<8x64xf32, #tpu.memory_space<vmem>>
      %get3A_270 = arith.index_cast %get3A_267 : i32 to index
      %get3A_271 = arith.constant 32 : index
      %get3A_272 = tpu.vector_load %get3A_269[%get3A_270, %get3A_271] {strides = array<i32>} : memref<8x64xf32, #tpu.memory_space<vmem>>, vector<16xf32>,
      %get3A_273 = arith.constant 2 : i32
      %get3A_274 = arith.constant 0 : i32
      %get3A_275 = tpu.memref_slice %arg8[%multiple_of3A_118, %get3A_274] : memref<256x128xf32, #tpu.memory_space<vmem>> -> memref<8x128xf32, #tpu.memory_space<vmem>>
      %get3A_276 = arith.index_cast %get3A_273 : i32 to index
      %get3A_277 = arith.constant 32 : index
      %get3A_278 = tpu.vector_load %get3A_275[%get3A_276, %get3A_277] {strides = array<i32>} : memref<8x128xf32, #tpu.memory_space<vmem>>, vector<16xf32>,
      %sub3A_279 = arith.subf %get3A_272, %get3A_278 : vector<16xf32>
      %mul3A_280 = arith.mulf %sub3A_279, %sub3A_279 : vector<16xf32>
      %add3A_281 = arith.addf %add3A_266, %mul3A_280 : vector<16xf32>
      %get3A_282 = arith.constant 2 : i32
      %get3A_283 = arith.constant 0 : i32
      %get3A_284 = tpu.memref_slice %arg7[%multiple_of3A_104, %get3A_283] : memref<512x64xf32, #tpu.memory_space<vmem>> -> memref<8x64xf32, #tpu.memory_space<vmem>>
      %get3A_285 = arith.index_cast %get3A_282 : i32 to index
      %get3A_286 = arith.constant 48 : index
      %get3A_287 = tpu.vector_load %get3A_284[%get3A_285, %get3A_286] {strides = array<i32>} : memref<8x64xf32, #tpu.memory_space<vmem>>, vector<16xf32>,
      %get3A_288 = arith.constant 2 : i32
      %get3A_289 = arith.constant 0 : i32
      %get3A_290 = tpu.memref_slice %arg8[%multiple_of3A_118, %get3A_289] : memref<256x128xf32, #tpu.memory_space<vmem>> -> memref<8x128xf32, #tpu.memory_space<vmem>>
      %get3A_291 = arith.index_cast %get3A_288 : i32 to index
      %get3A_292 = arith.constant 48 : index
      %get3A_293 = tpu.vector_load %get3A_290[%get3A_291, %get3A_292] {strides = array<i32>} : memref<8x128xf32, #tpu.memory_space<vmem>>, vector<16xf32>,
      %sub3A_294 = arith.subf %get3A_287, %get3A_293 : vector<16xf32>
      %mul3A_295 = arith.mulf %sub3A_294, %sub3A_294 : vector<16xf32>
      %add3A_296 = arith.addf %add3A_281, %mul3A_295 : vector<16xf32>
      %get3A_297 = arith.constant 3 : i32
      %get3A_298 = arith.constant 0 : i32
      %get3A_299 = tpu.memref_slice %arg7[%multiple_of3A_104, %get3A_298] : memref<512x64xf32, #tpu.memory_space<vmem>> -> memref<8x64xf32, #tpu.memory_space<vmem>>
      %get3A_300 = arith.index_cast %get3A_297 : i32 to index
      %get3A_301 = arith.constant 0 : index
      %get3A_302 = tpu.vector_load %get3A_299[%get3A_300, %get3A_301] {strides = array<i32>} : memref<8x64xf32, #tpu.memory_space<vmem>>, vector<16xf32>,
      %get3A_303 = arith.constant 3 : i32
      %get3A_304 = arith.constant 0 : i32
      %get3A_305 = tpu.memref_slice %arg8[%multiple_of3A_118, %get3A_304] : memref<256x128xf32, #tpu.memory_space<vmem>> -> memref<8x128xf32, #tpu.memory_space<vmem>>
      %get3A_306 = arith.index_cast %get3A_303 : i32 to index
      %get3A_307 = arith.constant 0 : index
      %get3A_308 = tpu.vector_load %get3A_305[%get3A_306, %get3A_307] {strides = array<i32>} : memref<8x128xf32, #tpu.memory_space<vmem>>, vector<16xf32>,
      %sub3A_309 = arith.subf %get3A_302, %get3A_308 : vector<16xf32>
      %mul3A_310 = arith.mulf %sub3A_309, %sub3A_309 : vector<16xf32>
      %add3A_311 = arith.addf %add3A_296, %mul3A_310 : vector<16xf32>
      %get3A_312 = arith.constant 3 : i32
      %get3A_313 = arith.constant 0 : i32
      %get3A_314 = tpu.memref_slice %arg7[%multiple_of3A_104, %get3A_313] : memref<512x64xf32, #tpu.memory_space<vmem>> -> memref<8x64xf32, #tpu.memory_space<vmem>>
      %get3A_315 = arith.index_cast %get3A_312 : i32 to index
      %get3A_316 = arith.constant 16 : index
      %get3A_317 = tpu.vector_load %get3A_314[%get3A_315, %get3A_316] {strides = array<i32>} : memref<8x64xf32, #tpu.memory_space<vmem>>, vector<16xf32>,
      %get3A_318 = arith.constant 3 : i32
      %get3A_319 = arith.constant 0 : i32
      %get3A_320 = tpu.memref_slice %arg8[%multiple_of3A_118, %get3A_319] : memref<256x128xf32, #tpu.memory_space<vmem>> -> memref<8x128xf32, #tpu.memory_space<vmem>>
      %get3A_321 = arith.index_cast %get3A_318 : i32 to index
      %get3A_322 = arith.constant 16 : index
      %get3A_323 = tpu.vector_load %get3A_320[%get3A_321, %get3A_322] {strides = array<i32>} : memref<8x128xf32, #tpu.memory_space<vmem>>, vector<16xf32>,
      %sub3A_324 = arith.subf %get3A_317, %get3A_323 : vector<16xf32>
      %mul3A_325 = arith.mulf %sub3A_324, %sub3A_324 : vector<16xf32>
      %add3A_326 = arith.addf %add3A_311, %mul3A_325 : vector<16xf32>
      %get3A_327 = arith.constant 3 : i32
      %get3A_328 = arith.constant 0 : i32
      %get3A_329 = tpu.memref_slice %arg7[%multiple_of3A_104, %get3A_328] : memref<512x64xf32, #tpu.memory_space<vmem>> -> memref<8x64xf32, #tpu.memory_space<vmem>>
      %get3A_330 = arith.index_cast %get3A_327 : i32 to index
      %get3A_331 = arith.constant 32 : index
      %get3A_332 = tpu.vector_load %get3A_329[%get3A_330, %get3A_331] {strides = array<i32>} : memref<8x64xf32, #tpu.memory_space<vmem>>, vector<16xf32>,
      %get3A_333 = arith.constant 3 : i32
      %get3A_334 = arith.constant 0 : i32
      %get3A_335 = tpu.memref_slice %arg8[%multiple_of3A_118, %get3A_334] : memref<256x128xf32, #tpu.memory_space<vmem>> -> memref<8x128xf32, #tpu.memory_space<vmem>>
      %get3A_336 = arith.index_cast %get3A_333 : i32 to index
      %get3A_337 = arith.constant 32 : index
      %get3A_338 = tpu.vector_load %get3A_335[%get3A_336, %get3A_337] {strides = array<i32>} : memref<8x128xf32, #tpu.memory_space<vmem>>, vector<16xf32>,
      %sub3A_339 = arith.subf %get3A_332, %get3A_338 : vector<16xf32>
      %mul3A_340 = arith.mulf %sub3A_339, %sub3A_339 : vector<16xf32>
      %add3A_341 = arith.addf %add3A_326, %mul3A_340 : vector<16xf32>
      %get3A_342 = arith.constant 3 : i32
      %get3A_343 = arith.constant 0 : i32
      %get3A_344 = tpu.memref_slice %arg7[%multiple_of3A_104, %get3A_343] : memref<512x64xf32, #tpu.memory_space<vmem>> -> memref<8x64xf32, #tpu.memory_space<vmem>>
      %get3A_345 = arith.index_cast %get3A_342 : i32 to index
      %get3A_346 = arith.constant 48 : index
      %get3A_347 = tpu.vector_load %get3A_344[%get3A_345, %get3A_346] {strides = array<i32>} : memref<8x64xf32, #tpu.memory_space<vmem>>, vector<16xf32>,
      %get3A_348 = arith.constant 3 : i32
      %get3A_349 = arith.constant 0 : i32
      %get3A_350 = tpu.memref_slice %arg8[%multiple_of3A_118, %get3A_349] : memref<256x128xf32, #tpu.memory_space<vmem>> -> memref<8x128xf32, #tpu.memory_space<vmem>>
      %get3A_351 = arith.index_cast %get3A_348 : i32 to index
      %get3A_352 = arith.constant 48 : index
      %get3A_353 = tpu.vector_load %get3A_350[%get3A_351, %get3A_352] {strides = array<i32>} : memref<8x128xf32, #tpu.memory_space<vmem>>, vector<16xf32>,
      %sub3A_354 = arith.subf %get3A_347, %get3A_353 : vector<16xf32>
      %mul3A_355 = arith.mulf %sub3A_354, %sub3A_354 : vector<16xf32>
      %add3A_356 = arith.addf %add3A_341, %mul3A_355 : vector<16xf32>
      %get3A_357 = arith.constant 4 : i32
      %get3A_358 = arith.constant 0 : i32
      %get3A_359 = tpu.memref_slice %arg7[%multiple_of3A_104, %get3A_358] : memref<512x64xf32, #tpu.memory_space<vmem>> -> memref<8x64xf32, #tpu.memory_space<vmem>>
      %get3A_360 = arith.index_cast %get3A_357 : i32 to index
      %get3A_361 = arith.constant 0 : index
      %get3A_362 = tpu.vector_load %get3A_359[%get3A_360, %get3A_361] {strides = array<i32>} : memref<8x64xf32, #tpu.memory_space<vmem>>, vector<16xf32>,
      %get3A_363 = arith.constant 4 : i32
      %get3A_364 = arith.constant 0 : i32
      %get3A_365 = tpu.memref_slice %arg8[%multiple_of3A_118, %get3A_364] : memref<256x128xf32, #tpu.memory_space<vmem>> -> memref<8x128xf32, #tpu.memory_space<vmem>>
      %get3A_366 = arith.index_cast %get3A_363 : i32 to index
      %get3A_367 = arith.constant 0 : index
      %get3A_368 = tpu.vector_load %get3A_365[%get3A_366, %get3A_367] {strides = array<i32>} : memref<8x128xf32, #tpu.memory_space<vmem>>, vector<16xf32>,
      %sub3A_369 = arith.subf %get3A_362, %get3A_368 : vector<16xf32>
      %mul3A_370 = arith.mulf %sub3A_369, %sub3A_369 : vector<16xf32>
      %add3A_371 = arith.addf %add3A_356, %mul3A_370 : vector<16xf32>
      %get3A_372 = arith.constant 4 : i32
      %get3A_373 = arith.constant 0 : i32
      %get3A_374 = tpu.memref_slice %arg7[%multiple_of3A_104, %get3A_373] : memref<512x64xf32, #tpu.memory_space<vmem>> -> memref<8x64xf32, #tpu.memory_space<vmem>>
      %get3A_375 = arith.index_cast %get3A_372 : i32 to index
      %get3A_376 = arith.constant 16 : index
      %get3A_377 = tpu.vector_load %get3A_374[%get3A_375, %get3A_376] {strides = array<i32>} : memref<8x64xf32, #tpu.memory_space<vmem>>, vector<16xf32>,
      %get3A_378 = arith.constant 4 : i32
      %get3A_379 = arith.constant 0 : i32
      %get3A_380 = tpu.memref_slice %arg8[%multiple_of3A_118, %get3A_379] : memref<256x128xf32, #tpu.memory_space<vmem>> -> memref<8x128xf32, #tpu.memory_space<vmem>>
      %get3A_381 = arith.index_cast %get3A_378 : i32 to index
      %get3A_382 = arith.constant 16 : index
      %get3A_383 = tpu.vector_load %get3A_380[%get3A_381, %get3A_382] {strides = array<i32>} : memref<8x128xf32, #tpu.memory_space<vmem>>, vector<16xf32>,
      %sub3A_384 = arith.subf %get3A_377, %get3A_383 : vector<16xf32>
      %mul3A_385 = arith.mulf %sub3A_384, %sub3A_384 : vector<16xf32>
      %add3A_386 = arith.addf %add3A_371, %mul3A_385 : vector<16xf32>
      %get3A_387 = arith.constant 4 : i32
      %get3A_388 = arith.constant 0 : i32
      %get3A_389 = tpu.memref_slice %arg7[%multiple_of3A_104, %get3A_388] : memref<512x64xf32, #tpu.memory_space<vmem>> -> memref<8x64xf32, #tpu.memory_space<vmem>>
      %get3A_390 = arith.index_cast %get3A_387 : i32 to index
      %get3A_391 = arith.constant 32 : index
      %get3A_392 = tpu.vector_load %get3A_389[%get3A_390, %get3A_391] {strides = array<i32>} : memref<8x64xf32, #tpu.memory_space<vmem>>, vector<16xf32>,
      %get3A_393 = arith.constant 4 : i32
      %get3A_394 = arith.constant 0 : i32
      %get3A_395 = tpu.memref_slice %arg8[%multiple_of3A_118, %get3A_394] : memref<256x128xf32, #tpu.memory_space<vmem>> -> memref<8x128xf32, #tpu.memory_space<vmem>>
      %get3A_396 = arith.index_cast %get3A_393 : i32 to index
      %get3A_397 = arith.constant 32 : index
      %get3A_398 = tpu.vector_load %get3A_395[%get3A_396, %get3A_397] {strides = array<i32>} : memref<8x128xf32, #tpu.memory_space<vmem>>, vector<16xf32>,
      %sub3A_399 = arith.subf %get3A_392, %get3A_398 : vector<16xf32>
      %mul3A_400 = arith.mulf %sub3A_399, %sub3A_399 : vector<16xf32>
      %add3A_401 = arith.addf %add3A_386, %mul3A_400 : vector<16xf32>
      %get3A_402 = arith.constant 4 : i32
      %get3A_403 = arith.constant 0 : i32
      %get3A_404 = tpu.memref_slice %arg7[%multiple_of3A_104, %get3A_403] : memref<512x64xf32, #tpu.memory_space<vmem>> -> memref<8x64xf32, #tpu.memory_space<vmem>>
      %get3A_405 = arith.index_cast %get3A_402 : i32 to index
      %get3A_406 = arith.constant 48 : index
      %get3A_407 = tpu.vector_load %get3A_404[%get3A_405, %get3A_406] {strides = array<i32>} : memref<8x64xf32, #tpu.memory_space<vmem>>, vector<16xf32>,
      %get3A_408 = arith.constant 4 : i32
      %get3A_409 = arith.constant 0 : i32
      %get3A_410 = tpu.memref_slice %arg8[%multiple_of3A_118, %get3A_409] : memref<256x128xf32, #tpu.memory_space<vmem>> -> memref<8x128xf32, #tpu.memory_space<vmem>>
      %get3A_411 = arith.index_cast %get3A_408 : i32 to index
      %get3A_412 = arith.constant 48 : index
      %get3A_413 = tpu.vector_load %get3A_410[%get3A_411, %get3A_412] {strides = array<i32>} : memref<8x128xf32, #tpu.memory_space<vmem>>, vector<16xf32>,
      %sub3A_414 = arith.subf %get3A_407, %get3A_413 : vector<16xf32>
      %mul3A_415 = arith.mulf %sub3A_414, %sub3A_414 : vector<16xf32>
      %add3A_416 = arith.addf %add3A_401, %mul3A_415 : vector<16xf32>
      %get3A_417 = arith.constant 5 : i32
      %get3A_418 = arith.constant 0 : i32
      %get3A_419 = tpu.memref_slice %arg7[%multiple_of3A_104, %get3A_418] : memref<512x64xf32, #tpu.memory_space<vmem>> -> memref<8x64xf32, #tpu.memory_space<vmem>>
      %get3A_420 = arith.index_cast %get3A_417 : i32 to index
      %get3A_421 = arith.constant 0 : index
      %get3A_422 = tpu.vector_load %get3A_419[%get3A_420, %get3A_421] {strides = array<i32>} : memref<8x64xf32, #tpu.memory_space<vmem>>, vector<16xf32>,
      %get3A_423 = arith.constant 5 : i32
      %get3A_424 = arith.constant 0 : i32
      %get3A_425 = tpu.memref_slice %arg8[%multiple_of3A_118, %get3A_424] : memref<256x128xf32, #tpu.memory_space<vmem>> -> memref<8x128xf32, #tpu.memory_space<vmem>>
      %get3A_426 = arith.index_cast %get3A_423 : i32 to index
      %get3A_427 = arith.constant 0 : index
      %get3A_428 = tpu.vector_load %get3A_425[%get3A_426, %get3A_427] {strides = array<i32>} : memref<8x128xf32, #tpu.memory_space<vmem>>, vector<16xf32>,
      %sub3A_429 = arith.subf %get3A_422, %get3A_428 : vector<16xf32>
      %mul3A_430 = arith.mulf %sub3A_429, %sub3A_429 : vector<16xf32>
      %add3A_431 = arith.addf %add3A_416, %mul3A_430 : vector<16xf32>
      %get3A_432 = arith.constant 5 : i32
      %get3A_433 = arith.constant 0 : i32
      %get3A_434 = tpu.memref_slice %arg7[%multiple_of3A_104, %get3A_433] : memref<512x64xf32, #tpu.memory_space<vmem>> -> memref<8x64xf32, #tpu.memory_space<vmem>>
      %get3A_435 = arith.index_cast %get3A_432 : i32 to index
      %get3A_436 = arith.constant 16 : index
      %get3A_437 = tpu.vector_load %get3A_434[%get3A_435, %get3A_436] {strides = array<i32>} : memref<8x64xf32, #tpu.memory_space<vmem>>, vector<16xf32>,
      %get3A_438 = arith.constant 5 : i32
      %get3A_439 = arith.constant 0 : i32
      %get3A_440 = tpu.memref_slice %arg8[%multiple_of3A_118, %get3A_439] : memref<256x128xf32, #tpu.memory_space<vmem>> -> memref<8x128xf32, #tpu.memory_space<vmem>>
      %get3A_441 = arith.index_cast %get3A_438 : i32 to index
      %get3A_442 = arith.constant 16 : index
      %get3A_443 = tpu.vector_load %get3A_440[%get3A_441, %get3A_442] {strides = array<i32>} : memref<8x128xf32, #tpu.memory_space<vmem>>, vector<16xf32>,
      %sub3A_444 = arith.subf %get3A_437, %get3A_443 : vector<16xf32>
      %mul3A_445 = arith.mulf %sub3A_444, %sub3A_444 : vector<16xf32>
      %add3A_446 = arith.addf %add3A_431, %mul3A_445 : vector<16xf32>
      %get3A_447 = arith.constant 5 : i32
      %get3A_448 = arith.constant 0 : i32
      %get3A_449 = tpu.memref_slice %arg7[%multiple_of3A_104, %get3A_448] : memref<512x64xf32, #tpu.memory_space<vmem>> -> memref<8x64xf32, #tpu.memory_space<vmem>>
      %get3A_450 = arith.index_cast %get3A_447 : i32 to index
      %get3A_451 = arith.constant 32 : index
      %get3A_452 = tpu.vector_load %get3A_449[%get3A_450, %get3A_451] {strides = array<i32>} : memref<8x64xf32, #tpu.memory_space<vmem>>, vector<16xf32>,
      %get3A_453 = arith.constant 5 : i32
      %get3A_454 = arith.constant 0 : i32
      %get3A_455 = tpu.memref_slice %arg8[%multiple_of3A_118, %get3A_454] : memref<256x128xf32, #tpu.memory_space<vmem>> -> memref<8x128xf32, #tpu.memory_space<vmem>>
      %get3A_456 = arith.index_cast %get3A_453 : i32 to index
      %get3A_457 = arith.constant 32 : index
      %get3A_458 = tpu.vector_load %get3A_455[%get3A_456, %get3A_457] {strides = array<i32>} : memref<8x128xf32, #tpu.memory_space<vmem>>, vector<16xf32>,
      %sub3A_459 = arith.subf %get3A_452, %get3A_458 : vector<16xf32>
      %mul3A_460 = arith.mulf %sub3A_459, %sub3A_459 : vector<16xf32>
      %add3A_461 = arith.addf %add3A_446, %mul3A_460 : vector<16xf32>
      %get3A_462 = arith.constant 5 : i32
      %get3A_463 = arith.constant 0 : i32
      %get3A_464 = tpu.memref_slice %arg7[%multiple_of3A_104, %get3A_463] : memref<512x64xf32, #tpu.memory_space<vmem>> -> memref<8x64xf32, #tpu.memory_space<vmem>>
      %get3A_465 = arith.index_cast %get3A_462 : i32 to index
      %get3A_466 = arith.constant 48 : index
      %get3A_467 = tpu.vector_load %get3A_464[%get3A_465, %get3A_466] {strides = array<i32>} : memref<8x64xf32, #tpu.memory_space<vmem>>, vector<16xf32>,
      %get3A_468 = arith.constant 5 : i32
      %get3A_469 = arith.constant 0 : i32
      %get3A_470 = tpu.memref_slice %arg8[%multiple_of3A_118, %get3A_469] : memref<256x128xf32, #tpu.memory_space<vmem>> -> memref<8x128xf32, #tpu.memory_space<vmem>>
      %get3A_471 = arith.index_cast %get3A_468 : i32 to index
      %get3A_472 = arith.constant 48 : index
      %get3A_473 = tpu.vector_load %get3A_470[%get3A_471, %get3A_472] {strides = array<i32>} : memref<8x128xf32, #tpu.memory_space<vmem>>, vector<16xf32>,
      %sub3A_474 = arith.subf %get3A_467, %get3A_473 : vector<16xf32>
      %mul3A_475 = arith.mulf %sub3A_474, %sub3A_474 : vector<16xf32>
      %add3A_476 = arith.addf %add3A_461, %mul3A_475 : vector<16xf32>
      %get3A_477 = arith.constant 6 : i32
      %get3A_478 = arith.constant 0 : i32
      %get3A_479 = tpu.memref_slice %arg7[%multiple_of3A_104, %get3A_478] : memref<512x64xf32, #tpu.memory_space<vmem>> -> memref<8x64xf32, #tpu.memory_space<vmem>>
      %get3A_480 = arith.index_cast %get3A_477 : i32 to index
      %get3A_481 = arith.constant 0 : index
      %get3A_482 = tpu.vector_load %get3A_479[%get3A_480, %get3A_481] {strides = array<i32>} : memref<8x64xf32, #tpu.memory_space<vmem>>, vector<16xf32>,
      %get3A_483 = arith.constant 6 : i32
      %get3A_484 = arith.constant 0 : i32
      %get3A_485 = tpu.memref_slice %arg8[%multiple_of3A_118, %get3A_484] : memref<256x128xf32, #tpu.memory_space<vmem>> -> memref<8x128xf32, #tpu.memory_space<vmem>>
      %get3A_486 = arith.index_cast %get3A_483 : i32 to index
      %get3A_487 = arith.constant 0 : index
      %get3A_488 = tpu.vector_load %get3A_485[%get3A_486, %get3A_487] {strides = array<i32>} : memref<8x128xf32, #tpu.memory_space<vmem>>, vector<16xf32>,
      %sub3A_489 = arith.subf %get3A_482, %get3A_488 : vector<16xf32>
      %mul3A_490 = arith.mulf %sub3A_489, %sub3A_489 : vector<16xf32>
      %add3A_491 = arith.addf %add3A_476, %mul3A_490 : vector<16xf32>
      %get3A_492 = arith.constant 6 : i32
      %get3A_493 = arith.constant 0 : i32
      %get3A_494 = tpu.memref_slice %arg7[%multiple_of3A_104, %get3A_493] : memref<512x64xf32, #tpu.memory_space<vmem>> -> memref<8x64xf32, #tpu.memory_space<vmem>>
      %get3A_495 = arith.index_cast %get3A_492 : i32 to index
      %get3A_496 = arith.constant 16 : index
      %get3A_497 = tpu.vector_load %get3A_494[%get3A_495, %get3A_496] {strides = array<i32>} : memref<8x64xf32, #tpu.memory_space<vmem>>, vector<16xf32>,
      %get3A_498 = arith.constant 6 : i32
      %get3A_499 = arith.constant 0 : i32
      %get3A_500 = tpu.memref_slice %arg8[%multiple_of3A_118, %get3A_499] : memref<256x128xf32, #tpu.memory_space<vmem>> -> memref<8x128xf32, #tpu.memory_space<vmem>>
      %get3A_501 = arith.index_cast %get3A_498 : i32 to index
      %get3A_502 = arith.constant 16 : index
      %get3A_503 = tpu.vector_load %get3A_500[%get3A_501, %get3A_502] {strides = array<i32>} : memref<8x128xf32, #tpu.memory_space<vmem>>, vector<16xf32>,
      %sub3A_504 = arith.subf %get3A_497, %get3A_503 : vector<16xf32>
      %mul3A_505 = arith.mulf %sub3A_504, %sub3A_504 : vector<16xf32>
      %add3A_506 = arith.addf %add3A_491, %mul3A_505 : vector<16xf32>
      %get3A_507 = arith.constant 6 : i32
      %get3A_508 = arith.constant 0 : i32
      %get3A_509 = tpu.memref_slice %arg7[%multiple_of3A_104, %get3A_508] : memref<512x64xf32, #tpu.memory_space<vmem>> -> memref<8x64xf32, #tpu.memory_space<vmem>>
      %get3A_510 = arith.index_cast %get3A_507 : i32 to index
      %get3A_511 = arith.constant 32 : index
      %get3A_512 = tpu.vector_load %get3A_509[%get3A_510, %get3A_511] {strides = array<i32>} : memref<8x64xf32, #tpu.memory_space<vmem>>, vector<16xf32>,
      %get3A_513 = arith.constant 6 : i32
      %get3A_514 = arith.constant 0 : i32
      %get3A_515 = tpu.memref_slice %arg8[%multiple_of3A_118, %get3A_514] : memref<256x128xf32, #tpu.memory_space<vmem>> -> memref<8x128xf32, #tpu.memory_space<vmem>>
      %get3A_516 = arith.index_cast %get3A_513 : i32 to index
      %get3A_517 = arith.constant 32 : index
      %get3A_518 = tpu.vector_load %get3A_515[%get3A_516, %get3A_517] {strides = array<i32>} : memref<8x128xf32, #tpu.memory_space<vmem>>, vector<16xf32>,
      %sub3A_519 = arith.subf %get3A_512, %get3A_518 : vector<16xf32>
      %mul3A_520 = arith.mulf %sub3A_519, %sub3A_519 : vector<16xf32>
      %add3A_521 = arith.addf %add3A_506, %mul3A_520 : vector<16xf32>
      %get3A_522 = arith.constant 6 : i32
      %get3A_523 = arith.constant 0 : i32
      %get3A_524 = tpu.memref_slice %arg7[%multiple_of3A_104, %get3A_523] : memref<512x64xf32, #tpu.memory_space<vmem>> -> memref<8x64xf32, #tpu.memory_space<vmem>>
      %get3A_525 = arith.index_cast %get3A_522 : i32 to index
      %get3A_526 = arith.constant 48 : index
      %get3A_527 = tpu.vector_load %get3A_524[%get3A_525, %get3A_526] {strides = array<i32>} : memref<8x64xf32, #tpu.memory_space<vmem>>, vector<16xf32>,
      %get3A_528 = arith.constant 6 : i32
      %get3A_529 = arith.constant 0 : i32
      %get3A_530 = tpu.memref_slice %arg8[%multiple_of3A_118, %get3A_529] : memref<256x128xf32, #tpu.memory_space<vmem>> -> memref<8x128xf32, #tpu.memory_space<vmem>>
      %get3A_531 = arith.index_cast %get3A_528 : i32 to index
      %get3A_532 = arith.constant 48 : index
      %get3A_533 = tpu.vector_load %get3A_530[%get3A_531, %get3A_532] {strides = array<i32>} : memref<8x128xf32, #tpu.memory_space<vmem>>, vector<16xf32>,
      %sub3A_534 = arith.subf %get3A_527, %get3A_533 : vector<16xf32>
      %mul3A_535 = arith.mulf %sub3A_534, %sub3A_534 : vector<16xf32>
      %add3A_536 = arith.addf %add3A_521, %mul3A_535 : vector<16xf32>
      %get3A_537 = arith.constant 7 : i32
      %get3A_538 = arith.constant 0 : i32
      %get3A_539 = tpu.memref_slice %arg7[%multiple_of3A_104, %get3A_538] : memref<512x64xf32, #tpu.memory_space<vmem>> -> memref<8x64xf32, #tpu.memory_space<vmem>>
      %get3A_540 = arith.index_cast %get3A_537 : i32 to index
      %get3A_541 = arith.constant 0 : index
      %get3A_542 = tpu.vector_load %get3A_539[%get3A_540, %get3A_541] {strides = array<i32>} : memref<8x64xf32, #tpu.memory_space<vmem>>, vector<16xf32>,
      %get3A_543 = arith.constant 7 : i32
      %get3A_544 = arith.constant 0 : i32
      %get3A_545 = tpu.memref_slice %arg8[%multiple_of3A_118, %get3A_544] : memref<256x128xf32, #tpu.memory_space<vmem>> -> memref<8x128xf32, #tpu.memory_space<vmem>>
      %get3A_546 = arith.index_cast %get3A_543 : i32 to index
      %get3A_547 = arith.constant 0 : index
      %get3A_548 = tpu.vector_load %get3A_545[%get3A_546, %get3A_547] {strides = array<i32>} : memref<8x128xf32, #tpu.memory_space<vmem>>, vector<16xf32>,
      %sub3A_549 = arith.subf %get3A_542, %get3A_548 : vector<16xf32>
      %mul3A_550 = arith.mulf %sub3A_549, %sub3A_549 : vector<16xf32>
      %add3A_551 = arith.addf %add3A_536, %mul3A_550 : vector<16xf32>
      %get3A_552 = arith.constant 7 : i32
      %get3A_553 = arith.constant 0 : i32
      %get3A_554 = tpu.memref_slice %arg7[%multiple_of3A_104, %get3A_553] : memref<512x64xf32, #tpu.memory_space<vmem>> -> memref<8x64xf32, #tpu.memory_space<vmem>>
      %get3A_555 = arith.index_cast %get3A_552 : i32 to index
      %get3A_556 = arith.constant 16 : index
      %get3A_557 = tpu.vector_load %get3A_554[%get3A_555, %get3A_556] {strides = array<i32>} : memref<8x64xf32, #tpu.memory_space<vmem>>, vector<16xf32>,
      %get3A_558 = arith.constant 7 : i32
      %get3A_559 = arith.constant 0 : i32
      %get3A_560 = tpu.memref_slice %arg8[%multiple_of3A_118, %get3A_559] : memref<256x128xf32, #tpu.memory_space<vmem>> -> memref<8x128xf32, #tpu.memory_space<vmem>>
      %get3A_561 = arith.index_cast %get3A_558 : i32 to index
      %get3A_562 = arith.constant 16 : index
      %get3A_563 = tpu.vector_load %get3A_560[%get3A_561, %get3A_562] {strides = array<i32>} : memref<8x128xf32, #tpu.memory_space<vmem>>, vector<16xf32>,
      %sub3A_564 = arith.subf %get3A_557, %get3A_563 : vector<16xf32>
      %mul3A_565 = arith.mulf %sub3A_564, %sub3A_564 : vector<16xf32>
      %add3A_566 = arith.addf %add3A_551, %mul3A_565 : vector<16xf32>
      %get3A_567 = arith.constant 7 : i32
      %get3A_568 = arith.constant 0 : i32
      %get3A_569 = tpu.memref_slice %arg7[%multiple_of3A_104, %get3A_568] : memref<512x64xf32, #tpu.memory_space<vmem>> -> memref<8x64xf32, #tpu.memory_space<vmem>>
      %get3A_570 = arith.index_cast %get3A_567 : i32 to index
      %get3A_571 = arith.constant 32 : index
      %get3A_572 = tpu.vector_load %get3A_569[%get3A_570, %get3A_571] {strides = array<i32>} : memref<8x64xf32, #tpu.memory_space<vmem>>, vector<16xf32>,
      %get3A_573 = arith.constant 7 : i32
      %get3A_574 = arith.constant 0 : i32
      %get3A_575 = tpu.memref_slice %arg8[%multiple_of3A_118, %get3A_574] : memref<256x128xf32, #tpu.memory_space<vmem>> -> memref<8x128xf32, #tpu.memory_space<vmem>>
      %get3A_576 = arith.index_cast %get3A_573 : i32 to index
      %get3A_577 = arith.constant 32 : index
      %get3A_578 = tpu.vector_load %get3A_575[%get3A_576, %get3A_577] {strides = array<i32>} : memref<8x128xf32, #tpu.memory_space<vmem>>, vector<16xf32>,
      %sub3A_579 = arith.subf %get3A_572, %get3A_578 : vector<16xf32>
      %mul3A_580 = arith.mulf %sub3A_579, %sub3A_579 : vector<16xf32>
      %add3A_581 = arith.addf %add3A_566, %mul3A_580 : vector<16xf32>
      %get3A_582 = arith.constant 7 : i32
      %get3A_583 = arith.constant 0 : i32
      %get3A_584 = tpu.memref_slice %arg7[%multiple_of3A_104, %get3A_583] : memref<512x64xf32, #tpu.memory_space<vmem>> -> memref<8x64xf32, #tpu.memory_space<vmem>>
      %get3A_585 = arith.index_cast %get3A_582 : i32 to index
      %get3A_586 = arith.constant 48 : index
      %get3A_587 = tpu.vector_load %get3A_584[%get3A_585, %get3A_586] {strides = array<i32>} : memref<8x64xf32, #tpu.memory_space<vmem>>, vector<16xf32>,
      %get3A_588 = arith.constant 7 : i32
      %get3A_589 = arith.constant 0 : i32
      %get3A_590 = tpu.memref_slice %arg8[%multiple_of3A_118, %get3A_589] : memref<256x128xf32, #tpu.memory_space<vmem>> -> memref<8x128xf32, #tpu.memory_space<vmem>>
      %get3A_591 = arith.index_cast %get3A_588 : i32 to index
      %get3A_592 = arith.constant 48 : index
      %get3A_593 = tpu.vector_load %get3A_590[%get3A_591, %get3A_592] {strides = array<i32>} : memref<8x128xf32, #tpu.memory_space<vmem>>, vector<16xf32>,
      %sub3A_594 = arith.subf %get3A_587, %get3A_593 : vector<16xf32>
      %mul3A_595 = arith.mulf %sub3A_594, %sub3A_594 : vector<16xf32>
      %add3A_596 = arith.addf %add3A_581, %mul3A_595 : vector<16xf32>
      scf.yield %add3A_596 : vector<16xf32>
    }
    %scan3A_38 = arith.constant 16 : i32
    %dma_start3A_39 = arith.constant 0 : i32
    %dma_start3A_40 = arith.constant 0 : i32
    %dma_start3A_41 = tpu.memref_slice %arg8[%dma_start3A_39, %dma_start3A_40] : memref<256x128xf32, #tpu.memory_space<vmem>> -> memref<128x128xf32, #tpu.memory_space<vmem>>
    %dma_start3A_42 = arith.constant 256 : i32
    %dma_start3A_43 = tpu.memref_slice %arg6[%dma_start3A_42] : memref<512xi32, #tpu.memory_space<vmem>> -> memref<128xi32, #tpu.memory_space<vmem>>
    %dma_start3A_44 = arith.constant 0 : i32
    %dma_start3A_45 = arith.constant 0 : i32
    %dma_start3A_46 = tpu.memref_slice %arg4[%dma_start3A_44, %dma_start3A_45] : memref<100000x128xf32, #tpu.memory_space<hbm>> -> memref<100000x128xf32, #tpu.memory_space<hbm>>
    tpu.enqueue_indirect_dma source(%dma_start3A_46 : memref<100000x128xf32, #tpu.memory_space<hbm>>) target(%dma_start3A_41 : memref<128x128xf32, #tpu.memory_space<vmem>>) offsets(%dma_start3A_43 : memref<128xi32, #tpu.memory_space<vmem>>) semaphore(%arg11 : memref<!tpu.dma_semaphore, #tpu.memory_space<semaphore_mem>>)
    %dma_wait3A_47 = arith.constant 128 : i32
    %dma_wait3A_48 = arith.constant 0 : i32
    %dma_wait3A_49 = tpu.memref_slice %arg8[%dma_wait3A_47, %dma_wait3A_48] : memref<256x128xf32, #tpu.memory_space<vmem>> -> memref<128x128xf32, #tpu.memory_space<vmem>>
    %dma_wait3A_50 = arith.constant 128 : i32
    %dma_wait3A_51 = tpu.memref_slice %arg6[%dma_wait3A_50] : memref<512xi32, #tpu.memory_space<vmem>> -> memref<128xi32, #tpu.memory_space<vmem>>
    %dma_wait3A_52 = arith.constant 0 : i32
    %dma_wait3A_53 = arith.constant 0 : i32
    %dma_wait3A_54 = tpu.memref_slice %arg4[%dma_wait3A_52, %dma_wait3A_53] : memref<100000x128xf32, #tpu.memory_space<hbm>> -> memref<100000x128xf32, #tpu.memory_space<hbm>>
    tpu.wait_indirect_dma semaphore(%arg12 : memref<!tpu.dma_semaphore, #tpu.memory_space<semaphore_mem>>) src(%dma_wait3A_54 : memref<100000x128xf32, #tpu.memory_space<hbm>>) dst(%dma_wait3A_49 : memref<128x128xf32, #tpu.memory_space<vmem>>)
    %scan3A_55 = arith.constant 16 : i32
    %scan3A_56 = arith.constant 16 : i32
    %scan3A_57 = arith.addi %scan3A_55, %scan3A_56 : i32
    %scan3A_58 = arith.constant 1 : i32
    %scan3A_59 = scf.for %scan3A_100 = %scan3A_55 to %scan3A_57 step %scan3A_58 iter_args(%scan3A_101 = %scan3A_37) -> (vector<16xf32>)  : i32 {
      %mul3A_102 = arith.constant 8 : i32
      %mul3A_103 = arith.muli %scan3A_100, %mul3A_102 : i32
      %multiple_of3A_104 = tpu.assume_multiple %mul3A_103, 8 : i32
      %jit3A = arith.constant 16 : i32
      %eq3A = arith.constant 0 : i32
      %eq3A_105 = arith.cmpi eq, %jit3A, %eq3A : i32
      %jit3A_106 = arith.constant 1 : i32
      %select_n3A = arith.select %eq3A_105, %jit3A_106, %jit3A : i32
      %rem3A = arith.remsi %scan3A_100, %select_n3A : i32
      %ne3A = arith.constant 0 : i32
      %ne3A_107 = arith.cmpi ne, %rem3A, %ne3A : i32
      %lt3A = arith.constant 0 : i32
      %lt3A_108 = arith.cmpi slt, %rem3A, %lt3A : i32
      %lt3A_109 = arith.constant 0 : i32
      %lt3A_110 = arith.cmpi slt, %select_n3A, %lt3A_109 : i32
      %ne3A_111 = arith.xori %lt3A_108, %lt3A_110 : i1
      %and3A = arith.andi %ne3A_111, %ne3A_107 : i1
      %add3A_112 = arith.addi %rem3A, %select_n3A : i32
      %select_n3A_113 = arith.select %and3A, %add3A_112, %rem3A : i32
      %add3A_114 = arith.constant 16 : i32
      %add3A_115 = arith.addi %add3A_114, %select_n3A_113 : i32
      %mul3A_116 = arith.constant 8 : i32
      %mul3A_117 = arith.muli %add3A_115, %mul3A_116 : i32
      %multiple_of3A_118 = tpu.assume_multiple %mul3A_117, 8 : i32
      %get3A = arith.constant 0 : i32
      %get3A_119 = arith.constant 0 : i32
      %get3A_120 = tpu.memref_slice %arg7[%multiple_of3A_104, %get3A_119] : memref<512x64xf32, #tpu.memory_space<vmem>> -> memref<8x64xf32, #tpu.memory_space<vmem>>
      %get3A_121 = arith.index_cast %get3A : i32 to index
      %get3A_122 = arith.constant 0 : index
      %get3A_123 = tpu.vector_load %get3A_120[%get3A_121, %get3A_122] {strides = array<i32>} : memref<8x64xf32, #tpu.memory_space<vmem>>, vector<16xf32>,
      %get3A_124 = arith.constant 0 : i32
      %get3A_125 = arith.constant 0 : i32
      %get3A_126 = tpu.memref_slice %arg8[%multiple_of3A_118, %get3A_125] : memref<256x128xf32, #tpu.memory_space<vmem>> -> memref<8x128xf32, #tpu.memory_space<vmem>>
      %get3A_127 = arith.index_cast %get3A_124 : i32 to index
      %get3A_128 = arith.constant 0 : index
      %get3A_129 = tpu.vector_load %get3A_126[%get3A_127, %get3A_128] {strides = array<i32>} : memref<8x128xf32, #tpu.memory_space<vmem>>, vector<16xf32>,
      %sub3A = arith.subf %get3A_123, %get3A_129 : vector<16xf32>
      %mul3A_130 = arith.mulf %sub3A, %sub3A : vector<16xf32>
      %add3A_131 = arith.addf %scan3A_101, %mul3A_130 : vector<16xf32>
      %get3A_132 = arith.constant 0 : i32
      %get3A_133 = arith.constant 0 : i32
      %get3A_134 = tpu.memref_slice %arg7[%multiple_of3A_104, %get3A_133] : memref<512x64xf32, #tpu.memory_space<vmem>> -> memref<8x64xf32, #tpu.memory_space<vmem>>
      %get3A_135 = arith.index_cast %get3A_132 : i32 to index
      %get3A_136 = arith.constant 16 : index
      %get3A_137 = tpu.vector_load %get3A_134[%get3A_135, %get3A_136] {strides = array<i32>} : memref<8x64xf32, #tpu.memory_space<vmem>>, vector<16xf32>,
      %get3A_138 = arith.constant 0 : i32
      %get3A_139 = arith.constant 0 : i32
      %get3A_140 = tpu.memref_slice %arg8[%multiple_of3A_118, %get3A_139] : memref<256x128xf32, #tpu.memory_space<vmem>> -> memref<8x128xf32, #tpu.memory_space<vmem>>
      %get3A_141 = arith.index_cast %get3A_138 : i32 to index
      %get3A_142 = arith.constant 16 : index
      %get3A_143 = tpu.vector_load %get3A_140[%get3A_141, %get3A_142] {strides = array<i32>} : memref<8x128xf32, #tpu.memory_space<vmem>>, vector<16xf32>,
      %sub3A_144 = arith.subf %get3A_137, %get3A_143 : vector<16xf32>
      %mul3A_145 = arith.mulf %sub3A_144, %sub3A_144 : vector<16xf32>
      %add3A_146 = arith.addf %add3A_131, %mul3A_145 : vector<16xf32>
      %get3A_147 = arith.constant 0 : i32
      %get3A_148 = arith.constant 0 : i32
      %get3A_149 = tpu.memref_slice %arg7[%multiple_of3A_104, %get3A_148] : memref<512x64xf32, #tpu.memory_space<vmem>> -> memref<8x64xf32, #tpu.memory_space<vmem>>
      %get3A_150 = arith.index_cast %get3A_147 : i32 to index
      %get3A_151 = arith.constant 32 : index
      %get3A_152 = tpu.vector_load %get3A_149[%get3A_150, %get3A_151] {strides = array<i32>} : memref<8x64xf32, #tpu.memory_space<vmem>>, vector<16xf32>,
      %get3A_153 = arith.constant 0 : i32
      %get3A_154 = arith.constant 0 : i32
      %get3A_155 = tpu.memref_slice %arg8[%multiple_of3A_118, %get3A_154] : memref<256x128xf32, #tpu.memory_space<vmem>> -> memref<8x128xf32, #tpu.memory_space<vmem>>
      %get3A_156 = arith.index_cast %get3A_153 : i32 to index
      %get3A_157 = arith.constant 32 : index
      %get3A_158 = tpu.vector_load %get3A_155[%get3A_156, %get3A_157] {strides = array<i32>} : memref<8x128xf32, #tpu.memory_space<vmem>>, vector<16xf32>,
      %sub3A_159 = arith.subf %get3A_152, %get3A_158 : vector<16xf32>
      %mul3A_160 = arith.mulf %sub3A_159, %sub3A_159 : vector<16xf32>
      %add3A_161 = arith.addf %add3A_146, %mul3A_160 : vector<16xf32>
      %get3A_162 = arith.constant 0 : i32
      %get3A_163 = arith.constant 0 : i32
      %get3A_164 = tpu.memref_slice %arg7[%multiple_of3A_104, %get3A_163] : memref<512x64xf32, #tpu.memory_space<vmem>> -> memref<8x64xf32, #tpu.memory_space<vmem>>
      %get3A_165 = arith.index_cast %get3A_162 : i32 to index
      %get3A_166 = arith.constant 48 : index
      %get3A_167 = tpu.vector_load %get3A_164[%get3A_165, %get3A_166] {strides = array<i32>} : memref<8x64xf32, #tpu.memory_space<vmem>>, vector<16xf32>,
      %get3A_168 = arith.constant 0 : i32
      %get3A_169 = arith.constant 0 : i32
      %get3A_170 = tpu.memref_slice %arg8[%multiple_of3A_118, %get3A_169] : memref<256x128xf32, #tpu.memory_space<vmem>> -> memref<8x128xf32, #tpu.memory_space<vmem>>
      %get3A_171 = arith.index_cast %get3A_168 : i32 to index
      %get3A_172 = arith.constant 48 : index
      %get3A_173 = tpu.vector_load %get3A_170[%get3A_171, %get3A_172] {strides = array<i32>} : memref<8x128xf32, #tpu.memory_space<vmem>>, vector<16xf32>,
      %sub3A_174 = arith.subf %get3A_167, %get3A_173 : vector<16xf32>
      %mul3A_175 = arith.mulf %sub3A_174, %sub3A_174 : vector<16xf32>
      %add3A_176 = arith.addf %add3A_161, %mul3A_175 : vector<16xf32>
      %get3A_177 = arith.constant 1 : i32
      %get3A_178 = arith.constant 0 : i32
      %get3A_179 = tpu.memref_slice %arg7[%multiple_of3A_104, %get3A_178] : memref<512x64xf32, #tpu.memory_space<vmem>> -> memref<8x64xf32, #tpu.memory_space<vmem>>
      %get3A_180 = arith.index_cast %get3A_177 : i32 to index
      %get3A_181 = arith.constant 0 : index
      %get3A_182 = tpu.vector_load %get3A_179[%get3A_180, %get3A_181] {strides = array<i32>} : memref<8x64xf32, #tpu.memory_space<vmem>>, vector<16xf32>,
      %get3A_183 = arith.constant 1 : i32
      %get3A_184 = arith.constant 0 : i32
      %get3A_185 = tpu.memref_slice %arg8[%multiple_of3A_118, %get3A_184] : memref<256x128xf32, #tpu.memory_space<vmem>> -> memref<8x128xf32, #tpu.memory_space<vmem>>
      %get3A_186 = arith.index_cast %get3A_183 : i32 to index
      %get3A_187 = arith.constant 0 : index
      %get3A_188 = tpu.vector_load %get3A_185[%get3A_186, %get3A_187] {strides = array<i32>} : memref<8x128xf32, #tpu.memory_space<vmem>>, vector<16xf32>,
      %sub3A_189 = arith.subf %get3A_182, %get3A_188 : vector<16xf32>
      %mul3A_190 = arith.mulf %sub3A_189, %sub3A_189 : vector<16xf32>
      %add3A_191 = arith.addf %add3A_176, %mul3A_190 : vector<16xf32>
      %get3A_192 = arith.constant 1 : i32
      %get3A_193 = arith.constant 0 : i32
      %get3A_194 = tpu.memref_slice %arg7[%multiple_of3A_104, %get3A_193] : memref<512x64xf32, #tpu.memory_space<vmem>> -> memref<8x64xf32, #tpu.memory_space<vmem>>
      %get3A_195 = arith.index_cast %get3A_192 : i32 to index
      %get3A_196 = arith.constant 16 : index
      %get3A_197 = tpu.vector_load %get3A_194[%get3A_195, %get3A_196] {strides = array<i32>} : memref<8x64xf32, #tpu.memory_space<vmem>>, vector<16xf32>,
      %get3A_198 = arith.constant 1 : i32
      %get3A_199 = arith.constant 0 : i32
      %get3A_200 = tpu.memref_slice %arg8[%multiple_of3A_118, %get3A_199] : memref<256x128xf32, #tpu.memory_space<vmem>> -> memref<8x128xf32, #tpu.memory_space<vmem>>
      %get3A_201 = arith.index_cast %get3A_198 : i32 to index
      %get3A_202 = arith.constant 16 : index
      %get3A_203 = tpu.vector_load %get3A_200[%get3A_201, %get3A_202] {strides = array<i32>} : memref<8x128xf32, #tpu.memory_space<vmem>>, vector<16xf32>,
      %sub3A_204 = arith.subf %get3A_197, %get3A_203 : vector<16xf32>
      %mul3A_205 = arith.mulf %sub3A_204, %sub3A_204 : vector<16xf32>
      %add3A_206 = arith.addf %add3A_191, %mul3A_205 : vector<16xf32>
      %get3A_207 = arith.constant 1 : i32
      %get3A_208 = arith.constant 0 : i32
      %get3A_209 = tpu.memref_slice %arg7[%multiple_of3A_104, %get3A_208] : memref<512x64xf32, #tpu.memory_space<vmem>> -> memref<8x64xf32, #tpu.memory_space<vmem>>
      %get3A_210 = arith.index_cast %get3A_207 : i32 to index
      %get3A_211 = arith.constant 32 : index
      %get3A_212 = tpu.vector_load %get3A_209[%get3A_210, %get3A_211] {strides = array<i32>} : memref<8x64xf32, #tpu.memory_space<vmem>>, vector<16xf32>,
      %get3A_213 = arith.constant 1 : i32
      %get3A_214 = arith.constant 0 : i32
      %get3A_215 = tpu.memref_slice %arg8[%multiple_of3A_118, %get3A_214] : memref<256x128xf32, #tpu.memory_space<vmem>> -> memref<8x128xf32, #tpu.memory_space<vmem>>
      %get3A_216 = arith.index_cast %get3A_213 : i32 to index
      %get3A_217 = arith.constant 32 : index
      %get3A_218 = tpu.vector_load %get3A_215[%get3A_216, %get3A_217] {strides = array<i32>} : memref<8x128xf32, #tpu.memory_space<vmem>>, vector<16xf32>,
      %sub3A_219 = arith.subf %get3A_212, %get3A_218 : vector<16xf32>
      %mul3A_220 = arith.mulf %sub3A_219, %sub3A_219 : vector<16xf32>
      %add3A_221 = arith.addf %add3A_206, %mul3A_220 : vector<16xf32>
      %get3A_222 = arith.constant 1 : i32
      %get3A_223 = arith.constant 0 : i32
      %get3A_224 = tpu.memref_slice %arg7[%multiple_of3A_104, %get3A_223] : memref<512x64xf32, #tpu.memory_space<vmem>> -> memref<8x64xf32, #tpu.memory_space<vmem>>
      %get3A_225 = arith.index_cast %get3A_222 : i32 to index
      %get3A_226 = arith.constant 48 : index
      %get3A_227 = tpu.vector_load %get3A_224[%get3A_225, %get3A_226] {strides = array<i32>} : memref<8x64xf32, #tpu.memory_space<vmem>>, vector<16xf32>,
      %get3A_228 = arith.constant 1 : i32
      %get3A_229 = arith.constant 0 : i32
      %get3A_230 = tpu.memref_slice %arg8[%multiple_of3A_118, %get3A_229] : memref<256x128xf32, #tpu.memory_space<vmem>> -> memref<8x128xf32, #tpu.memory_space<vmem>>
      %get3A_231 = arith.index_cast %get3A_228 : i32 to index
      %get3A_232 = arith.constant 48 : index
      %get3A_233 = tpu.vector_load %get3A_230[%get3A_231, %get3A_232] {strides = array<i32>} : memref<8x128xf32, #tpu.memory_space<vmem>>, vector<16xf32>,
      %sub3A_234 = arith.subf %get3A_227, %get3A_233 : vector<16xf32>
      %mul3A_235 = arith.mulf %sub3A_234, %sub3A_234 : vector<16xf32>
      %add3A_236 = arith.addf %add3A_221, %mul3A_235 : vector<16xf32>
      %get3A_237 = arith.constant 2 : i32
      %get3A_238 = arith.constant 0 : i32
      %get3A_239 = tpu.memref_slice %arg7[%multiple_of3A_104, %get3A_238] : memref<512x64xf32, #tpu.memory_space<vmem>> -> memref<8x64xf32, #tpu.memory_space<vmem>>
      %get3A_240 = arith.index_cast %get3A_237 : i32 to index
      %get3A_241 = arith.constant 0 : index
      %get3A_242 = tpu.vector_load %get3A_239[%get3A_240, %get3A_241] {strides = array<i32>} : memref<8x64xf32, #tpu.memory_space<vmem>>, vector<16xf32>,
      %get3A_243 = arith.constant 2 : i32
      %get3A_244 = arith.constant 0 : i32
      %get3A_245 = tpu.memref_slice %arg8[%multiple_of3A_118, %get3A_244] : memref<256x128xf32, #tpu.memory_space<vmem>> -> memref<8x128xf32, #tpu.memory_space<vmem>>
      %get3A_246 = arith.index_cast %get3A_243 : i32 to index
      %get3A_247 = arith.constant 0 : index
      %get3A_248 = tpu.vector_load %get3A_245[%get3A_246, %get3A_247] {strides = array<i32>} : memref<8x128xf32, #tpu.memory_space<vmem>>, vector<16xf32>,
      %sub3A_249 = arith.subf %get3A_242, %get3A_248 : vector<16xf32>
      %mul3A_250 = arith.mulf %sub3A_249, %sub3A_249 : vector<16xf32>
      %add3A_251 = arith.addf %add3A_236, %mul3A_250 : vector<16xf32>
      %get3A_252 = arith.constant 2 : i32
      %get3A_253 = arith.constant 0 : i32
      %get3A_254 = tpu.memref_slice %arg7[%multiple_of3A_104, %get3A_253] : memref<512x64xf32, #tpu.memory_space<vmem>> -> memref<8x64xf32, #tpu.memory_space<vmem>>
      %get3A_255 = arith.index_cast %get3A_252 : i32 to index
      %get3A_256 = arith.constant 16 : index
      %get3A_257 = tpu.vector_load %get3A_254[%get3A_255, %get3A_256] {strides = array<i32>} : memref<8x64xf32, #tpu.memory_space<vmem>>, vector<16xf32>,
      %get3A_258 = arith.constant 2 : i32
      %get3A_259 = arith.constant 0 : i32
      %get3A_260 = tpu.memref_slice %arg8[%multiple_of3A_118, %get3A_259] : memref<256x128xf32, #tpu.memory_space<vmem>> -> memref<8x128xf32, #tpu.memory_space<vmem>>
      %get3A_261 = arith.index_cast %get3A_258 : i32 to index
      %get3A_262 = arith.constant 16 : index
      %get3A_263 = tpu.vector_load %get3A_260[%get3A_261, %get3A_262] {strides = array<i32>} : memref<8x128xf32, #tpu.memory_space<vmem>>, vector<16xf32>,
      %sub3A_264 = arith.subf %get3A_257, %get3A_263 : vector<16xf32>
      %mul3A_265 = arith.mulf %sub3A_264, %sub3A_264 : vector<16xf32>
      %add3A_266 = arith.addf %add3A_251, %mul3A_265 : vector<16xf32>
      %get3A_267 = arith.constant 2 : i32
      %get3A_268 = arith.constant 0 : i32
      %get3A_269 = tpu.memref_slice %arg7[%multiple_of3A_104, %get3A_268] : memref<512x64xf32, #tpu.memory_space<vmem>> -> memref<8x64xf32, #tpu.memory_space<vmem>>
      %get3A_270 = arith.index_cast %get3A_267 : i32 to index
      %get3A_271 = arith.constant 32 : index
      %get3A_272 = tpu.vector_load %get3A_269[%get3A_270, %get3A_271] {strides = array<i32>} : memref<8x64xf32, #tpu.memory_space<vmem>>, vector<16xf32>,
      %get3A_273 = arith.constant 2 : i32
      %get3A_274 = arith.constant 0 : i32
      %get3A_275 = tpu.memref_slice %arg8[%multiple_of3A_118, %get3A_274] : memref<256x128xf32, #tpu.memory_space<vmem>> -> memref<8x128xf32, #tpu.memory_space<vmem>>
      %get3A_276 = arith.index_cast %get3A_273 : i32 to index
      %get3A_277 = arith.constant 32 : index
      %get3A_278 = tpu.vector_load %get3A_275[%get3A_276, %get3A_277] {strides = array<i32>} : memref<8x128xf32, #tpu.memory_space<vmem>>, vector<16xf32>,
      %sub3A_279 = arith.subf %get3A_272, %get3A_278 : vector<16xf32>
      %mul3A_280 = arith.mulf %sub3A_279, %sub3A_279 : vector<16xf32>
      %add3A_281 = arith.addf %add3A_266, %mul3A_280 : vector<16xf32>
      %get3A_282 = arith.constant 2 : i32
      %get3A_283 = arith.constant 0 : i32
      %get3A_284 = tpu.memref_slice %arg7[%multiple_of3A_104, %get3A_283] : memref<512x64xf32, #tpu.memory_space<vmem>> -> memref<8x64xf32, #tpu.memory_space<vmem>>
      %get3A_285 = arith.index_cast %get3A_282 : i32 to index
      %get3A_286 = arith.constant 48 : index
      %get3A_287 = tpu.vector_load %get3A_284[%get3A_285, %get3A_286] {strides = array<i32>} : memref<8x64xf32, #tpu.memory_space<vmem>>, vector<16xf32>,
      %get3A_288 = arith.constant 2 : i32
      %get3A_289 = arith.constant 0 : i32
      %get3A_290 = tpu.memref_slice %arg8[%multiple_of3A_118, %get3A_289] : memref<256x128xf32, #tpu.memory_space<vmem>> -> memref<8x128xf32, #tpu.memory_space<vmem>>
      %get3A_291 = arith.index_cast %get3A_288 : i32 to index
      %get3A_292 = arith.constant 48 : index
      %get3A_293 = tpu.vector_load %get3A_290[%get3A_291, %get3A_292] {strides = array<i32>} : memref<8x128xf32, #tpu.memory_space<vmem>>, vector<16xf32>,
      %sub3A_294 = arith.subf %get3A_287, %get3A_293 : vector<16xf32>
      %mul3A_295 = arith.mulf %sub3A_294, %sub3A_294 : vector<16xf32>
      %add3A_296 = arith.addf %add3A_281, %mul3A_295 : vector<16xf32>
      %get3A_297 = arith.constant 3 : i32
      %get3A_298 = arith.constant 0 : i32
      %get3A_299 = tpu.memref_slice %arg7[%multiple_of3A_104, %get3A_298] : memref<512x64xf32, #tpu.memory_space<vmem>> -> memref<8x64xf32, #tpu.memory_space<vmem>>
      %get3A_300 = arith.index_cast %get3A_297 : i32 to index
      %get3A_301 = arith.constant 0 : index
      %get3A_302 = tpu.vector_load %get3A_299[%get3A_300, %get3A_301] {strides = array<i32>} : memref<8x64xf32, #tpu.memory_space<vmem>>, vector<16xf32>,
      %get3A_303 = arith.constant 3 : i32
      %get3A_304 = arith.constant 0 : i32
      %get3A_305 = tpu.memref_slice %arg8[%multiple_of3A_118, %get3A_304] : memref<256x128xf32, #tpu.memory_space<vmem>> -> memref<8x128xf32, #tpu.memory_space<vmem>>
      %get3A_306 = arith.index_cast %get3A_303 : i32 to index
      %get3A_307 = arith.constant 0 : index
      %get3A_308 = tpu.vector_load %get3A_305[%get3A_306, %get3A_307] {strides = array<i32>} : memref<8x128xf32, #tpu.memory_space<vmem>>, vector<16xf32>,
      %sub3A_309 = arith.subf %get3A_302, %get3A_308 : vector<16xf32>
      %mul3A_310 = arith.mulf %sub3A_309, %sub3A_309 : vector<16xf32>
      %add3A_311 = arith.addf %add3A_296, %mul3A_310 : vector<16xf32>
      %get3A_312 = arith.constant 3 : i32
      %get3A_313 = arith.constant 0 : i32
      %get3A_314 = tpu.memref_slice %arg7[%multiple_of3A_104, %get3A_313] : memref<512x64xf32, #tpu.memory_space<vmem>> -> memref<8x64xf32, #tpu.memory_space<vmem>>
      %get3A_315 = arith.index_cast %get3A_312 : i32 to index
      %get3A_316 = arith.constant 16 : index
      %get3A_317 = tpu.vector_load %get3A_314[%get3A_315, %get3A_316] {strides = array<i32>} : memref<8x64xf32, #tpu.memory_space<vmem>>, vector<16xf32>,
      %get3A_318 = arith.constant 3 : i32
      %get3A_319 = arith.constant 0 : i32
      %get3A_320 = tpu.memref_slice %arg8[%multiple_of3A_118, %get3A_319] : memref<256x128xf32, #tpu.memory_space<vmem>> -> memref<8x128xf32, #tpu.memory_space<vmem>>
      %get3A_321 = arith.index_cast %get3A_318 : i32 to index
      %get3A_322 = arith.constant 16 : index
      %get3A_323 = tpu.vector_load %get3A_320[%get3A_321, %get3A_322] {strides = array<i32>} : memref<8x128xf32, #tpu.memory_space<vmem>>, vector<16xf32>,
      %sub3A_324 = arith.subf %get3A_317, %get3A_323 : vector<16xf32>
      %mul3A_325 = arith.mulf %sub3A_324, %sub3A_324 : vector<16xf32>
      %add3A_326 = arith.addf %add3A_311, %mul3A_325 : vector<16xf32>
      %get3A_327 = arith.constant 3 : i32
      %get3A_328 = arith.constant 0 : i32
      %get3A_329 = tpu.memref_slice %arg7[%multiple_of3A_104, %get3A_328] : memref<512x64xf32, #tpu.memory_space<vmem>> -> memref<8x64xf32, #tpu.memory_space<vmem>>
      %get3A_330 = arith.index_cast %get3A_327 : i32 to index
      %get3A_331 = arith.constant 32 : index
      %get3A_332 = tpu.vector_load %get3A_329[%get3A_330, %get3A_331] {strides = array<i32>} : memref<8x64xf32, #tpu.memory_space<vmem>>, vector<16xf32>,
      %get3A_333 = arith.constant 3 : i32
      %get3A_334 = arith.constant 0 : i32
      %get3A_335 = tpu.memref_slice %arg8[%multiple_of3A_118, %get3A_334] : memref<256x128xf32, #tpu.memory_space<vmem>> -> memref<8x128xf32, #tpu.memory_space<vmem>>
      %get3A_336 = arith.index_cast %get3A_333 : i32 to index
      %get3A_337 = arith.constant 32 : index
      %get3A_338 = tpu.vector_load %get3A_335[%get3A_336, %get3A_337] {strides = array<i32>} : memref<8x128xf32, #tpu.memory_space<vmem>>, vector<16xf32>,
      %sub3A_339 = arith.subf %get3A_332, %get3A_338 : vector<16xf32>
      %mul3A_340 = arith.mulf %sub3A_339, %sub3A_339 : vector<16xf32>
      %add3A_341 = arith.addf %add3A_326, %mul3A_340 : vector<16xf32>
      %get3A_342 = arith.constant 3 : i32
      %get3A_343 = arith.constant 0 : i32
      %get3A_344 = tpu.memref_slice %arg7[%multiple_of3A_104, %get3A_343] : memref<512x64xf32, #tpu.memory_space<vmem>> -> memref<8x64xf32, #tpu.memory_space<vmem>>
      %get3A_345 = arith.index_cast %get3A_342 : i32 to index
      %get3A_346 = arith.constant 48 : index
      %get3A_347 = tpu.vector_load %get3A_344[%get3A_345, %get3A_346] {strides = array<i32>} : memref<8x64xf32, #tpu.memory_space<vmem>>, vector<16xf32>,
      %get3A_348 = arith.constant 3 : i32
      %get3A_349 = arith.constant 0 : i32
      %get3A_350 = tpu.memref_slice %arg8[%multiple_of3A_118, %get3A_349] : memref<256x128xf32, #tpu.memory_space<vmem>> -> memref<8x128xf32, #tpu.memory_space<vmem>>
      %get3A_351 = arith.index_cast %get3A_348 : i32 to index
      %get3A_352 = arith.constant 48 : index
      %get3A_353 = tpu.vector_load %get3A_350[%get3A_351, %get3A_352] {strides = array<i32>} : memref<8x128xf32, #tpu.memory_space<vmem>>, vector<16xf32>,
      %sub3A_354 = arith.subf %get3A_347, %get3A_353 : vector<16xf32>
      %mul3A_355 = arith.mulf %sub3A_354, %sub3A_354 : vector<16xf32>
      %add3A_356 = arith.addf %add3A_341, %mul3A_355 : vector<16xf32>
      %get3A_357 = arith.constant 4 : i32
      %get3A_358 = arith.constant 0 : i32
      %get3A_359 = tpu.memref_slice %arg7[%multiple_of3A_104, %get3A_358] : memref<512x64xf32, #tpu.memory_space<vmem>> -> memref<8x64xf32, #tpu.memory_space<vmem>>
      %get3A_360 = arith.index_cast %get3A_357 : i32 to index
      %get3A_361 = arith.constant 0 : index
      %get3A_362 = tpu.vector_load %get3A_359[%get3A_360, %get3A_361] {strides = array<i32>} : memref<8x64xf32, #tpu.memory_space<vmem>>, vector<16xf32>,
      %get3A_363 = arith.constant 4 : i32
      %get3A_364 = arith.constant 0 : i32
      %get3A_365 = tpu.memref_slice %arg8[%multiple_of3A_118, %get3A_364] : memref<256x128xf32, #tpu.memory_space<vmem>> -> memref<8x128xf32, #tpu.memory_space<vmem>>
      %get3A_366 = arith.index_cast %get3A_363 : i32 to index
      %get3A_367 = arith.constant 0 : index
      %get3A_368 = tpu.vector_load %get3A_365[%get3A_366, %get3A_367] {strides = array<i32>} : memref<8x128xf32, #tpu.memory_space<vmem>>, vector<16xf32>,
      %sub3A_369 = arith.subf %get3A_362, %get3A_368 : vector<16xf32>
      %mul3A_370 = arith.mulf %sub3A_369, %sub3A_369 : vector<16xf32>
      %add3A_371 = arith.addf %add3A_356, %mul3A_370 : vector<16xf32>
      %get3A_372 = arith.constant 4 : i32
      %get3A_373 = arith.constant 0 : i32
      %get3A_374 = tpu.memref_slice %arg7[%multiple_of3A_104, %get3A_373] : memref<512x64xf32, #tpu.memory_space<vmem>> -> memref<8x64xf32, #tpu.memory_space<vmem>>
      %get3A_375 = arith.index_cast %get3A_372 : i32 to index
      %get3A_376 = arith.constant 16 : index
      %get3A_377 = tpu.vector_load %get3A_374[%get3A_375, %get3A_376] {strides = array<i32>} : memref<8x64xf32, #tpu.memory_space<vmem>>, vector<16xf32>,
      %get3A_378 = arith.constant 4 : i32
      %get3A_379 = arith.constant 0 : i32
      %get3A_380 = tpu.memref_slice %arg8[%multiple_of3A_118, %get3A_379] : memref<256x128xf32, #tpu.memory_space<vmem>> -> memref<8x128xf32, #tpu.memory_space<vmem>>
      %get3A_381 = arith.index_cast %get3A_378 : i32 to index
      %get3A_382 = arith.constant 16 : index
      %get3A_383 = tpu.vector_load %get3A_380[%get3A_381, %get3A_382] {strides = array<i32>} : memref<8x128xf32, #tpu.memory_space<vmem>>, vector<16xf32>,
      %sub3A_384 = arith.subf %get3A_377, %get3A_383 : vector<16xf32>
      %mul3A_385 = arith.mulf %sub3A_384, %sub3A_384 : vector<16xf32>
      %add3A_386 = arith.addf %add3A_371, %mul3A_385 : vector<16xf32>
      %get3A_387 = arith.constant 4 : i32
      %get3A_388 = arith.constant 0 : i32
      %get3A_389 = tpu.memref_slice %arg7[%multiple_of3A_104, %get3A_388] : memref<512x64xf32, #tpu.memory_space<vmem>> -> memref<8x64xf32, #tpu.memory_space<vmem>>
      %get3A_390 = arith.index_cast %get3A_387 : i32 to index
      %get3A_391 = arith.constant 32 : index
      %get3A_392 = tpu.vector_load %get3A_389[%get3A_390, %get3A_391] {strides = array<i32>} : memref<8x64xf32, #tpu.memory_space<vmem>>, vector<16xf32>,
      %get3A_393 = arith.constant 4 : i32
      %get3A_394 = arith.constant 0 : i32
      %get3A_395 = tpu.memref_slice %arg8[%multiple_of3A_118, %get3A_394] : memref<256x128xf32, #tpu.memory_space<vmem>> -> memref<8x128xf32, #tpu.memory_space<vmem>>
      %get3A_396 = arith.index_cast %get3A_393 : i32 to index
      %get3A_397 = arith.constant 32 : index
      %get3A_398 = tpu.vector_load %get3A_395[%get3A_396, %get3A_397] {strides = array<i32>} : memref<8x128xf32, #tpu.memory_space<vmem>>, vector<16xf32>,
      %sub3A_399 = arith.subf %get3A_392, %get3A_398 : vector<16xf32>
      %mul3A_400 = arith.mulf %sub3A_399, %sub3A_399 : vector<16xf32>
      %add3A_401 = arith.addf %add3A_386, %mul3A_400 : vector<16xf32>
      %get3A_402 = arith.constant 4 : i32
      %get3A_403 = arith.constant 0 : i32
      %get3A_404 = tpu.memref_slice %arg7[%multiple_of3A_104, %get3A_403] : memref<512x64xf32, #tpu.memory_space<vmem>> -> memref<8x64xf32, #tpu.memory_space<vmem>>
      %get3A_405 = arith.index_cast %get3A_402 : i32 to index
      %get3A_406 = arith.constant 48 : index
      %get3A_407 = tpu.vector_load %get3A_404[%get3A_405, %get3A_406] {strides = array<i32>} : memref<8x64xf32, #tpu.memory_space<vmem>>, vector<16xf32>,
      %get3A_408 = arith.constant 4 : i32
      %get3A_409 = arith.constant 0 : i32
      %get3A_410 = tpu.memref_slice %arg8[%multiple_of3A_118, %get3A_409] : memref<256x128xf32, #tpu.memory_space<vmem>> -> memref<8x128xf32, #tpu.memory_space<vmem>>
      %get3A_411 = arith.index_cast %get3A_408 : i32 to index
      %get3A_412 = arith.constant 48 : index
      %get3A_413 = tpu.vector_load %get3A_410[%get3A_411, %get3A_412] {strides = array<i32>} : memref<8x128xf32, #tpu.memory_space<vmem>>, vector<16xf32>,
      %sub3A_414 = arith.subf %get3A_407, %get3A_413 : vector<16xf32>
      %mul3A_415 = arith.mulf %sub3A_414, %sub3A_414 : vector<16xf32>
      %add3A_416 = arith.addf %add3A_401, %mul3A_415 : vector<16xf32>
      %get3A_417 = arith.constant 5 : i32
      %get3A_418 = arith.constant 0 : i32
      %get3A_419 = tpu.memref_slice %arg7[%multiple_of3A_104, %get3A_418] : memref<512x64xf32, #tpu.memory_space<vmem>> -> memref<8x64xf32, #tpu.memory_space<vmem>>
      %get3A_420 = arith.index_cast %get3A_417 : i32 to index
      %get3A_421 = arith.constant 0 : index
      %get3A_422 = tpu.vector_load %get3A_419[%get3A_420, %get3A_421] {strides = array<i32>} : memref<8x64xf32, #tpu.memory_space<vmem>>, vector<16xf32>,
      %get3A_423 = arith.constant 5 : i32
      %get3A_424 = arith.constant 0 : i32
      %get3A_425 = tpu.memref_slice %arg8[%multiple_of3A_118, %get3A_424] : memref<256x128xf32, #tpu.memory_space<vmem>> -> memref<8x128xf32, #tpu.memory_space<vmem>>
      %get3A_426 = arith.index_cast %get3A_423 : i32 to index
      %get3A_427 = arith.constant 0 : index
      %get3A_428 = tpu.vector_load %get3A_425[%get3A_426, %get3A_427] {strides = array<i32>} : memref<8x128xf32, #tpu.memory_space<vmem>>, vector<16xf32>,
      %sub3A_429 = arith.subf %get3A_422, %get3A_428 : vector<16xf32>
      %mul3A_430 = arith.mulf %sub3A_429, %sub3A_429 : vector<16xf32>
      %add3A_431 = arith.addf %add3A_416, %mul3A_430 : vector<16xf32>
      %get3A_432 = arith.constant 5 : i32
      %get3A_433 = arith.constant 0 : i32
      %get3A_434 = tpu.memref_slice %arg7[%multiple_of3A_104, %get3A_433] : memref<512x64xf32, #tpu.memory_space<vmem>> -> memref<8x64xf32, #tpu.memory_space<vmem>>
      %get3A_435 = arith.index_cast %get3A_432 : i32 to index
      %get3A_436 = arith.constant 16 : index
      %get3A_437 = tpu.vector_load %get3A_434[%get3A_435, %get3A_436] {strides = array<i32>} : memref<8x64xf32, #tpu.memory_space<vmem>>, vector<16xf32>,
      %get3A_438 = arith.constant 5 : i32
      %get3A_439 = arith.constant 0 : i32
      %get3A_440 = tpu.memref_slice %arg8[%multiple_of3A_118, %get3A_439] : memref<256x128xf32, #tpu.memory_space<vmem>> -> memref<8x128xf32, #tpu.memory_space<vmem>>
      %get3A_441 = arith.index_cast %get3A_438 : i32 to index
      %get3A_442 = arith.constant 16 : index
      %get3A_443 = tpu.vector_load %get3A_440[%get3A_441, %get3A_442] {strides = array<i32>} : memref<8x128xf32, #tpu.memory_space<vmem>>, vector<16xf32>,
      %sub3A_444 = arith.subf %get3A_437, %get3A_443 : vector<16xf32>
      %mul3A_445 = arith.mulf %sub3A_444, %sub3A_444 : vector<16xf32>
      %add3A_446 = arith.addf %add3A_431, %mul3A_445 : vector<16xf32>
      %get3A_447 = arith.constant 5 : i32
      %get3A_448 = arith.constant 0 : i32
      %get3A_449 = tpu.memref_slice %arg7[%multiple_of3A_104, %get3A_448] : memref<512x64xf32, #tpu.memory_space<vmem>> -> memref<8x64xf32, #tpu.memory_space<vmem>>
      %get3A_450 = arith.index_cast %get3A_447 : i32 to index
      %get3A_451 = arith.constant 32 : index
      %get3A_452 = tpu.vector_load %get3A_449[%get3A_450, %get3A_451] {strides = array<i32>} : memref<8x64xf32, #tpu.memory_space<vmem>>, vector<16xf32>,
      %get3A_453 = arith.constant 5 : i32
      %get3A_454 = arith.constant 0 : i32
      %get3A_455 = tpu.memref_slice %arg8[%multiple_of3A_118, %get3A_454] : memref<256x128xf32, #tpu.memory_space<vmem>> -> memref<8x128xf32, #tpu.memory_space<vmem>>
      %get3A_456 = arith.index_cast %get3A_453 : i32 to index
      %get3A_457 = arith.constant 32 : index
      %get3A_458 = tpu.vector_load %get3A_455[%get3A_456, %get3A_457] {strides = array<i32>} : memref<8x128xf32, #tpu.memory_space<vmem>>, vector<16xf32>,
      %sub3A_459 = arith.subf %get3A_452, %get3A_458 : vector<16xf32>
      %mul3A_460 = arith.mulf %sub3A_459, %sub3A_459 : vector<16xf32>
      %add3A_461 = arith.addf %add3A_446, %mul3A_460 : vector<16xf32>
      %get3A_462 = arith.constant 5 : i32
      %get3A_463 = arith.constant 0 : i32
      %get3A_464 = tpu.memref_slice %arg7[%multiple_of3A_104, %get3A_463] : memref<512x64xf32, #tpu.memory_space<vmem>> -> memref<8x64xf32, #tpu.memory_space<vmem>>
      %get3A_465 = arith.index_cast %get3A_462 : i32 to index
      %get3A_466 = arith.constant 48 : index
      %get3A_467 = tpu.vector_load %get3A_464[%get3A_465, %get3A_466] {strides = array<i32>} : memref<8x64xf32, #tpu.memory_space<vmem>>, vector<16xf32>,
      %get3A_468 = arith.constant 5 : i32
      %get3A_469 = arith.constant 0 : i32
      %get3A_470 = tpu.memref_slice %arg8[%multiple_of3A_118, %get3A_469] : memref<256x128xf32, #tpu.memory_space<vmem>> -> memref<8x128xf32, #tpu.memory_space<vmem>>
      %get3A_471 = arith.index_cast %get3A_468 : i32 to index
      %get3A_472 = arith.constant 48 : index
      %get3A_473 = tpu.vector_load %get3A_470[%get3A_471, %get3A_472] {strides = array<i32>} : memref<8x128xf32, #tpu.memory_space<vmem>>, vector<16xf32>,
      %sub3A_474 = arith.subf %get3A_467, %get3A_473 : vector<16xf32>
      %mul3A_475 = arith.mulf %sub3A_474, %sub3A_474 : vector<16xf32>
      %add3A_476 = arith.addf %add3A_461, %mul3A_475 : vector<16xf32>
      %get3A_477 = arith.constant 6 : i32
      %get3A_478 = arith.constant 0 : i32
      %get3A_479 = tpu.memref_slice %arg7[%multiple_of3A_104, %get3A_478] : memref<512x64xf32, #tpu.memory_space<vmem>> -> memref<8x64xf32, #tpu.memory_space<vmem>>
      %get3A_480 = arith.index_cast %get3A_477 : i32 to index
      %get3A_481 = arith.constant 0 : index
      %get3A_482 = tpu.vector_load %get3A_479[%get3A_480, %get3A_481] {strides = array<i32>} : memref<8x64xf32, #tpu.memory_space<vmem>>, vector<16xf32>,
      %get3A_483 = arith.constant 6 : i32
      %get3A_484 = arith.constant 0 : i32
      %get3A_485 = tpu.memref_slice %arg8[%multiple_of3A_118, %get3A_484] : memref<256x128xf32, #tpu.memory_space<vmem>> -> memref<8x128xf32, #tpu.memory_space<vmem>>
      %get3A_486 = arith.index_cast %get3A_483 : i32 to index
      %get3A_487 = arith.constant 0 : index
      %get3A_488 = tpu.vector_load %get3A_485[%get3A_486, %get3A_487] {strides = array<i32>} : memref<8x128xf32, #tpu.memory_space<vmem>>, vector<16xf32>,
      %sub3A_489 = arith.subf %get3A_482, %get3A_488 : vector<16xf32>
      %mul3A_490 = arith.mulf %sub3A_489, %sub3A_489 : vector<16xf32>
      %add3A_491 = arith.addf %add3A_476, %mul3A_490 : vector<16xf32>
      %get3A_492 = arith.constant 6 : i32
      %get3A_493 = arith.constant 0 : i32
      %get3A_494 = tpu.memref_slice %arg7[%multiple_of3A_104, %get3A_493] : memref<512x64xf32, #tpu.memory_space<vmem>> -> memref<8x64xf32, #tpu.memory_space<vmem>>
      %get3A_495 = arith.index_cast %get3A_492 : i32 to index
      %get3A_496 = arith.constant 16 : index
      %get3A_497 = tpu.vector_load %get3A_494[%get3A_495, %get3A_496] {strides = array<i32>} : memref<8x64xf32, #tpu.memory_space<vmem>>, vector<16xf32>,
      %get3A_498 = arith.constant 6 : i32
      %get3A_499 = arith.constant 0 : i32
      %get3A_500 = tpu.memref_slice %arg8[%multiple_of3A_118, %get3A_499] : memref<256x128xf32, #tpu.memory_space<vmem>> -> memref<8x128xf32, #tpu.memory_space<vmem>>
      %get3A_501 = arith.index_cast %get3A_498 : i32 to index
      %get3A_502 = arith.constant 16 : index
      %get3A_503 = tpu.vector_load %get3A_500[%get3A_501, %get3A_502] {strides = array<i32>} : memref<8x128xf32, #tpu.memory_space<vmem>>, vector<16xf32>,
      %sub3A_504 = arith.subf %get3A_497, %get3A_503 : vector<16xf32>
      %mul3A_505 = arith.mulf %sub3A_504, %sub3A_504 : vector<16xf32>
      %add3A_506 = arith.addf %add3A_491, %mul3A_505 : vector<16xf32>
      %get3A_507 = arith.constant 6 : i32
      %get3A_508 = arith.constant 0 : i32
      %get3A_509 = tpu.memref_slice %arg7[%multiple_of3A_104, %get3A_508] : memref<512x64xf32, #tpu.memory_space<vmem>> -> memref<8x64xf32, #tpu.memory_space<vmem>>
      %get3A_510 = arith.index_cast %get3A_507 : i32 to index
      %get3A_511 = arith.constant 32 : index
      %get3A_512 = tpu.vector_load %get3A_509[%get3A_510, %get3A_511] {strides = array<i32>} : memref<8x64xf32, #tpu.memory_space<vmem>>, vector<16xf32>,
      %get3A_513 = arith.constant 6 : i32
      %get3A_514 = arith.constant 0 : i32
      %get3A_515 = tpu.memref_slice %arg8[%multiple_of3A_118, %get3A_514] : memref<256x128xf32, #tpu.memory_space<vmem>> -> memref<8x128xf32, #tpu.memory_space<vmem>>
      %get3A_516 = arith.index_cast %get3A_513 : i32 to index
      %get3A_517 = arith.constant 32 : index
      %get3A_518 = tpu.vector_load %get3A_515[%get3A_516, %get3A_517] {strides = array<i32>} : memref<8x128xf32, #tpu.memory_space<vmem>>, vector<16xf32>,
      %sub3A_519 = arith.subf %get3A_512, %get3A_518 : vector<16xf32>
      %mul3A_520 = arith.mulf %sub3A_519, %sub3A_519 : vector<16xf32>
      %add3A_521 = arith.addf %add3A_506, %mul3A_520 : vector<16xf32>
      %get3A_522 = arith.constant 6 : i32
      %get3A_523 = arith.constant 0 : i32
      %get3A_524 = tpu.memref_slice %arg7[%multiple_of3A_104, %get3A_523] : memref<512x64xf32, #tpu.memory_space<vmem>> -> memref<8x64xf32, #tpu.memory_space<vmem>>
      %get3A_525 = arith.index_cast %get3A_522 : i32 to index
      %get3A_526 = arith.constant 48 : index
      %get3A_527 = tpu.vector_load %get3A_524[%get3A_525, %get3A_526] {strides = array<i32>} : memref<8x64xf32, #tpu.memory_space<vmem>>, vector<16xf32>,
      %get3A_528 = arith.constant 6 : i32
      %get3A_529 = arith.constant 0 : i32
      %get3A_530 = tpu.memref_slice %arg8[%multiple_of3A_118, %get3A_529] : memref<256x128xf32, #tpu.memory_space<vmem>> -> memref<8x128xf32, #tpu.memory_space<vmem>>
      %get3A_531 = arith.index_cast %get3A_528 : i32 to index
      %get3A_532 = arith.constant 48 : index
      %get3A_533 = tpu.vector_load %get3A_530[%get3A_531, %get3A_532] {strides = array<i32>} : memref<8x128xf32, #tpu.memory_space<vmem>>, vector<16xf32>,
      %sub3A_534 = arith.subf %get3A_527, %get3A_533 : vector<16xf32>
      %mul3A_535 = arith.mulf %sub3A_534, %sub3A_534 : vector<16xf32>
      %add3A_536 = arith.addf %add3A_521, %mul3A_535 : vector<16xf32>
      %get3A_537 = arith.constant 7 : i32
      %get3A_538 = arith.constant 0 : i32
      %get3A_539 = tpu.memref_slice %arg7[%multiple_of3A_104, %get3A_538] : memref<512x64xf32, #tpu.memory_space<vmem>> -> memref<8x64xf32, #tpu.memory_space<vmem>>
      %get3A_540 = arith.index_cast %get3A_537 : i32 to index
      %get3A_541 = arith.constant 0 : index
      %get3A_542 = tpu.vector_load %get3A_539[%get3A_540, %get3A_541] {strides = array<i32>} : memref<8x64xf32, #tpu.memory_space<vmem>>, vector<16xf32>,
      %get3A_543 = arith.constant 7 : i32
      %get3A_544 = arith.constant 0 : i32
      %get3A_545 = tpu.memref_slice %arg8[%multiple_of3A_118, %get3A_544] : memref<256x128xf32, #tpu.memory_space<vmem>> -> memref<8x128xf32, #tpu.memory_space<vmem>>
      %get3A_546 = arith.index_cast %get3A_543 : i32 to index
      %get3A_547 = arith.constant 0 : index
      %get3A_548 = tpu.vector_load %get3A_545[%get3A_546, %get3A_547] {strides = array<i32>} : memref<8x128xf32, #tpu.memory_space<vmem>>, vector<16xf32>,
      %sub3A_549 = arith.subf %get3A_542, %get3A_548 : vector<16xf32>
      %mul3A_550 = arith.mulf %sub3A_549, %sub3A_549 : vector<16xf32>
      %add3A_551 = arith.addf %add3A_536, %mul3A_550 : vector<16xf32>
      %get3A_552 = arith.constant 7 : i32
      %get3A_553 = arith.constant 0 : i32
      %get3A_554 = tpu.memref_slice %arg7[%multiple_of3A_104, %get3A_553] : memref<512x64xf32, #tpu.memory_space<vmem>> -> memref<8x64xf32, #tpu.memory_space<vmem>>
      %get3A_555 = arith.index_cast %get3A_552 : i32 to index
      %get3A_556 = arith.constant 16 : index
      %get3A_557 = tpu.vector_load %get3A_554[%get3A_555, %get3A_556] {strides = array<i32>} : memref<8x64xf32, #tpu.memory_space<vmem>>, vector<16xf32>,
      %get3A_558 = arith.constant 7 : i32
      %get3A_559 = arith.constant 0 : i32
      %get3A_560 = tpu.memref_slice %arg8[%multiple_of3A_118, %get3A_559] : memref<256x128xf32, #tpu.memory_space<vmem>> -> memref<8x128xf32, #tpu.memory_space<vmem>>
      %get3A_561 = arith.index_cast %get3A_558 : i32 to index
      %get3A_562 = arith.constant 16 : index
      %get3A_563 = tpu.vector_load %get3A_560[%get3A_561, %get3A_562] {strides = array<i32>} : memref<8x128xf32, #tpu.memory_space<vmem>>, vector<16xf32>,
      %sub3A_564 = arith.subf %get3A_557, %get3A_563 : vector<16xf32>
      %mul3A_565 = arith.mulf %sub3A_564, %sub3A_564 : vector<16xf32>
      %add3A_566 = arith.addf %add3A_551, %mul3A_565 : vector<16xf32>
      %get3A_567 = arith.constant 7 : i32
      %get3A_568 = arith.constant 0 : i32
      %get3A_569 = tpu.memref_slice %arg7[%multiple_of3A_104, %get3A_568] : memref<512x64xf32, #tpu.memory_space<vmem>> -> memref<8x64xf32, #tpu.memory_space<vmem>>
      %get3A_570 = arith.index_cast %get3A_567 : i32 to index
      %get3A_571 = arith.constant 32 : index
      %get3A_572 = tpu.vector_load %get3A_569[%get3A_570, %get3A_571] {strides = array<i32>} : memref<8x64xf32, #tpu.memory_space<vmem>>, vector<16xf32>,
      %get3A_573 = arith.constant 7 : i32
      %get3A_574 = arith.constant 0 : i32
      %get3A_575 = tpu.memref_slice %arg8[%multiple_of3A_118, %get3A_574] : memref<256x128xf32, #tpu.memory_space<vmem>> -> memref<8x128xf32, #tpu.memory_space<vmem>>
      %get3A_576 = arith.index_cast %get3A_573 : i32 to index
      %get3A_577 = arith.constant 32 : index
      %get3A_578 = tpu.vector_load %get3A_575[%get3A_576, %get3A_577] {strides = array<i32>} : memref<8x128xf32, #tpu.memory_space<vmem>>, vector<16xf32>,
      %sub3A_579 = arith.subf %get3A_572, %get3A_578 : vector<16xf32>
      %mul3A_580 = arith.mulf %sub3A_579, %sub3A_579 : vector<16xf32>
      %add3A_581 = arith.addf %add3A_566, %mul3A_580 : vector<16xf32>
      %get3A_582 = arith.constant 7 : i32
      %get3A_583 = arith.constant 0 : i32
      %get3A_584 = tpu.memref_slice %arg7[%multiple_of3A_104, %get3A_583] : memref<512x64xf32, #tpu.memory_space<vmem>> -> memref<8x64xf32, #tpu.memory_space<vmem>>
      %get3A_585 = arith.index_cast %get3A_582 : i32 to index
      %get3A_586 = arith.constant 48 : index
      %get3A_587 = tpu.vector_load %get3A_584[%get3A_585, %get3A_586] {strides = array<i32>} : memref<8x64xf32, #tpu.memory_space<vmem>>, vector<16xf32>,
      %get3A_588 = arith.constant 7 : i32
      %get3A_589 = arith.constant 0 : i32
      %get3A_590 = tpu.memref_slice %arg8[%multiple_of3A_118, %get3A_589] : memref<256x128xf32, #tpu.memory_space<vmem>> -> memref<8x128xf32, #tpu.memory_space<vmem>>
      %get3A_591 = arith.index_cast %get3A_588 : i32 to index
      %get3A_592 = arith.constant 48 : index
      %get3A_593 = tpu.vector_load %get3A_590[%get3A_591, %get3A_592] {strides = array<i32>} : memref<8x128xf32, #tpu.memory_space<vmem>>, vector<16xf32>,
      %sub3A_594 = arith.subf %get3A_587, %get3A_593 : vector<16xf32>
      %mul3A_595 = arith.mulf %sub3A_594, %sub3A_594 : vector<16xf32>
      %add3A_596 = arith.addf %add3A_581, %mul3A_595 : vector<16xf32>
      scf.yield %add3A_596 : vector<16xf32>
    }
    %scan3A_60 = arith.constant 16 : i32
    %dma_start3A_61 = arith.constant 128 : i32
    %dma_start3A_62 = arith.constant 0 : i32
    %dma_start3A_63 = tpu.memref_slice %arg8[%dma_start3A_61, %dma_start3A_62] : memref<256x128xf32, #tpu.memory_space<vmem>> -> memref<128x128xf32, #tpu.memory_space<vmem>>
    %dma_start3A_64 = arith.constant 384 : i32
    %dma_start3A_65 = tpu.memref_slice %arg6[%dma_start3A_64] : memref<512xi32, #tpu.memory_space<vmem>> -> memref<128xi32, #tpu.memory_space<vmem>>
    %dma_start3A_66 = arith.constant 0 : i32
    %dma_start3A_67 = arith.constant 0 : i32
    %dma_start3A_68 = tpu.memref_slice %arg4[%dma_start3A_66, %dma_start3A_67] : memref<100000x128xf32, #tpu.memory_space<hbm>> -> memref<100000x128xf32, #tpu.memory_space<hbm>>
    tpu.enqueue_indirect_dma source(%dma_start3A_68 : memref<100000x128xf32, #tpu.memory_space<hbm>>) target(%dma_start3A_63 : memref<128x128xf32, #tpu.memory_space<vmem>>) offsets(%dma_start3A_65 : memref<128xi32, #tpu.memory_space<vmem>>) semaphore(%arg12 : memref<!tpu.dma_semaphore, #tpu.memory_space<semaphore_mem>>)
    %dma_wait3A_69 = arith.constant 0 : i32
    %dma_wait3A_70 = arith.constant 0 : i32
    %dma_wait3A_71 = tpu.memref_slice %arg8[%dma_wait3A_69, %dma_wait3A_70] : memref<256x128xf32, #tpu.memory_space<vmem>> -> memref<128x128xf32, #tpu.memory_space<vmem>>
    %dma_wait3A_72 = arith.constant 256 : i32
    %dma_wait3A_73 = tpu.memref_slice %arg6[%dma_wait3A_72] : memref<512xi32, #tpu.memory_space<vmem>> -> memref<128xi32, #tpu.memory_space<vmem>>
    %dma_wait3A_74 = arith.constant 0 : i32
    %dma_wait3A_75 = arith.constant 0 : i32
    %dma_wait3A_76 = tpu.memref_slice %arg4[%dma_wait3A_74, %dma_wait3A_75] : memref<100000x128xf32, #tpu.memory_space<hbm>> -> memref<100000x128xf32, #tpu.memory_space<hbm>>
    tpu.wait_indirect_dma semaphore(%arg11 : memref<!tpu.dma_semaphore, #tpu.memory_space<semaphore_mem>>) src(%dma_wait3A_76 : memref<100000x128xf32, #tpu.memory_space<hbm>>) dst(%dma_wait3A_71 : memref<128x128xf32, #tpu.memory_space<vmem>>)
    %scan3A_77 = arith.constant 32 : i32
    %scan3A_78 = arith.constant 16 : i32
    %scan3A_79 = arith.addi %scan3A_77, %scan3A_78 : i32
    %scan3A_80 = arith.constant 1 : i32
    %scan3A_81 = scf.for %scan3A_100 = %scan3A_77 to %scan3A_79 step %scan3A_80 iter_args(%scan3A_101 = %scan3A_59) -> (vector<16xf32>)  : i32 {
      %mul3A_102 = arith.constant 8 : i32
      %mul3A_103 = arith.muli %scan3A_100, %mul3A_102 : i32
      %multiple_of3A_104 = tpu.assume_multiple %mul3A_103, 8 : i32
      %jit3A = arith.constant 16 : i32
      %eq3A = arith.constant 0 : i32
      %eq3A_105 = arith.cmpi eq, %jit3A, %eq3A : i32
      %jit3A_106 = arith.constant 1 : i32
      %select_n3A = arith.select %eq3A_105, %jit3A_106, %jit3A : i32
      %rem3A = arith.remsi %scan3A_100, %select_n3A : i32
      %ne3A = arith.constant 0 : i32
      %ne3A_107 = arith.cmpi ne, %rem3A, %ne3A : i32
      %lt3A = arith.constant 0 : i32
      %lt3A_108 = arith.cmpi slt, %rem3A, %lt3A : i32
      %lt3A_109 = arith.constant 0 : i32
      %lt3A_110 = arith.cmpi slt, %select_n3A, %lt3A_109 : i32
      %ne3A_111 = arith.xori %lt3A_108, %lt3A_110 : i1
      %and3A = arith.andi %ne3A_111, %ne3A_107 : i1
      %add3A_112 = arith.addi %rem3A, %select_n3A : i32
      %select_n3A_113 = arith.select %and3A, %add3A_112, %rem3A : i32
      %add3A_114 = arith.constant 0 : i32
      %add3A_115 = arith.addi %add3A_114, %select_n3A_113 : i32
      %mul3A_116 = arith.constant 8 : i32
      %mul3A_117 = arith.muli %add3A_115, %mul3A_116 : i32
      %multiple_of3A_118 = tpu.assume_multiple %mul3A_117, 8 : i32
      %get3A = arith.constant 0 : i32
      %get3A_119 = arith.constant 0 : i32
      %get3A_120 = tpu.memref_slice %arg7[%multiple_of3A_104, %get3A_119] : memref<512x64xf32, #tpu.memory_space<vmem>> -> memref<8x64xf32, #tpu.memory_space<vmem>>
      %get3A_121 = arith.index_cast %get3A : i32 to index
      %get3A_122 = arith.constant 0 : index
      %get3A_123 = tpu.vector_load %get3A_120[%get3A_121, %get3A_122] {strides = array<i32>} : memref<8x64xf32, #tpu.memory_space<vmem>>, vector<16xf32>,
      %get3A_124 = arith.constant 0 : i32
      %get3A_125 = arith.constant 0 : i32
      %get3A_126 = tpu.memref_slice %arg8[%multiple_of3A_118, %get3A_125] : memref<256x128xf32, #tpu.memory_space<vmem>> -> memref<8x128xf32, #tpu.memory_space<vmem>>
      %get3A_127 = arith.index_cast %get3A_124 : i32 to index
      %get3A_128 = arith.constant 0 : index
      %get3A_129 = tpu.vector_load %get3A_126[%get3A_127, %get3A_128] {strides = array<i32>} : memref<8x128xf32, #tpu.memory_space<vmem>>, vector<16xf32>,
      %sub3A = arith.subf %get3A_123, %get3A_129 : vector<16xf32>
      %mul3A_130 = arith.mulf %sub3A, %sub3A : vector<16xf32>
      %add3A_131 = arith.addf %scan3A_101, %mul3A_130 : vector<16xf32>
      %get3A_132 = arith.constant 0 : i32
      %get3A_133 = arith.constant 0 : i32
      %get3A_134 = tpu.memref_slice %arg7[%multiple_of3A_104, %get3A_133] : memref<512x64xf32, #tpu.memory_space<vmem>> -> memref<8x64xf32, #tpu.memory_space<vmem>>
      %get3A_135 = arith.index_cast %get3A_132 : i32 to index
      %get3A_136 = arith.constant 16 : index
      %get3A_137 = tpu.vector_load %get3A_134[%get3A_135, %get3A_136] {strides = array<i32>} : memref<8x64xf32, #tpu.memory_space<vmem>>, vector<16xf32>,
      %get3A_138 = arith.constant 0 : i32
      %get3A_139 = arith.constant 0 : i32
      %get3A_140 = tpu.memref_slice %arg8[%multiple_of3A_118, %get3A_139] : memref<256x128xf32, #tpu.memory_space<vmem>> -> memref<8x128xf32, #tpu.memory_space<vmem>>
      %get3A_141 = arith.index_cast %get3A_138 : i32 to index
      %get3A_142 = arith.constant 16 : index
      %get3A_143 = tpu.vector_load %get3A_140[%get3A_141, %get3A_142] {strides = array<i32>} : memref<8x128xf32, #tpu.memory_space<vmem>>, vector<16xf32>,
      %sub3A_144 = arith.subf %get3A_137, %get3A_143 : vector<16xf32>
      %mul3A_145 = arith.mulf %sub3A_144, %sub3A_144 : vector<16xf32>
      %add3A_146 = arith.addf %add3A_131, %mul3A_145 : vector<16xf32>
      %get3A_147 = arith.constant 0 : i32
      %get3A_148 = arith.constant 0 : i32
      %get3A_149 = tpu.memref_slice %arg7[%multiple_of3A_104, %get3A_148] : memref<512x64xf32, #tpu.memory_space<vmem>> -> memref<8x64xf32, #tpu.memory_space<vmem>>
      %get3A_150 = arith.index_cast %get3A_147 : i32 to index
      %get3A_151 = arith.constant 32 : index
      %get3A_152 = tpu.vector_load %get3A_149[%get3A_150, %get3A_151] {strides = array<i32>} : memref<8x64xf32, #tpu.memory_space<vmem>>, vector<16xf32>,
      %get3A_153 = arith.constant 0 : i32
      %get3A_154 = arith.constant 0 : i32
      %get3A_155 = tpu.memref_slice %arg8[%multiple_of3A_118, %get3A_154] : memref<256x128xf32, #tpu.memory_space<vmem>> -> memref<8x128xf32, #tpu.memory_space<vmem>>
      %get3A_156 = arith.index_cast %get3A_153 : i32 to index
      %get3A_157 = arith.constant 32 : index
      %get3A_158 = tpu.vector_load %get3A_155[%get3A_156, %get3A_157] {strides = array<i32>} : memref<8x128xf32, #tpu.memory_space<vmem>>, vector<16xf32>,
      %sub3A_159 = arith.subf %get3A_152, %get3A_158 : vector<16xf32>
      %mul3A_160 = arith.mulf %sub3A_159, %sub3A_159 : vector<16xf32>
      %add3A_161 = arith.addf %add3A_146, %mul3A_160 : vector<16xf32>
      %get3A_162 = arith.constant 0 : i32
      %get3A_163 = arith.constant 0 : i32
      %get3A_164 = tpu.memref_slice %arg7[%multiple_of3A_104, %get3A_163] : memref<512x64xf32, #tpu.memory_space<vmem>> -> memref<8x64xf32, #tpu.memory_space<vmem>>
      %get3A_165 = arith.index_cast %get3A_162 : i32 to index
      %get3A_166 = arith.constant 48 : index
      %get3A_167 = tpu.vector_load %get3A_164[%get3A_165, %get3A_166] {strides = array<i32>} : memref<8x64xf32, #tpu.memory_space<vmem>>, vector<16xf32>,
      %get3A_168 = arith.constant 0 : i32
      %get3A_169 = arith.constant 0 : i32
      %get3A_170 = tpu.memref_slice %arg8[%multiple_of3A_118, %get3A_169] : memref<256x128xf32, #tpu.memory_space<vmem>> -> memref<8x128xf32, #tpu.memory_space<vmem>>
      %get3A_171 = arith.index_cast %get3A_168 : i32 to index
      %get3A_172 = arith.constant 48 : index
      %get3A_173 = tpu.vector_load %get3A_170[%get3A_171, %get3A_172] {strides = array<i32>} : memref<8x128xf32, #tpu.memory_space<vmem>>, vector<16xf32>,
      %sub3A_174 = arith.subf %get3A_167, %get3A_173 : vector<16xf32>
      %mul3A_175 = arith.mulf %sub3A_174, %sub3A_174 : vector<16xf32>
      %add3A_176 = arith.addf %add3A_161, %mul3A_175 : vector<16xf32>
      %get3A_177 = arith.constant 1 : i32
      %get3A_178 = arith.constant 0 : i32
      %get3A_179 = tpu.memref_slice %arg7[%multiple_of3A_104, %get3A_178] : memref<512x64xf32, #tpu.memory_space<vmem>> -> memref<8x64xf32, #tpu.memory_space<vmem>>
      %get3A_180 = arith.index_cast %get3A_177 : i32 to index
      %get3A_181 = arith.constant 0 : index
      %get3A_182 = tpu.vector_load %get3A_179[%get3A_180, %get3A_181] {strides = array<i32>} : memref<8x64xf32, #tpu.memory_space<vmem>>, vector<16xf32>,
      %get3A_183 = arith.constant 1 : i32
      %get3A_184 = arith.constant 0 : i32
      %get3A_185 = tpu.memref_slice %arg8[%multiple_of3A_118, %get3A_184] : memref<256x128xf32, #tpu.memory_space<vmem>> -> memref<8x128xf32, #tpu.memory_space<vmem>>
      %get3A_186 = arith.index_cast %get3A_183 : i32 to index
      %get3A_187 = arith.constant 0 : index
      %get3A_188 = tpu.vector_load %get3A_185[%get3A_186, %get3A_187] {strides = array<i32>} : memref<8x128xf32, #tpu.memory_space<vmem>>, vector<16xf32>,
      %sub3A_189 = arith.subf %get3A_182, %get3A_188 : vector<16xf32>
      %mul3A_190 = arith.mulf %sub3A_189, %sub3A_189 : vector<16xf32>
      %add3A_191 = arith.addf %add3A_176, %mul3A_190 : vector<16xf32>
      %get3A_192 = arith.constant 1 : i32
      %get3A_193 = arith.constant 0 : i32
      %get3A_194 = tpu.memref_slice %arg7[%multiple_of3A_104, %get3A_193] : memref<512x64xf32, #tpu.memory_space<vmem>> -> memref<8x64xf32, #tpu.memory_space<vmem>>
      %get3A_195 = arith.index_cast %get3A_192 : i32 to index
      %get3A_196 = arith.constant 16 : index
      %get3A_197 = tpu.vector_load %get3A_194[%get3A_195, %get3A_196] {strides = array<i32>} : memref<8x64xf32, #tpu.memory_space<vmem>>, vector<16xf32>,
      %get3A_198 = arith.constant 1 : i32
      %get3A_199 = arith.constant 0 : i32
      %get3A_200 = tpu.memref_slice %arg8[%multiple_of3A_118, %get3A_199] : memref<256x128xf32, #tpu.memory_space<vmem>> -> memref<8x128xf32, #tpu.memory_space<vmem>>
      %get3A_201 = arith.index_cast %get3A_198 : i32 to index
      %get3A_202 = arith.constant 16 : index
      %get3A_203 = tpu.vector_load %get3A_200[%get3A_201, %get3A_202] {strides = array<i32>} : memref<8x128xf32, #tpu.memory_space<vmem>>, vector<16xf32>,
      %sub3A_204 = arith.subf %get3A_197, %get3A_203 : vector<16xf32>
      %mul3A_205 = arith.mulf %sub3A_204, %sub3A_204 : vector<16xf32>
      %add3A_206 = arith.addf %add3A_191, %mul3A_205 : vector<16xf32>
      %get3A_207 = arith.constant 1 : i32
      %get3A_208 = arith.constant 0 : i32
      %get3A_209 = tpu.memref_slice %arg7[%multiple_of3A_104, %get3A_208] : memref<512x64xf32, #tpu.memory_space<vmem>> -> memref<8x64xf32, #tpu.memory_space<vmem>>
      %get3A_210 = arith.index_cast %get3A_207 : i32 to index
      %get3A_211 = arith.constant 32 : index
      %get3A_212 = tpu.vector_load %get3A_209[%get3A_210, %get3A_211] {strides = array<i32>} : memref<8x64xf32, #tpu.memory_space<vmem>>, vector<16xf32>,
      %get3A_213 = arith.constant 1 : i32
      %get3A_214 = arith.constant 0 : i32
      %get3A_215 = tpu.memref_slice %arg8[%multiple_of3A_118, %get3A_214] : memref<256x128xf32, #tpu.memory_space<vmem>> -> memref<8x128xf32, #tpu.memory_space<vmem>>
      %get3A_216 = arith.index_cast %get3A_213 : i32 to index
      %get3A_217 = arith.constant 32 : index
      %get3A_218 = tpu.vector_load %get3A_215[%get3A_216, %get3A_217] {strides = array<i32>} : memref<8x128xf32, #tpu.memory_space<vmem>>, vector<16xf32>,
      %sub3A_219 = arith.subf %get3A_212, %get3A_218 : vector<16xf32>
      %mul3A_220 = arith.mulf %sub3A_219, %sub3A_219 : vector<16xf32>
      %add3A_221 = arith.addf %add3A_206, %mul3A_220 : vector<16xf32>
      %get3A_222 = arith.constant 1 : i32
      %get3A_223 = arith.constant 0 : i32
      %get3A_224 = tpu.memref_slice %arg7[%multiple_of3A_104, %get3A_223] : memref<512x64xf32, #tpu.memory_space<vmem>> -> memref<8x64xf32, #tpu.memory_space<vmem>>
      %get3A_225 = arith.index_cast %get3A_222 : i32 to index
      %get3A_226 = arith.constant 48 : index
      %get3A_227 = tpu.vector_load %get3A_224[%get3A_225, %get3A_226] {strides = array<i32>} : memref<8x64xf32, #tpu.memory_space<vmem>>, vector<16xf32>,
      %get3A_228 = arith.constant 1 : i32
      %get3A_229 = arith.constant 0 : i32
      %get3A_230 = tpu.memref_slice %arg8[%multiple_of3A_118, %get3A_229] : memref<256x128xf32, #tpu.memory_space<vmem>> -> memref<8x128xf32, #tpu.memory_space<vmem>>
      %get3A_231 = arith.index_cast %get3A_228 : i32 to index
      %get3A_232 = arith.constant 48 : index
      %get3A_233 = tpu.vector_load %get3A_230[%get3A_231, %get3A_232] {strides = array<i32>} : memref<8x128xf32, #tpu.memory_space<vmem>>, vector<16xf32>,
      %sub3A_234 = arith.subf %get3A_227, %get3A_233 : vector<16xf32>
      %mul3A_235 = arith.mulf %sub3A_234, %sub3A_234 : vector<16xf32>
      %add3A_236 = arith.addf %add3A_221, %mul3A_235 : vector<16xf32>
      %get3A_237 = arith.constant 2 : i32
      %get3A_238 = arith.constant 0 : i32
      %get3A_239 = tpu.memref_slice %arg7[%multiple_of3A_104, %get3A_238] : memref<512x64xf32, #tpu.memory_space<vmem>> -> memref<8x64xf32, #tpu.memory_space<vmem>>
      %get3A_240 = arith.index_cast %get3A_237 : i32 to index
      %get3A_241 = arith.constant 0 : index
      %get3A_242 = tpu.vector_load %get3A_239[%get3A_240, %get3A_241] {strides = array<i32>} : memref<8x64xf32, #tpu.memory_space<vmem>>, vector<16xf32>,
      %get3A_243 = arith.constant 2 : i32
      %get3A_244 = arith.constant 0 : i32
      %get3A_245 = tpu.memref_slice %arg8[%multiple_of3A_118, %get3A_244] : memref<256x128xf32, #tpu.memory_space<vmem>> -> memref<8x128xf32, #tpu.memory_space<vmem>>
      %get3A_246 = arith.index_cast %get3A_243 : i32 to index
      %get3A_247 = arith.constant 0 : index
      %get3A_248 = tpu.vector_load %get3A_245[%get3A_246, %get3A_247] {strides = array<i32>} : memref<8x128xf32, #tpu.memory_space<vmem>>, vector<16xf32>,
      %sub3A_249 = arith.subf %get3A_242, %get3A_248 : vector<16xf32>
      %mul3A_250 = arith.mulf %sub3A_249, %sub3A_249 : vector<16xf32>
      %add3A_251 = arith.addf %add3A_236, %mul3A_250 : vector<16xf32>
      %get3A_252 = arith.constant 2 : i32
      %get3A_253 = arith.constant 0 : i32
      %get3A_254 = tpu.memref_slice %arg7[%multiple_of3A_104, %get3A_253] : memref<512x64xf32, #tpu.memory_space<vmem>> -> memref<8x64xf32, #tpu.memory_space<vmem>>
      %get3A_255 = arith.index_cast %get3A_252 : i32 to index
      %get3A_256 = arith.constant 16 : index
      %get3A_257 = tpu.vector_load %get3A_254[%get3A_255, %get3A_256] {strides = array<i32>} : memref<8x64xf32, #tpu.memory_space<vmem>>, vector<16xf32>,
      %get3A_258 = arith.constant 2 : i32
      %get3A_259 = arith.constant 0 : i32
      %get3A_260 = tpu.memref_slice %arg8[%multiple_of3A_118, %get3A_259] : memref<256x128xf32, #tpu.memory_space<vmem>> -> memref<8x128xf32, #tpu.memory_space<vmem>>
      %get3A_261 = arith.index_cast %get3A_258 : i32 to index
      %get3A_262 = arith.constant 16 : index
      %get3A_263 = tpu.vector_load %get3A_260[%get3A_261, %get3A_262] {strides = array<i32>} : memref<8x128xf32, #tpu.memory_space<vmem>>, vector<16xf32>,
      %sub3A_264 = arith.subf %get3A_257, %get3A_263 : vector<16xf32>
      %mul3A_265 = arith.mulf %sub3A_264, %sub3A_264 : vector<16xf32>
      %add3A_266 = arith.addf %add3A_251, %mul3A_265 : vector<16xf32>
      %get3A_267 = arith.constant 2 : i32
      %get3A_268 = arith.constant 0 : i32
      %get3A_269 = tpu.memref_slice %arg7[%multiple_of3A_104, %get3A_268] : memref<512x64xf32, #tpu.memory_space<vmem>> -> memref<8x64xf32, #tpu.memory_space<vmem>>
      %get3A_270 = arith.index_cast %get3A_267 : i32 to index
      %get3A_271 = arith.constant 32 : index
      %get3A_272 = tpu.vector_load %get3A_269[%get3A_270, %get3A_271] {strides = array<i32>} : memref<8x64xf32, #tpu.memory_space<vmem>>, vector<16xf32>,
      %get3A_273 = arith.constant 2 : i32
      %get3A_274 = arith.constant 0 : i32
      %get3A_275 = tpu.memref_slice %arg8[%multiple_of3A_118, %get3A_274] : memref<256x128xf32, #tpu.memory_space<vmem>> -> memref<8x128xf32, #tpu.memory_space<vmem>>
      %get3A_276 = arith.index_cast %get3A_273 : i32 to index
      %get3A_277 = arith.constant 32 : index
      %get3A_278 = tpu.vector_load %get3A_275[%get3A_276, %get3A_277] {strides = array<i32>} : memref<8x128xf32, #tpu.memory_space<vmem>>, vector<16xf32>,
      %sub3A_279 = arith.subf %get3A_272, %get3A_278 : vector<16xf32>
      %mul3A_280 = arith.mulf %sub3A_279, %sub3A_279 : vector<16xf32>
      %add3A_281 = arith.addf %add3A_266, %mul3A_280 : vector<16xf32>
      %get3A_282 = arith.constant 2 : i32
      %get3A_283 = arith.constant 0 : i32
      %get3A_284 = tpu.memref_slice %arg7[%multiple_of3A_104, %get3A_283] : memref<512x64xf32, #tpu.memory_space<vmem>> -> memref<8x64xf32, #tpu.memory_space<vmem>>
      %get3A_285 = arith.index_cast %get3A_282 : i32 to index
      %get3A_286 = arith.constant 48 : index
      %get3A_287 = tpu.vector_load %get3A_284[%get3A_285, %get3A_286] {strides = array<i32>} : memref<8x64xf32, #tpu.memory_space<vmem>>, vector<16xf32>,
      %get3A_288 = arith.constant 2 : i32
      %get3A_289 = arith.constant 0 : i32
      %get3A_290 = tpu.memref_slice %arg8[%multiple_of3A_118, %get3A_289] : memref<256x128xf32, #tpu.memory_space<vmem>> -> memref<8x128xf32, #tpu.memory_space<vmem>>
      %get3A_291 = arith.index_cast %get3A_288 : i32 to index
      %get3A_292 = arith.constant 48 : index
      %get3A_293 = tpu.vector_load %get3A_290[%get3A_291, %get3A_292] {strides = array<i32>} : memref<8x128xf32, #tpu.memory_space<vmem>>, vector<16xf32>,
      %sub3A_294 = arith.subf %get3A_287, %get3A_293 : vector<16xf32>
      %mul3A_295 = arith.mulf %sub3A_294, %sub3A_294 : vector<16xf32>
      %add3A_296 = arith.addf %add3A_281, %mul3A_295 : vector<16xf32>
      %get3A_297 = arith.constant 3 : i32
      %get3A_298 = arith.constant 0 : i32
      %get3A_299 = tpu.memref_slice %arg7[%multiple_of3A_104, %get3A_298] : memref<512x64xf32, #tpu.memory_space<vmem>> -> memref<8x64xf32, #tpu.memory_space<vmem>>
      %get3A_300 = arith.index_cast %get3A_297 : i32 to index
      %get3A_301 = arith.constant 0 : index
      %get3A_302 = tpu.vector_load %get3A_299[%get3A_300, %get3A_301] {strides = array<i32>} : memref<8x64xf32, #tpu.memory_space<vmem>>, vector<16xf32>,
      %get3A_303 = arith.constant 3 : i32
      %get3A_304 = arith.constant 0 : i32
      %get3A_305 = tpu.memref_slice %arg8[%multiple_of3A_118, %get3A_304] : memref<256x128xf32, #tpu.memory_space<vmem>> -> memref<8x128xf32, #tpu.memory_space<vmem>>
      %get3A_306 = arith.index_cast %get3A_303 : i32 to index
      %get3A_307 = arith.constant 0 : index
      %get3A_308 = tpu.vector_load %get3A_305[%get3A_306, %get3A_307] {strides = array<i32>} : memref<8x128xf32, #tpu.memory_space<vmem>>, vector<16xf32>,
      %sub3A_309 = arith.subf %get3A_302, %get3A_308 : vector<16xf32>
      %mul3A_310 = arith.mulf %sub3A_309, %sub3A_309 : vector<16xf32>
      %add3A_311 = arith.addf %add3A_296, %mul3A_310 : vector<16xf32>
      %get3A_312 = arith.constant 3 : i32
      %get3A_313 = arith.constant 0 : i32
      %get3A_314 = tpu.memref_slice %arg7[%multiple_of3A_104, %get3A_313] : memref<512x64xf32, #tpu.memory_space<vmem>> -> memref<8x64xf32, #tpu.memory_space<vmem>>
      %get3A_315 = arith.index_cast %get3A_312 : i32 to index
      %get3A_316 = arith.constant 16 : index
      %get3A_317 = tpu.vector_load %get3A_314[%get3A_315, %get3A_316] {strides = array<i32>} : memref<8x64xf32, #tpu.memory_space<vmem>>, vector<16xf32>,
      %get3A_318 = arith.constant 3 : i32
      %get3A_319 = arith.constant 0 : i32
      %get3A_320 = tpu.memref_slice %arg8[%multiple_of3A_118, %get3A_319] : memref<256x128xf32, #tpu.memory_space<vmem>> -> memref<8x128xf32, #tpu.memory_space<vmem>>
      %get3A_321 = arith.index_cast %get3A_318 : i32 to index
      %get3A_322 = arith.constant 16 : index
      %get3A_323 = tpu.vector_load %get3A_320[%get3A_321, %get3A_322] {strides = array<i32>} : memref<8x128xf32, #tpu.memory_space<vmem>>, vector<16xf32>,
      %sub3A_324 = arith.subf %get3A_317, %get3A_323 : vector<16xf32>
      %mul3A_325 = arith.mulf %sub3A_324, %sub3A_324 : vector<16xf32>
      %add3A_326 = arith.addf %add3A_311, %mul3A_325 : vector<16xf32>
      %get3A_327 = arith.constant 3 : i32
      %get3A_328 = arith.constant 0 : i32
      %get3A_329 = tpu.memref_slice %arg7[%multiple_of3A_104, %get3A_328] : memref<512x64xf32, #tpu.memory_space<vmem>> -> memref<8x64xf32, #tpu.memory_space<vmem>>
      %get3A_330 = arith.index_cast %get3A_327 : i32 to index
      %get3A_331 = arith.constant 32 : index
      %get3A_332 = tpu.vector_load %get3A_329[%get3A_330, %get3A_331] {strides = array<i32>} : memref<8x64xf32, #tpu.memory_space<vmem>>, vector<16xf32>,
      %get3A_333 = arith.constant 3 : i32
      %get3A_334 = arith.constant 0 : i32
      %get3A_335 = tpu.memref_slice %arg8[%multiple_of3A_118, %get3A_334] : memref<256x128xf32, #tpu.memory_space<vmem>> -> memref<8x128xf32, #tpu.memory_space<vmem>>
      %get3A_336 = arith.index_cast %get3A_333 : i32 to index
      %get3A_337 = arith.constant 32 : index
      %get3A_338 = tpu.vector_load %get3A_335[%get3A_336, %get3A_337] {strides = array<i32>} : memref<8x128xf32, #tpu.memory_space<vmem>>, vector<16xf32>,
      %sub3A_339 = arith.subf %get3A_332, %get3A_338 : vector<16xf32>
      %mul3A_340 = arith.mulf %sub3A_339, %sub3A_339 : vector<16xf32>
      %add3A_341 = arith.addf %add3A_326, %mul3A_340 : vector<16xf32>
      %get3A_342 = arith.constant 3 : i32
      %get3A_343 = arith.constant 0 : i32
      %get3A_344 = tpu.memref_slice %arg7[%multiple_of3A_104, %get3A_343] : memref<512x64xf32, #tpu.memory_space<vmem>> -> memref<8x64xf32, #tpu.memory_space<vmem>>
      %get3A_345 = arith.index_cast %get3A_342 : i32 to index
      %get3A_346 = arith.constant 48 : index
      %get3A_347 = tpu.vector_load %get3A_344[%get3A_345, %get3A_346] {strides = array<i32>} : memref<8x64xf32, #tpu.memory_space<vmem>>, vector<16xf32>,
      %get3A_348 = arith.constant 3 : i32
      %get3A_349 = arith.constant 0 : i32
      %get3A_350 = tpu.memref_slice %arg8[%multiple_of3A_118, %get3A_349] : memref<256x128xf32, #tpu.memory_space<vmem>> -> memref<8x128xf32, #tpu.memory_space<vmem>>
      %get3A_351 = arith.index_cast %get3A_348 : i32 to index
      %get3A_352 = arith.constant 48 : index
      %get3A_353 = tpu.vector_load %get3A_350[%get3A_351, %get3A_352] {strides = array<i32>} : memref<8x128xf32, #tpu.memory_space<vmem>>, vector<16xf32>,
      %sub3A_354 = arith.subf %get3A_347, %get3A_353 : vector<16xf32>
      %mul3A_355 = arith.mulf %sub3A_354, %sub3A_354 : vector<16xf32>
      %add3A_356 = arith.addf %add3A_341, %mul3A_355 : vector<16xf32>
      %get3A_357 = arith.constant 4 : i32
      %get3A_358 = arith.constant 0 : i32
      %get3A_359 = tpu.memref_slice %arg7[%multiple_of3A_104, %get3A_358] : memref<512x64xf32, #tpu.memory_space<vmem>> -> memref<8x64xf32, #tpu.memory_space<vmem>>
      %get3A_360 = arith.index_cast %get3A_357 : i32 to index
      %get3A_361 = arith.constant 0 : index
      %get3A_362 = tpu.vector_load %get3A_359[%get3A_360, %get3A_361] {strides = array<i32>} : memref<8x64xf32, #tpu.memory_space<vmem>>, vector<16xf32>,
      %get3A_363 = arith.constant 4 : i32
      %get3A_364 = arith.constant 0 : i32
      %get3A_365 = tpu.memref_slice %arg8[%multiple_of3A_118, %get3A_364] : memref<256x128xf32, #tpu.memory_space<vmem>> -> memref<8x128xf32, #tpu.memory_space<vmem>>
      %get3A_366 = arith.index_cast %get3A_363 : i32 to index
      %get3A_367 = arith.constant 0 : index
      %get3A_368 = tpu.vector_load %get3A_365[%get3A_366, %get3A_367] {strides = array<i32>} : memref<8x128xf32, #tpu.memory_space<vmem>>, vector<16xf32>,
      %sub3A_369 = arith.subf %get3A_362, %get3A_368 : vector<16xf32>
      %mul3A_370 = arith.mulf %sub3A_369, %sub3A_369 : vector<16xf32>
      %add3A_371 = arith.addf %add3A_356, %mul3A_370 : vector<16xf32>
      %get3A_372 = arith.constant 4 : i32
      %get3A_373 = arith.constant 0 : i32
      %get3A_374 = tpu.memref_slice %arg7[%multiple_of3A_104, %get3A_373] : memref<512x64xf32, #tpu.memory_space<vmem>> -> memref<8x64xf32, #tpu.memory_space<vmem>>
      %get3A_375 = arith.index_cast %get3A_372 : i32 to index
      %get3A_376 = arith.constant 16 : index
      %get3A_377 = tpu.vector_load %get3A_374[%get3A_375, %get3A_376] {strides = array<i32>} : memref<8x64xf32, #tpu.memory_space<vmem>>, vector<16xf32>,
      %get3A_378 = arith.constant 4 : i32
      %get3A_379 = arith.constant 0 : i32
      %get3A_380 = tpu.memref_slice %arg8[%multiple_of3A_118, %get3A_379] : memref<256x128xf32, #tpu.memory_space<vmem>> -> memref<8x128xf32, #tpu.memory_space<vmem>>
      %get3A_381 = arith.index_cast %get3A_378 : i32 to index
      %get3A_382 = arith.constant 16 : index
      %get3A_383 = tpu.vector_load %get3A_380[%get3A_381, %get3A_382] {strides = array<i32>} : memref<8x128xf32, #tpu.memory_space<vmem>>, vector<16xf32>,
      %sub3A_384 = arith.subf %get3A_377, %get3A_383 : vector<16xf32>
      %mul3A_385 = arith.mulf %sub3A_384, %sub3A_384 : vector<16xf32>
      %add3A_386 = arith.addf %add3A_371, %mul3A_385 : vector<16xf32>
      %get3A_387 = arith.constant 4 : i32
      %get3A_388 = arith.constant 0 : i32
      %get3A_389 = tpu.memref_slice %arg7[%multiple_of3A_104, %get3A_388] : memref<512x64xf32, #tpu.memory_space<vmem>> -> memref<8x64xf32, #tpu.memory_space<vmem>>
      %get3A_390 = arith.index_cast %get3A_387 : i32 to index
      %get3A_391 = arith.constant 32 : index
      %get3A_392 = tpu.vector_load %get3A_389[%get3A_390, %get3A_391] {strides = array<i32>} : memref<8x64xf32, #tpu.memory_space<vmem>>, vector<16xf32>,
      %get3A_393 = arith.constant 4 : i32
      %get3A_394 = arith.constant 0 : i32
      %get3A_395 = tpu.memref_slice %arg8[%multiple_of3A_118, %get3A_394] : memref<256x128xf32, #tpu.memory_space<vmem>> -> memref<8x128xf32, #tpu.memory_space<vmem>>
      %get3A_396 = arith.index_cast %get3A_393 : i32 to index
      %get3A_397 = arith.constant 32 : index
      %get3A_398 = tpu.vector_load %get3A_395[%get3A_396, %get3A_397] {strides = array<i32>} : memref<8x128xf32, #tpu.memory_space<vmem>>, vector<16xf32>,
      %sub3A_399 = arith.subf %get3A_392, %get3A_398 : vector<16xf32>
      %mul3A_400 = arith.mulf %sub3A_399, %sub3A_399 : vector<16xf32>
      %add3A_401 = arith.addf %add3A_386, %mul3A_400 : vector<16xf32>
      %get3A_402 = arith.constant 4 : i32
      %get3A_403 = arith.constant 0 : i32
      %get3A_404 = tpu.memref_slice %arg7[%multiple_of3A_104, %get3A_403] : memref<512x64xf32, #tpu.memory_space<vmem>> -> memref<8x64xf32, #tpu.memory_space<vmem>>
      %get3A_405 = arith.index_cast %get3A_402 : i32 to index
      %get3A_406 = arith.constant 48 : index
      %get3A_407 = tpu.vector_load %get3A_404[%get3A_405, %get3A_406] {strides = array<i32>} : memref<8x64xf32, #tpu.memory_space<vmem>>, vector<16xf32>,
      %get3A_408 = arith.constant 4 : i32
      %get3A_409 = arith.constant 0 : i32
      %get3A_410 = tpu.memref_slice %arg8[%multiple_of3A_118, %get3A_409] : memref<256x128xf32, #tpu.memory_space<vmem>> -> memref<8x128xf32, #tpu.memory_space<vmem>>
      %get3A_411 = arith.index_cast %get3A_408 : i32 to index
      %get3A_412 = arith.constant 48 : index
      %get3A_413 = tpu.vector_load %get3A_410[%get3A_411, %get3A_412] {strides = array<i32>} : memref<8x128xf32, #tpu.memory_space<vmem>>, vector<16xf32>,
      %sub3A_414 = arith.subf %get3A_407, %get3A_413 : vector<16xf32>
      %mul3A_415 = arith.mulf %sub3A_414, %sub3A_414 : vector<16xf32>
      %add3A_416 = arith.addf %add3A_401, %mul3A_415 : vector<16xf32>
      %get3A_417 = arith.constant 5 : i32
      %get3A_418 = arith.constant 0 : i32
      %get3A_419 = tpu.memref_slice %arg7[%multiple_of3A_104, %get3A_418] : memref<512x64xf32, #tpu.memory_space<vmem>> -> memref<8x64xf32, #tpu.memory_space<vmem>>
      %get3A_420 = arith.index_cast %get3A_417 : i32 to index
      %get3A_421 = arith.constant 0 : index
      %get3A_422 = tpu.vector_load %get3A_419[%get3A_420, %get3A_421] {strides = array<i32>} : memref<8x64xf32, #tpu.memory_space<vmem>>, vector<16xf32>,
      %get3A_423 = arith.constant 5 : i32
      %get3A_424 = arith.constant 0 : i32
      %get3A_425 = tpu.memref_slice %arg8[%multiple_of3A_118, %get3A_424] : memref<256x128xf32, #tpu.memory_space<vmem>> -> memref<8x128xf32, #tpu.memory_space<vmem>>
      %get3A_426 = arith.index_cast %get3A_423 : i32 to index
      %get3A_427 = arith.constant 0 : index
      %get3A_428 = tpu.vector_load %get3A_425[%get3A_426, %get3A_427] {strides = array<i32>} : memref<8x128xf32, #tpu.memory_space<vmem>>, vector<16xf32>,
      %sub3A_429 = arith.subf %get3A_422, %get3A_428 : vector<16xf32>
      %mul3A_430 = arith.mulf %sub3A_429, %sub3A_429 : vector<16xf32>
      %add3A_431 = arith.addf %add3A_416, %mul3A_430 : vector<16xf32>
      %get3A_432 = arith.constant 5 : i32
      %get3A_433 = arith.constant 0 : i32
      %get3A_434 = tpu.memref_slice %arg7[%multiple_of3A_104, %get3A_433] : memref<512x64xf32, #tpu.memory_space<vmem>> -> memref<8x64xf32, #tpu.memory_space<vmem>>
      %get3A_435 = arith.index_cast %get3A_432 : i32 to index
      %get3A_436 = arith.constant 16 : index
      %get3A_437 = tpu.vector_load %get3A_434[%get3A_435, %get3A_436] {strides = array<i32>} : memref<8x64xf32, #tpu.memory_space<vmem>>, vector<16xf32>,
      %get3A_438 = arith.constant 5 : i32
      %get3A_439 = arith.constant 0 : i32
      %get3A_440 = tpu.memref_slice %arg8[%multiple_of3A_118, %get3A_439] : memref<256x128xf32, #tpu.memory_space<vmem>> -> memref<8x128xf32, #tpu.memory_space<vmem>>
      %get3A_441 = arith.index_cast %get3A_438 : i32 to index
      %get3A_442 = arith.constant 16 : index
      %get3A_443 = tpu.vector_load %get3A_440[%get3A_441, %get3A_442] {strides = array<i32>} : memref<8x128xf32, #tpu.memory_space<vmem>>, vector<16xf32>,
      %sub3A_444 = arith.subf %get3A_437, %get3A_443 : vector<16xf32>
      %mul3A_445 = arith.mulf %sub3A_444, %sub3A_444 : vector<16xf32>
      %add3A_446 = arith.addf %add3A_431, %mul3A_445 : vector<16xf32>
      %get3A_447 = arith.constant 5 : i32
      %get3A_448 = arith.constant 0 : i32
      %get3A_449 = tpu.memref_slice %arg7[%multiple_of3A_104, %get3A_448] : memref<512x64xf32, #tpu.memory_space<vmem>> -> memref<8x64xf32, #tpu.memory_space<vmem>>
      %get3A_450 = arith.index_cast %get3A_447 : i32 to index
      %get3A_451 = arith.constant 32 : index
      %get3A_452 = tpu.vector_load %get3A_449[%get3A_450, %get3A_451] {strides = array<i32>} : memref<8x64xf32, #tpu.memory_space<vmem>>, vector<16xf32>,
      %get3A_453 = arith.constant 5 : i32
      %get3A_454 = arith.constant 0 : i32
      %get3A_455 = tpu.memref_slice %arg8[%multiple_of3A_118, %get3A_454] : memref<256x128xf32, #tpu.memory_space<vmem>> -> memref<8x128xf32, #tpu.memory_space<vmem>>
      %get3A_456 = arith.index_cast %get3A_453 : i32 to index
      %get3A_457 = arith.constant 32 : index
      %get3A_458 = tpu.vector_load %get3A_455[%get3A_456, %get3A_457] {strides = array<i32>} : memref<8x128xf32, #tpu.memory_space<vmem>>, vector<16xf32>,
      %sub3A_459 = arith.subf %get3A_452, %get3A_458 : vector<16xf32>
      %mul3A_460 = arith.mulf %sub3A_459, %sub3A_459 : vector<16xf32>
      %add3A_461 = arith.addf %add3A_446, %mul3A_460 : vector<16xf32>
      %get3A_462 = arith.constant 5 : i32
      %get3A_463 = arith.constant 0 : i32
      %get3A_464 = tpu.memref_slice %arg7[%multiple_of3A_104, %get3A_463] : memref<512x64xf32, #tpu.memory_space<vmem>> -> memref<8x64xf32, #tpu.memory_space<vmem>>
      %get3A_465 = arith.index_cast %get3A_462 : i32 to index
      %get3A_466 = arith.constant 48 : index
      %get3A_467 = tpu.vector_load %get3A_464[%get3A_465, %get3A_466] {strides = array<i32>} : memref<8x64xf32, #tpu.memory_space<vmem>>, vector<16xf32>,
      %get3A_468 = arith.constant 5 : i32
      %get3A_469 = arith.constant 0 : i32
      %get3A_470 = tpu.memref_slice %arg8[%multiple_of3A_118, %get3A_469] : memref<256x128xf32, #tpu.memory_space<vmem>> -> memref<8x128xf32, #tpu.memory_space<vmem>>
      %get3A_471 = arith.index_cast %get3A_468 : i32 to index
      %get3A_472 = arith.constant 48 : index
      %get3A_473 = tpu.vector_load %get3A_470[%get3A_471, %get3A_472] {strides = array<i32>} : memref<8x128xf32, #tpu.memory_space<vmem>>, vector<16xf32>,
      %sub3A_474 = arith.subf %get3A_467, %get3A_473 : vector<16xf32>
      %mul3A_475 = arith.mulf %sub3A_474, %sub3A_474 : vector<16xf32>
      %add3A_476 = arith.addf %add3A_461, %mul3A_475 : vector<16xf32>
      %get3A_477 = arith.constant 6 : i32
      %get3A_478 = arith.constant 0 : i32
      %get3A_479 = tpu.memref_slice %arg7[%multiple_of3A_104, %get3A_478] : memref<512x64xf32, #tpu.memory_space<vmem>> -> memref<8x64xf32, #tpu.memory_space<vmem>>
      %get3A_480 = arith.index_cast %get3A_477 : i32 to index
      %get3A_481 = arith.constant 0 : index
      %get3A_482 = tpu.vector_load %get3A_479[%get3A_480, %get3A_481] {strides = array<i32>} : memref<8x64xf32, #tpu.memory_space<vmem>>, vector<16xf32>,
      %get3A_483 = arith.constant 6 : i32
      %get3A_484 = arith.constant 0 : i32
      %get3A_485 = tpu.memref_slice %arg8[%multiple_of3A_118, %get3A_484] : memref<256x128xf32, #tpu.memory_space<vmem>> -> memref<8x128xf32, #tpu.memory_space<vmem>>
      %get3A_486 = arith.index_cast %get3A_483 : i32 to index
      %get3A_487 = arith.constant 0 : index
      %get3A_488 = tpu.vector_load %get3A_485[%get3A_486, %get3A_487] {strides = array<i32>} : memref<8x128xf32, #tpu.memory_space<vmem>>, vector<16xf32>,
      %sub3A_489 = arith.subf %get3A_482, %get3A_488 : vector<16xf32>
      %mul3A_490 = arith.mulf %sub3A_489, %sub3A_489 : vector<16xf32>
      %add3A_491 = arith.addf %add3A_476, %mul3A_490 : vector<16xf32>
      %get3A_492 = arith.constant 6 : i32
      %get3A_493 = arith.constant 0 : i32
      %get3A_494 = tpu.memref_slice %arg7[%multiple_of3A_104, %get3A_493] : memref<512x64xf32, #tpu.memory_space<vmem>> -> memref<8x64xf32, #tpu.memory_space<vmem>>
      %get3A_495 = arith.index_cast %get3A_492 : i32 to index
      %get3A_496 = arith.constant 16 : index
      %get3A_497 = tpu.vector_load %get3A_494[%get3A_495, %get3A_496] {strides = array<i32>} : memref<8x64xf32, #tpu.memory_space<vmem>>, vector<16xf32>,
      %get3A_498 = arith.constant 6 : i32
      %get3A_499 = arith.constant 0 : i32
      %get3A_500 = tpu.memref_slice %arg8[%multiple_of3A_118, %get3A_499] : memref<256x128xf32, #tpu.memory_space<vmem>> -> memref<8x128xf32, #tpu.memory_space<vmem>>
      %get3A_501 = arith.index_cast %get3A_498 : i32 to index
      %get3A_502 = arith.constant 16 : index
      %get3A_503 = tpu.vector_load %get3A_500[%get3A_501, %get3A_502] {strides = array<i32>} : memref<8x128xf32, #tpu.memory_space<vmem>>, vector<16xf32>,
      %sub3A_504 = arith.subf %get3A_497, %get3A_503 : vector<16xf32>
      %mul3A_505 = arith.mulf %sub3A_504, %sub3A_504 : vector<16xf32>
      %add3A_506 = arith.addf %add3A_491, %mul3A_505 : vector<16xf32>
      %get3A_507 = arith.constant 6 : i32
      %get3A_508 = arith.constant 0 : i32
      %get3A_509 = tpu.memref_slice %arg7[%multiple_of3A_104, %get3A_508] : memref<512x64xf32, #tpu.memory_space<vmem>> -> memref<8x64xf32, #tpu.memory_space<vmem>>
      %get3A_510 = arith.index_cast %get3A_507 : i32 to index
      %get3A_511 = arith.constant 32 : index
      %get3A_512 = tpu.vector_load %get3A_509[%get3A_510, %get3A_511] {strides = array<i32>} : memref<8x64xf32, #tpu.memory_space<vmem>>, vector<16xf32>,
      %get3A_513 = arith.constant 6 : i32
      %get3A_514 = arith.constant 0 : i32
      %get3A_515 = tpu.memref_slice %arg8[%multiple_of3A_118, %get3A_514] : memref<256x128xf32, #tpu.memory_space<vmem>> -> memref<8x128xf32, #tpu.memory_space<vmem>>
      %get3A_516 = arith.index_cast %get3A_513 : i32 to index
      %get3A_517 = arith.constant 32 : index
      %get3A_518 = tpu.vector_load %get3A_515[%get3A_516, %get3A_517] {strides = array<i32>} : memref<8x128xf32, #tpu.memory_space<vmem>>, vector<16xf32>,
      %sub3A_519 = arith.subf %get3A_512, %get3A_518 : vector<16xf32>
      %mul3A_520 = arith.mulf %sub3A_519, %sub3A_519 : vector<16xf32>
      %add3A_521 = arith.addf %add3A_506, %mul3A_520 : vector<16xf32>
      %get3A_522 = arith.constant 6 : i32
      %get3A_523 = arith.constant 0 : i32
      %get3A_524 = tpu.memref_slice %arg7[%multiple_of3A_104, %get3A_523] : memref<512x64xf32, #tpu.memory_space<vmem>> -> memref<8x64xf32, #tpu.memory_space<vmem>>
      %get3A_525 = arith.index_cast %get3A_522 : i32 to index
      %get3A_526 = arith.constant 48 : index
      %get3A_527 = tpu.vector_load %get3A_524[%get3A_525, %get3A_526] {strides = array<i32>} : memref<8x64xf32, #tpu.memory_space<vmem>>, vector<16xf32>,
      %get3A_528 = arith.constant 6 : i32
      %get3A_529 = arith.constant 0 : i32
      %get3A_530 = tpu.memref_slice %arg8[%multiple_of3A_118, %get3A_529] : memref<256x128xf32, #tpu.memory_space<vmem>> -> memref<8x128xf32, #tpu.memory_space<vmem>>
      %get3A_531 = arith.index_cast %get3A_528 : i32 to index
      %get3A_532 = arith.constant 48 : index
      %get3A_533 = tpu.vector_load %get3A_530[%get3A_531, %get3A_532] {strides = array<i32>} : memref<8x128xf32, #tpu.memory_space<vmem>>, vector<16xf32>,
      %sub3A_534 = arith.subf %get3A_527, %get3A_533 : vector<16xf32>
      %mul3A_535 = arith.mulf %sub3A_534, %sub3A_534 : vector<16xf32>
      %add3A_536 = arith.addf %add3A_521, %mul3A_535 : vector<16xf32>
      %get3A_537 = arith.constant 7 : i32
      %get3A_538 = arith.constant 0 : i32
      %get3A_539 = tpu.memref_slice %arg7[%multiple_of3A_104, %get3A_538] : memref<512x64xf32, #tpu.memory_space<vmem>> -> memref<8x64xf32, #tpu.memory_space<vmem>>
      %get3A_540 = arith.index_cast %get3A_537 : i32 to index
      %get3A_541 = arith.constant 0 : index
      %get3A_542 = tpu.vector_load %get3A_539[%get3A_540, %get3A_541] {strides = array<i32>} : memref<8x64xf32, #tpu.memory_space<vmem>>, vector<16xf32>,
      %get3A_543 = arith.constant 7 : i32
      %get3A_544 = arith.constant 0 : i32
      %get3A_545 = tpu.memref_slice %arg8[%multiple_of3A_118, %get3A_544] : memref<256x128xf32, #tpu.memory_space<vmem>> -> memref<8x128xf32, #tpu.memory_space<vmem>>
      %get3A_546 = arith.index_cast %get3A_543 : i32 to index
      %get3A_547 = arith.constant 0 : index
      %get3A_548 = tpu.vector_load %get3A_545[%get3A_546, %get3A_547] {strides = array<i32>} : memref<8x128xf32, #tpu.memory_space<vmem>>, vector<16xf32>,
      %sub3A_549 = arith.subf %get3A_542, %get3A_548 : vector<16xf32>
      %mul3A_550 = arith.mulf %sub3A_549, %sub3A_549 : vector<16xf32>
      %add3A_551 = arith.addf %add3A_536, %mul3A_550 : vector<16xf32>
      %get3A_552 = arith.constant 7 : i32
      %get3A_553 = arith.constant 0 : i32
      %get3A_554 = tpu.memref_slice %arg7[%multiple_of3A_104, %get3A_553] : memref<512x64xf32, #tpu.memory_space<vmem>> -> memref<8x64xf32, #tpu.memory_space<vmem>>
      %get3A_555 = arith.index_cast %get3A_552 : i32 to index
      %get3A_556 = arith.constant 16 : index
      %get3A_557 = tpu.vector_load %get3A_554[%get3A_555, %get3A_556] {strides = array<i32>} : memref<8x64xf32, #tpu.memory_space<vmem>>, vector<16xf32>,
      %get3A_558 = arith.constant 7 : i32
      %get3A_559 = arith.constant 0 : i32
      %get3A_560 = tpu.memref_slice %arg8[%multiple_of3A_118, %get3A_559] : memref<256x128xf32, #tpu.memory_space<vmem>> -> memref<8x128xf32, #tpu.memory_space<vmem>>
      %get3A_561 = arith.index_cast %get3A_558 : i32 to index
      %get3A_562 = arith.constant 16 : index
      %get3A_563 = tpu.vector_load %get3A_560[%get3A_561, %get3A_562] {strides = array<i32>} : memref<8x128xf32, #tpu.memory_space<vmem>>, vector<16xf32>,
      %sub3A_564 = arith.subf %get3A_557, %get3A_563 : vector<16xf32>
      %mul3A_565 = arith.mulf %sub3A_564, %sub3A_564 : vector<16xf32>
      %add3A_566 = arith.addf %add3A_551, %mul3A_565 : vector<16xf32>
      %get3A_567 = arith.constant 7 : i32
      %get3A_568 = arith.constant 0 : i32
      %get3A_569 = tpu.memref_slice %arg7[%multiple_of3A_104, %get3A_568] : memref<512x64xf32, #tpu.memory_space<vmem>> -> memref<8x64xf32, #tpu.memory_space<vmem>>
      %get3A_570 = arith.index_cast %get3A_567 : i32 to index
      %get3A_571 = arith.constant 32 : index
      %get3A_572 = tpu.vector_load %get3A_569[%get3A_570, %get3A_571] {strides = array<i32>} : memref<8x64xf32, #tpu.memory_space<vmem>>, vector<16xf32>,
      %get3A_573 = arith.constant 7 : i32
      %get3A_574 = arith.constant 0 : i32
      %get3A_575 = tpu.memref_slice %arg8[%multiple_of3A_118, %get3A_574] : memref<256x128xf32, #tpu.memory_space<vmem>> -> memref<8x128xf32, #tpu.memory_space<vmem>>
      %get3A_576 = arith.index_cast %get3A_573 : i32 to index
      %get3A_577 = arith.constant 32 : index
      %get3A_578 = tpu.vector_load %get3A_575[%get3A_576, %get3A_577] {strides = array<i32>} : memref<8x128xf32, #tpu.memory_space<vmem>>, vector<16xf32>,
      %sub3A_579 = arith.subf %get3A_572, %get3A_578 : vector<16xf32>
      %mul3A_580 = arith.mulf %sub3A_579, %sub3A_579 : vector<16xf32>
      %add3A_581 = arith.addf %add3A_566, %mul3A_580 : vector<16xf32>
      %get3A_582 = arith.constant 7 : i32
      %get3A_583 = arith.constant 0 : i32
      %get3A_584 = tpu.memref_slice %arg7[%multiple_of3A_104, %get3A_583] : memref<512x64xf32, #tpu.memory_space<vmem>> -> memref<8x64xf32, #tpu.memory_space<vmem>>
      %get3A_585 = arith.index_cast %get3A_582 : i32 to index
      %get3A_586 = arith.constant 48 : index
      %get3A_587 = tpu.vector_load %get3A_584[%get3A_585, %get3A_586] {strides = array<i32>} : memref<8x64xf32, #tpu.memory_space<vmem>>, vector<16xf32>,
      %get3A_588 = arith.constant 7 : i32
      %get3A_589 = arith.constant 0 : i32
      %get3A_590 = tpu.memref_slice %arg8[%multiple_of3A_118, %get3A_589] : memref<256x128xf32, #tpu.memory_space<vmem>> -> memref<8x128xf32, #tpu.memory_space<vmem>>
      %get3A_591 = arith.index_cast %get3A_588 : i32 to index
      %get3A_592 = arith.constant 48 : index
      %get3A_593 = tpu.vector_load %get3A_590[%get3A_591, %get3A_592] {strides = array<i32>} : memref<8x128xf32, #tpu.memory_space<vmem>>, vector<16xf32>,
      %sub3A_594 = arith.subf %get3A_587, %get3A_593 : vector<16xf32>
      %mul3A_595 = arith.mulf %sub3A_594, %sub3A_594 : vector<16xf32>
      %add3A_596 = arith.addf %add3A_581, %mul3A_595 : vector<16xf32>
      scf.yield %add3A_596 : vector<16xf32>
    }
    %scan3A_82 = arith.constant 16 : i32
    %dma_wait3A_83 = arith.constant 128 : i32
    %dma_wait3A_84 = arith.constant 0 : i32
    %dma_wait3A_85 = tpu.memref_slice %arg8[%dma_wait3A_83, %dma_wait3A_84] : memref<256x128xf32, #tpu.memory_space<vmem>> -> memref<128x128xf32, #tpu.memory_space<vmem>>
    %dma_wait3A_86 = arith.constant 384 : i32
    %dma_wait3A_87 = tpu.memref_slice %arg6[%dma_wait3A_86] : memref<512xi32, #tpu.memory_space<vmem>> -> memref<128xi32, #tpu.memory_space<vmem>>
    %dma_wait3A_88 = arith.constant 0 : i32
    %dma_wait3A_89 = arith.constant 0 : i32
    %dma_wait3A_90 = tpu.memref_slice %arg4[%dma_wait3A_88, %dma_wait3A_89] : memref<100000x128xf32, #tpu.memory_space<hbm>> -> memref<100000x128xf32, #tpu.memory_space<hbm>>
    tpu.wait_indirect_dma semaphore(%arg12 : memref<!tpu.dma_semaphore, #tpu.memory_space<semaphore_mem>>) src(%dma_wait3A_90 : memref<100000x128xf32, #tpu.memory_space<hbm>>) dst(%dma_wait3A_85 : memref<128x128xf32, #tpu.memory_space<vmem>>)
    %scan3A_91 = arith.constant 48 : i32
    %scan3A_92 = arith.constant 16 : i32
    %scan3A_93 = arith.addi %scan3A_91, %scan3A_92 : i32
    %scan3A_94 = arith.constant 1 : i32
    %scan3A_95 = scf.for %scan3A_100 = %scan3A_91 to %scan3A_93 step %scan3A_94 iter_args(%scan3A_101 = %scan3A_81) -> (vector<16xf32>)  : i32 {
      %mul3A_102 = arith.constant 8 : i32
      %mul3A_103 = arith.muli %scan3A_100, %mul3A_102 : i32
      %multiple_of3A_104 = tpu.assume_multiple %mul3A_103, 8 : i32
      %jit3A = arith.constant 16 : i32
      %eq3A = arith.constant 0 : i32
      %eq3A_105 = arith.cmpi eq, %jit3A, %eq3A : i32
      %jit3A_106 = arith.constant 1 : i32
      %select_n3A = arith.select %eq3A_105, %jit3A_106, %jit3A : i32
      %rem3A = arith.remsi %scan3A_100, %select_n3A : i32
      %ne3A = arith.constant 0 : i32
      %ne3A_107 = arith.cmpi ne, %rem3A, %ne3A : i32
      %lt3A = arith.constant 0 : i32
      %lt3A_108 = arith.cmpi slt, %rem3A, %lt3A : i32
      %lt3A_109 = arith.constant 0 : i32
      %lt3A_110 = arith.cmpi slt, %select_n3A, %lt3A_109 : i32
      %ne3A_111 = arith.xori %lt3A_108, %lt3A_110 : i1
      %and3A = arith.andi %ne3A_111, %ne3A_107 : i1
      %add3A_112 = arith.addi %rem3A, %select_n3A : i32
      %select_n3A_113 = arith.select %and3A, %add3A_112, %rem3A : i32
      %add3A_114 = arith.constant 16 : i32
      %add3A_115 = arith.addi %add3A_114, %select_n3A_113 : i32
      %mul3A_116 = arith.constant 8 : i32
      %mul3A_117 = arith.muli %add3A_115, %mul3A_116 : i32
      %multiple_of3A_118 = tpu.assume_multiple %mul3A_117, 8 : i32
      %get3A = arith.constant 0 : i32
      %get3A_119 = arith.constant 0 : i32
      %get3A_120 = tpu.memref_slice %arg7[%multiple_of3A_104, %get3A_119] : memref<512x64xf32, #tpu.memory_space<vmem>> -> memref<8x64xf32, #tpu.memory_space<vmem>>
      %get3A_121 = arith.index_cast %get3A : i32 to index
      %get3A_122 = arith.constant 0 : index
      %get3A_123 = tpu.vector_load %get3A_120[%get3A_121, %get3A_122] {strides = array<i32>} : memref<8x64xf32, #tpu.memory_space<vmem>>, vector<16xf32>,
      %get3A_124 = arith.constant 0 : i32
      %get3A_125 = arith.constant 0 : i32
      %get3A_126 = tpu.memref_slice %arg8[%multiple_of3A_118, %get3A_125] : memref<256x128xf32, #tpu.memory_space<vmem>> -> memref<8x128xf32, #tpu.memory_space<vmem>>
      %get3A_127 = arith.index_cast %get3A_124 : i32 to index
      %get3A_128 = arith.constant 0 : index
      %get3A_129 = tpu.vector_load %get3A_126[%get3A_127, %get3A_128] {strides = array<i32>} : memref<8x128xf32, #tpu.memory_space<vmem>>, vector<16xf32>,
      %sub3A = arith.subf %get3A_123, %get3A_129 : vector<16xf32>
      %mul3A_130 = arith.mulf %sub3A, %sub3A : vector<16xf32>
      %add3A_131 = arith.addf %scan3A_101, %mul3A_130 : vector<16xf32>
      %get3A_132 = arith.constant 0 : i32
      %get3A_133 = arith.constant 0 : i32
      %get3A_134 = tpu.memref_slice %arg7[%multiple_of3A_104, %get3A_133] : memref<512x64xf32, #tpu.memory_space<vmem>> -> memref<8x64xf32, #tpu.memory_space<vmem>>
      %get3A_135 = arith.index_cast %get3A_132 : i32 to index
      %get3A_136 = arith.constant 16 : index
      %get3A_137 = tpu.vector_load %get3A_134[%get3A_135, %get3A_136] {strides = array<i32>} : memref<8x64xf32, #tpu.memory_space<vmem>>, vector<16xf32>,
      %get3A_138 = arith.constant 0 : i32
      %get3A_139 = arith.constant 0 : i32
      %get3A_140 = tpu.memref_slice %arg8[%multiple_of3A_118, %get3A_139] : memref<256x128xf32, #tpu.memory_space<vmem>> -> memref<8x128xf32, #tpu.memory_space<vmem>>
      %get3A_141 = arith.index_cast %get3A_138 : i32 to index
      %get3A_142 = arith.constant 16 : index
      %get3A_143 = tpu.vector_load %get3A_140[%get3A_141, %get3A_142] {strides = array<i32>} : memref<8x128xf32, #tpu.memory_space<vmem>>, vector<16xf32>,
      %sub3A_144 = arith.subf %get3A_137, %get3A_143 : vector<16xf32>
      %mul3A_145 = arith.mulf %sub3A_144, %sub3A_144 : vector<16xf32>
      %add3A_146 = arith.addf %add3A_131, %mul3A_145 : vector<16xf32>
      %get3A_147 = arith.constant 0 : i32
      %get3A_148 = arith.constant 0 : i32
      %get3A_149 = tpu.memref_slice %arg7[%multiple_of3A_104, %get3A_148] : memref<512x64xf32, #tpu.memory_space<vmem>> -> memref<8x64xf32, #tpu.memory_space<vmem>>
      %get3A_150 = arith.index_cast %get3A_147 : i32 to index
      %get3A_151 = arith.constant 32 : index
      %get3A_152 = tpu.vector_load %get3A_149[%get3A_150, %get3A_151] {strides = array<i32>} : memref<8x64xf32, #tpu.memory_space<vmem>>, vector<16xf32>,
      %get3A_153 = arith.constant 0 : i32
      %get3A_154 = arith.constant 0 : i32
      %get3A_155 = tpu.memref_slice %arg8[%multiple_of3A_118, %get3A_154] : memref<256x128xf32, #tpu.memory_space<vmem>> -> memref<8x128xf32, #tpu.memory_space<vmem>>
      %get3A_156 = arith.index_cast %get3A_153 : i32 to index
      %get3A_157 = arith.constant 32 : index
      %get3A_158 = tpu.vector_load %get3A_155[%get3A_156, %get3A_157] {strides = array<i32>} : memref<8x128xf32, #tpu.memory_space<vmem>>, vector<16xf32>,
      %sub3A_159 = arith.subf %get3A_152, %get3A_158 : vector<16xf32>
      %mul3A_160 = arith.mulf %sub3A_159, %sub3A_159 : vector<16xf32>
      %add3A_161 = arith.addf %add3A_146, %mul3A_160 : vector<16xf32>
      %get3A_162 = arith.constant 0 : i32
      %get3A_163 = arith.constant 0 : i32
      %get3A_164 = tpu.memref_slice %arg7[%multiple_of3A_104, %get3A_163] : memref<512x64xf32, #tpu.memory_space<vmem>> -> memref<8x64xf32, #tpu.memory_space<vmem>>
      %get3A_165 = arith.index_cast %get3A_162 : i32 to index
      %get3A_166 = arith.constant 48 : index
      %get3A_167 = tpu.vector_load %get3A_164[%get3A_165, %get3A_166] {strides = array<i32>} : memref<8x64xf32, #tpu.memory_space<vmem>>, vector<16xf32>,
      %get3A_168 = arith.constant 0 : i32
      %get3A_169 = arith.constant 0 : i32
      %get3A_170 = tpu.memref_slice %arg8[%multiple_of3A_118, %get3A_169] : memref<256x128xf32, #tpu.memory_space<vmem>> -> memref<8x128xf32, #tpu.memory_space<vmem>>
      %get3A_171 = arith.index_cast %get3A_168 : i32 to index
      %get3A_172 = arith.constant 48 : index
      %get3A_173 = tpu.vector_load %get3A_170[%get3A_171, %get3A_172] {strides = array<i32>} : memref<8x128xf32, #tpu.memory_space<vmem>>, vector<16xf32>,
      %sub3A_174 = arith.subf %get3A_167, %get3A_173 : vector<16xf32>
      %mul3A_175 = arith.mulf %sub3A_174, %sub3A_174 : vector<16xf32>
      %add3A_176 = arith.addf %add3A_161, %mul3A_175 : vector<16xf32>
      %get3A_177 = arith.constant 1 : i32
      %get3A_178 = arith.constant 0 : i32
      %get3A_179 = tpu.memref_slice %arg7[%multiple_of3A_104, %get3A_178] : memref<512x64xf32, #tpu.memory_space<vmem>> -> memref<8x64xf32, #tpu.memory_space<vmem>>
      %get3A_180 = arith.index_cast %get3A_177 : i32 to index
      %get3A_181 = arith.constant 0 : index
      %get3A_182 = tpu.vector_load %get3A_179[%get3A_180, %get3A_181] {strides = array<i32>} : memref<8x64xf32, #tpu.memory_space<vmem>>, vector<16xf32>,
      %get3A_183 = arith.constant 1 : i32
      %get3A_184 = arith.constant 0 : i32
      %get3A_185 = tpu.memref_slice %arg8[%multiple_of3A_118, %get3A_184] : memref<256x128xf32, #tpu.memory_space<vmem>> -> memref<8x128xf32, #tpu.memory_space<vmem>>
      %get3A_186 = arith.index_cast %get3A_183 : i32 to index
      %get3A_187 = arith.constant 0 : index
      %get3A_188 = tpu.vector_load %get3A_185[%get3A_186, %get3A_187] {strides = array<i32>} : memref<8x128xf32, #tpu.memory_space<vmem>>, vector<16xf32>,
      %sub3A_189 = arith.subf %get3A_182, %get3A_188 : vector<16xf32>
      %mul3A_190 = arith.mulf %sub3A_189, %sub3A_189 : vector<16xf32>
      %add3A_191 = arith.addf %add3A_176, %mul3A_190 : vector<16xf32>
      %get3A_192 = arith.constant 1 : i32
      %get3A_193 = arith.constant 0 : i32
      %get3A_194 = tpu.memref_slice %arg7[%multiple_of3A_104, %get3A_193] : memref<512x64xf32, #tpu.memory_space<vmem>> -> memref<8x64xf32, #tpu.memory_space<vmem>>
      %get3A_195 = arith.index_cast %get3A_192 : i32 to index
      %get3A_196 = arith.constant 16 : index
      %get3A_197 = tpu.vector_load %get3A_194[%get3A_195, %get3A_196] {strides = array<i32>} : memref<8x64xf32, #tpu.memory_space<vmem>>, vector<16xf32>,
      %get3A_198 = arith.constant 1 : i32
      %get3A_199 = arith.constant 0 : i32
      %get3A_200 = tpu.memref_slice %arg8[%multiple_of3A_118, %get3A_199] : memref<256x128xf32, #tpu.memory_space<vmem>> -> memref<8x128xf32, #tpu.memory_space<vmem>>
      %get3A_201 = arith.index_cast %get3A_198 : i32 to index
      %get3A_202 = arith.constant 16 : index
      %get3A_203 = tpu.vector_load %get3A_200[%get3A_201, %get3A_202] {strides = array<i32>} : memref<8x128xf32, #tpu.memory_space<vmem>>, vector<16xf32>,
      %sub3A_204 = arith.subf %get3A_197, %get3A_203 : vector<16xf32>
      %mul3A_205 = arith.mulf %sub3A_204, %sub3A_204 : vector<16xf32>
      %add3A_206 = arith.addf %add3A_191, %mul3A_205 : vector<16xf32>
      %get3A_207 = arith.constant 1 : i32
      %get3A_208 = arith.constant 0 : i32
      %get3A_209 = tpu.memref_slice %arg7[%multiple_of3A_104, %get3A_208] : memref<512x64xf32, #tpu.memory_space<vmem>> -> memref<8x64xf32, #tpu.memory_space<vmem>>
      %get3A_210 = arith.index_cast %get3A_207 : i32 to index
      %get3A_211 = arith.constant 32 : index
      %get3A_212 = tpu.vector_load %get3A_209[%get3A_210, %get3A_211] {strides = array<i32>} : memref<8x64xf32, #tpu.memory_space<vmem>>, vector<16xf32>,
      %get3A_213 = arith.constant 1 : i32
      %get3A_214 = arith.constant 0 : i32
      %get3A_215 = tpu.memref_slice %arg8[%multiple_of3A_118, %get3A_214] : memref<256x128xf32, #tpu.memory_space<vmem>> -> memref<8x128xf32, #tpu.memory_space<vmem>>
      %get3A_216 = arith.index_cast %get3A_213 : i32 to index
      %get3A_217 = arith.constant 32 : index
      %get3A_218 = tpu.vector_load %get3A_215[%get3A_216, %get3A_217] {strides = array<i32>} : memref<8x128xf32, #tpu.memory_space<vmem>>, vector<16xf32>,
      %sub3A_219 = arith.subf %get3A_212, %get3A_218 : vector<16xf32>
      %mul3A_220 = arith.mulf %sub3A_219, %sub3A_219 : vector<16xf32>
      %add3A_221 = arith.addf %add3A_206, %mul3A_220 : vector<16xf32>
      %get3A_222 = arith.constant 1 : i32
      %get3A_223 = arith.constant 0 : i32
      %get3A_224 = tpu.memref_slice %arg7[%multiple_of3A_104, %get3A_223] : memref<512x64xf32, #tpu.memory_space<vmem>> -> memref<8x64xf32, #tpu.memory_space<vmem>>
      %get3A_225 = arith.index_cast %get3A_222 : i32 to index
      %get3A_226 = arith.constant 48 : index
      %get3A_227 = tpu.vector_load %get3A_224[%get3A_225, %get3A_226] {strides = array<i32>} : memref<8x64xf32, #tpu.memory_space<vmem>>, vector<16xf32>,
      %get3A_228 = arith.constant 1 : i32
      %get3A_229 = arith.constant 0 : i32
      %get3A_230 = tpu.memref_slice %arg8[%multiple_of3A_118, %get3A_229] : memref<256x128xf32, #tpu.memory_space<vmem>> -> memref<8x128xf32, #tpu.memory_space<vmem>>
      %get3A_231 = arith.index_cast %get3A_228 : i32 to index
      %get3A_232 = arith.constant 48 : index
      %get3A_233 = tpu.vector_load %get3A_230[%get3A_231, %get3A_232] {strides = array<i32>} : memref<8x128xf32, #tpu.memory_space<vmem>>, vector<16xf32>,
      %sub3A_234 = arith.subf %get3A_227, %get3A_233 : vector<16xf32>
      %mul3A_235 = arith.mulf %sub3A_234, %sub3A_234 : vector<16xf32>
      %add3A_236 = arith.addf %add3A_221, %mul3A_235 : vector<16xf32>
      %get3A_237 = arith.constant 2 : i32
      %get3A_238 = arith.constant 0 : i32
      %get3A_239 = tpu.memref_slice %arg7[%multiple_of3A_104, %get3A_238] : memref<512x64xf32, #tpu.memory_space<vmem>> -> memref<8x64xf32, #tpu.memory_space<vmem>>
      %get3A_240 = arith.index_cast %get3A_237 : i32 to index
      %get3A_241 = arith.constant 0 : index
      %get3A_242 = tpu.vector_load %get3A_239[%get3A_240, %get3A_241] {strides = array<i32>} : memref<8x64xf32, #tpu.memory_space<vmem>>, vector<16xf32>,
      %get3A_243 = arith.constant 2 : i32
      %get3A_244 = arith.constant 0 : i32
      %get3A_245 = tpu.memref_slice %arg8[%multiple_of3A_118, %get3A_244] : memref<256x128xf32, #tpu.memory_space<vmem>> -> memref<8x128xf32, #tpu.memory_space<vmem>>
      %get3A_246 = arith.index_cast %get3A_243 : i32 to index
      %get3A_247 = arith.constant 0 : index
      %get3A_248 = tpu.vector_load %get3A_245[%get3A_246, %get3A_247] {strides = array<i32>} : memref<8x128xf32, #tpu.memory_space<vmem>>, vector<16xf32>,
      %sub3A_249 = arith.subf %get3A_242, %get3A_248 : vector<16xf32>
      %mul3A_250 = arith.mulf %sub3A_249, %sub3A_249 : vector<16xf32>
      %add3A_251 = arith.addf %add3A_236, %mul3A_250 : vector<16xf32>
      %get3A_252 = arith.constant 2 : i32
      %get3A_253 = arith.constant 0 : i32
      %get3A_254 = tpu.memref_slice %arg7[%multiple_of3A_104, %get3A_253] : memref<512x64xf32, #tpu.memory_space<vmem>> -> memref<8x64xf32, #tpu.memory_space<vmem>>
      %get3A_255 = arith.index_cast %get3A_252 : i32 to index
      %get3A_256 = arith.constant 16 : index
      %get3A_257 = tpu.vector_load %get3A_254[%get3A_255, %get3A_256] {strides = array<i32>} : memref<8x64xf32, #tpu.memory_space<vmem>>, vector<16xf32>,
      %get3A_258 = arith.constant 2 : i32
      %get3A_259 = arith.constant 0 : i32
      %get3A_260 = tpu.memref_slice %arg8[%multiple_of3A_118, %get3A_259] : memref<256x128xf32, #tpu.memory_space<vmem>> -> memref<8x128xf32, #tpu.memory_space<vmem>>
      %get3A_261 = arith.index_cast %get3A_258 : i32 to index
      %get3A_262 = arith.constant 16 : index
      %get3A_263 = tpu.vector_load %get3A_260[%get3A_261, %get3A_262] {strides = array<i32>} : memref<8x128xf32, #tpu.memory_space<vmem>>, vector<16xf32>,
      %sub3A_264 = arith.subf %get3A_257, %get3A_263 : vector<16xf32>
      %mul3A_265 = arith.mulf %sub3A_264, %sub3A_264 : vector<16xf32>
      %add3A_266 = arith.addf %add3A_251, %mul3A_265 : vector<16xf32>
      %get3A_267 = arith.constant 2 : i32
      %get3A_268 = arith.constant 0 : i32
      %get3A_269 = tpu.memref_slice %arg7[%multiple_of3A_104, %get3A_268] : memref<512x64xf32, #tpu.memory_space<vmem>> -> memref<8x64xf32, #tpu.memory_space<vmem>>
      %get3A_270 = arith.index_cast %get3A_267 : i32 to index
      %get3A_271 = arith.constant 32 : index
      %get3A_272 = tpu.vector_load %get3A_269[%get3A_270, %get3A_271] {strides = array<i32>} : memref<8x64xf32, #tpu.memory_space<vmem>>, vector<16xf32>,
      %get3A_273 = arith.constant 2 : i32
      %get3A_274 = arith.constant 0 : i32
      %get3A_275 = tpu.memref_slice %arg8[%multiple_of3A_118, %get3A_274] : memref<256x128xf32, #tpu.memory_space<vmem>> -> memref<8x128xf32, #tpu.memory_space<vmem>>
      %get3A_276 = arith.index_cast %get3A_273 : i32 to index
      %get3A_277 = arith.constant 32 : index
      %get3A_278 = tpu.vector_load %get3A_275[%get3A_276, %get3A_277] {strides = array<i32>} : memref<8x128xf32, #tpu.memory_space<vmem>>, vector<16xf32>,
      %sub3A_279 = arith.subf %get3A_272, %get3A_278 : vector<16xf32>
      %mul3A_280 = arith.mulf %sub3A_279, %sub3A_279 : vector<16xf32>
      %add3A_281 = arith.addf %add3A_266, %mul3A_280 : vector<16xf32>
      %get3A_282 = arith.constant 2 : i32
      %get3A_283 = arith.constant 0 : i32
      %get3A_284 = tpu.memref_slice %arg7[%multiple_of3A_104, %get3A_283] : memref<512x64xf32, #tpu.memory_space<vmem>> -> memref<8x64xf32, #tpu.memory_space<vmem>>
      %get3A_285 = arith.index_cast %get3A_282 : i32 to index
      %get3A_286 = arith.constant 48 : index
      %get3A_287 = tpu.vector_load %get3A_284[%get3A_285, %get3A_286] {strides = array<i32>} : memref<8x64xf32, #tpu.memory_space<vmem>>, vector<16xf32>,
      %get3A_288 = arith.constant 2 : i32
      %get3A_289 = arith.constant 0 : i32
      %get3A_290 = tpu.memref_slice %arg8[%multiple_of3A_118, %get3A_289] : memref<256x128xf32, #tpu.memory_space<vmem>> -> memref<8x128xf32, #tpu.memory_space<vmem>>
      %get3A_291 = arith.index_cast %get3A_288 : i32 to index
      %get3A_292 = arith.constant 48 : index
      %get3A_293 = tpu.vector_load %get3A_290[%get3A_291, %get3A_292] {strides = array<i32>} : memref<8x128xf32, #tpu.memory_space<vmem>>, vector<16xf32>,
      %sub3A_294 = arith.subf %get3A_287, %get3A_293 : vector<16xf32>
      %mul3A_295 = arith.mulf %sub3A_294, %sub3A_294 : vector<16xf32>
      %add3A_296 = arith.addf %add3A_281, %mul3A_295 : vector<16xf32>
      %get3A_297 = arith.constant 3 : i32
      %get3A_298 = arith.constant 0 : i32
      %get3A_299 = tpu.memref_slice %arg7[%multiple_of3A_104, %get3A_298] : memref<512x64xf32, #tpu.memory_space<vmem>> -> memref<8x64xf32, #tpu.memory_space<vmem>>
      %get3A_300 = arith.index_cast %get3A_297 : i32 to index
      %get3A_301 = arith.constant 0 : index
      %get3A_302 = tpu.vector_load %get3A_299[%get3A_300, %get3A_301] {strides = array<i32>} : memref<8x64xf32, #tpu.memory_space<vmem>>, vector<16xf32>,
      %get3A_303 = arith.constant 3 : i32
      %get3A_304 = arith.constant 0 : i32
      %get3A_305 = tpu.memref_slice %arg8[%multiple_of3A_118, %get3A_304] : memref<256x128xf32, #tpu.memory_space<vmem>> -> memref<8x128xf32, #tpu.memory_space<vmem>>
      %get3A_306 = arith.index_cast %get3A_303 : i32 to index
      %get3A_307 = arith.constant 0 : index
      %get3A_308 = tpu.vector_load %get3A_305[%get3A_306, %get3A_307] {strides = array<i32>} : memref<8x128xf32, #tpu.memory_space<vmem>>, vector<16xf32>,
      %sub3A_309 = arith.subf %get3A_302, %get3A_308 : vector<16xf32>
      %mul3A_310 = arith.mulf %sub3A_309, %sub3A_309 : vector<16xf32>
      %add3A_311 = arith.addf %add3A_296, %mul3A_310 : vector<16xf32>
      %get3A_312 = arith.constant 3 : i32
      %get3A_313 = arith.constant 0 : i32
      %get3A_314 = tpu.memref_slice %arg7[%multiple_of3A_104, %get3A_313] : memref<512x64xf32, #tpu.memory_space<vmem>> -> memref<8x64xf32, #tpu.memory_space<vmem>>
      %get3A_315 = arith.index_cast %get3A_312 : i32 to index
      %get3A_316 = arith.constant 16 : index
      %get3A_317 = tpu.vector_load %get3A_314[%get3A_315, %get3A_316] {strides = array<i32>} : memref<8x64xf32, #tpu.memory_space<vmem>>, vector<16xf32>,
      %get3A_318 = arith.constant 3 : i32
      %get3A_319 = arith.constant 0 : i32
      %get3A_320 = tpu.memref_slice %arg8[%multiple_of3A_118, %get3A_319] : memref<256x128xf32, #tpu.memory_space<vmem>> -> memref<8x128xf32, #tpu.memory_space<vmem>>
      %get3A_321 = arith.index_cast %get3A_318 : i32 to index
      %get3A_322 = arith.constant 16 : index
      %get3A_323 = tpu.vector_load %get3A_320[%get3A_321, %get3A_322] {strides = array<i32>} : memref<8x128xf32, #tpu.memory_space<vmem>>, vector<16xf32>,
      %sub3A_324 = arith.subf %get3A_317, %get3A_323 : vector<16xf32>
      %mul3A_325 = arith.mulf %sub3A_324, %sub3A_324 : vector<16xf32>
      %add3A_326 = arith.addf %add3A_311, %mul3A_325 : vector<16xf32>
      %get3A_327 = arith.constant 3 : i32
      %get3A_328 = arith.constant 0 : i32
      %get3A_329 = tpu.memref_slice %arg7[%multiple_of3A_104, %get3A_328] : memref<512x64xf32, #tpu.memory_space<vmem>> -> memref<8x64xf32, #tpu.memory_space<vmem>>
      %get3A_330 = arith.index_cast %get3A_327 : i32 to index
      %get3A_331 = arith.constant 32 : index
      %get3A_332 = tpu.vector_load %get3A_329[%get3A_330, %get3A_331] {strides = array<i32>} : memref<8x64xf32, #tpu.memory_space<vmem>>, vector<16xf32>,
      %get3A_333 = arith.constant 3 : i32
      %get3A_334 = arith.constant 0 : i32
      %get3A_335 = tpu.memref_slice %arg8[%multiple_of3A_118, %get3A_334] : memref<256x128xf32, #tpu.memory_space<vmem>> -> memref<8x128xf32, #tpu.memory_space<vmem>>
      %get3A_336 = arith.index_cast %get3A_333 : i32 to index
      %get3A_337 = arith.constant 32 : index
      %get3A_338 = tpu.vector_load %get3A_335[%get3A_336, %get3A_337] {strides = array<i32>} : memref<8x128xf32, #tpu.memory_space<vmem>>, vector<16xf32>,
      %sub3A_339 = arith.subf %get3A_332, %get3A_338 : vector<16xf32>
      %mul3A_340 = arith.mulf %sub3A_339, %sub3A_339 : vector<16xf32>
      %add3A_341 = arith.addf %add3A_326, %mul3A_340 : vector<16xf32>
      %get3A_342 = arith.constant 3 : i32
      %get3A_343 = arith.constant 0 : i32
      %get3A_344 = tpu.memref_slice %arg7[%multiple_of3A_104, %get3A_343] : memref<512x64xf32, #tpu.memory_space<vmem>> -> memref<8x64xf32, #tpu.memory_space<vmem>>
      %get3A_345 = arith.index_cast %get3A_342 : i32 to index
      %get3A_346 = arith.constant 48 : index
      %get3A_347 = tpu.vector_load %get3A_344[%get3A_345, %get3A_346] {strides = array<i32>} : memref<8x64xf32, #tpu.memory_space<vmem>>, vector<16xf32>,
      %get3A_348 = arith.constant 3 : i32
      %get3A_349 = arith.constant 0 : i32
      %get3A_350 = tpu.memref_slice %arg8[%multiple_of3A_118, %get3A_349] : memref<256x128xf32, #tpu.memory_space<vmem>> -> memref<8x128xf32, #tpu.memory_space<vmem>>
      %get3A_351 = arith.index_cast %get3A_348 : i32 to index
      %get3A_352 = arith.constant 48 : index
      %get3A_353 = tpu.vector_load %get3A_350[%get3A_351, %get3A_352] {strides = array<i32>} : memref<8x128xf32, #tpu.memory_space<vmem>>, vector<16xf32>,
      %sub3A_354 = arith.subf %get3A_347, %get3A_353 : vector<16xf32>
      %mul3A_355 = arith.mulf %sub3A_354, %sub3A_354 : vector<16xf32>
      %add3A_356 = arith.addf %add3A_341, %mul3A_355 : vector<16xf32>
      %get3A_357 = arith.constant 4 : i32
      %get3A_358 = arith.constant 0 : i32
      %get3A_359 = tpu.memref_slice %arg7[%multiple_of3A_104, %get3A_358] : memref<512x64xf32, #tpu.memory_space<vmem>> -> memref<8x64xf32, #tpu.memory_space<vmem>>
      %get3A_360 = arith.index_cast %get3A_357 : i32 to index
      %get3A_361 = arith.constant 0 : index
      %get3A_362 = tpu.vector_load %get3A_359[%get3A_360, %get3A_361] {strides = array<i32>} : memref<8x64xf32, #tpu.memory_space<vmem>>, vector<16xf32>,
      %get3A_363 = arith.constant 4 : i32
      %get3A_364 = arith.constant 0 : i32
      %get3A_365 = tpu.memref_slice %arg8[%multiple_of3A_118, %get3A_364] : memref<256x128xf32, #tpu.memory_space<vmem>> -> memref<8x128xf32, #tpu.memory_space<vmem>>
      %get3A_366 = arith.index_cast %get3A_363 : i32 to index
      %get3A_367 = arith.constant 0 : index
      %get3A_368 = tpu.vector_load %get3A_365[%get3A_366, %get3A_367] {strides = array<i32>} : memref<8x128xf32, #tpu.memory_space<vmem>>, vector<16xf32>,
      %sub3A_369 = arith.subf %get3A_362, %get3A_368 : vector<16xf32>
      %mul3A_370 = arith.mulf %sub3A_369, %sub3A_369 : vector<16xf32>
      %add3A_371 = arith.addf %add3A_356, %mul3A_370 : vector<16xf32>
      %get3A_372 = arith.constant 4 : i32
      %get3A_373 = arith.constant 0 : i32
      %get3A_374 = tpu.memref_slice %arg7[%multiple_of3A_104, %get3A_373] : memref<512x64xf32, #tpu.memory_space<vmem>> -> memref<8x64xf32, #tpu.memory_space<vmem>>
      %get3A_375 = arith.index_cast %get3A_372 : i32 to index
      %get3A_376 = arith.constant 16 : index
      %get3A_377 = tpu.vector_load %get3A_374[%get3A_375, %get3A_376] {strides = array<i32>} : memref<8x64xf32, #tpu.memory_space<vmem>>, vector<16xf32>,
      %get3A_378 = arith.constant 4 : i32
      %get3A_379 = arith.constant 0 : i32
      %get3A_380 = tpu.memref_slice %arg8[%multiple_of3A_118, %get3A_379] : memref<256x128xf32, #tpu.memory_space<vmem>> -> memref<8x128xf32, #tpu.memory_space<vmem>>
      %get3A_381 = arith.index_cast %get3A_378 : i32 to index
      %get3A_382 = arith.constant 16 : index
      %get3A_383 = tpu.vector_load %get3A_380[%get3A_381, %get3A_382] {strides = array<i32>} : memref<8x128xf32, #tpu.memory_space<vmem>>, vector<16xf32>,
      %sub3A_384 = arith.subf %get3A_377, %get3A_383 : vector<16xf32>
      %mul3A_385 = arith.mulf %sub3A_384, %sub3A_384 : vector<16xf32>
      %add3A_386 = arith.addf %add3A_371, %mul3A_385 : vector<16xf32>
      %get3A_387 = arith.constant 4 : i32
      %get3A_388 = arith.constant 0 : i32
      %get3A_389 = tpu.memref_slice %arg7[%multiple_of3A_104, %get3A_388] : memref<512x64xf32, #tpu.memory_space<vmem>> -> memref<8x64xf32, #tpu.memory_space<vmem>>
      %get3A_390 = arith.index_cast %get3A_387 : i32 to index
      %get3A_391 = arith.constant 32 : index
      %get3A_392 = tpu.vector_load %get3A_389[%get3A_390, %get3A_391] {strides = array<i32>} : memref<8x64xf32, #tpu.memory_space<vmem>>, vector<16xf32>,
      %get3A_393 = arith.constant 4 : i32
      %get3A_394 = arith.constant 0 : i32
      %get3A_395 = tpu.memref_slice %arg8[%multiple_of3A_118, %get3A_394] : memref<256x128xf32, #tpu.memory_space<vmem>> -> memref<8x128xf32, #tpu.memory_space<vmem>>
      %get3A_396 = arith.index_cast %get3A_393 : i32 to index
      %get3A_397 = arith.constant 32 : index
      %get3A_398 = tpu.vector_load %get3A_395[%get3A_396, %get3A_397] {strides = array<i32>} : memref<8x128xf32, #tpu.memory_space<vmem>>, vector<16xf32>,
      %sub3A_399 = arith.subf %get3A_392, %get3A_398 : vector<16xf32>
      %mul3A_400 = arith.mulf %sub3A_399, %sub3A_399 : vector<16xf32>
      %add3A_401 = arith.addf %add3A_386, %mul3A_400 : vector<16xf32>
      %get3A_402 = arith.constant 4 : i32
      %get3A_403 = arith.constant 0 : i32
      %get3A_404 = tpu.memref_slice %arg7[%multiple_of3A_104, %get3A_403] : memref<512x64xf32, #tpu.memory_space<vmem>> -> memref<8x64xf32, #tpu.memory_space<vmem>>
      %get3A_405 = arith.index_cast %get3A_402 : i32 to index
      %get3A_406 = arith.constant 48 : index
      %get3A_407 = tpu.vector_load %get3A_404[%get3A_405, %get3A_406] {strides = array<i32>} : memref<8x64xf32, #tpu.memory_space<vmem>>, vector<16xf32>,
      %get3A_408 = arith.constant 4 : i32
      %get3A_409 = arith.constant 0 : i32
      %get3A_410 = tpu.memref_slice %arg8[%multiple_of3A_118, %get3A_409] : memref<256x128xf32, #tpu.memory_space<vmem>> -> memref<8x128xf32, #tpu.memory_space<vmem>>
      %get3A_411 = arith.index_cast %get3A_408 : i32 to index
      %get3A_412 = arith.constant 48 : index
      %get3A_413 = tpu.vector_load %get3A_410[%get3A_411, %get3A_412] {strides = array<i32>} : memref<8x128xf32, #tpu.memory_space<vmem>>, vector<16xf32>,
      %sub3A_414 = arith.subf %get3A_407, %get3A_413 : vector<16xf32>
      %mul3A_415 = arith.mulf %sub3A_414, %sub3A_414 : vector<16xf32>
      %add3A_416 = arith.addf %add3A_401, %mul3A_415 : vector<16xf32>
      %get3A_417 = arith.constant 5 : i32
      %get3A_418 = arith.constant 0 : i32
      %get3A_419 = tpu.memref_slice %arg7[%multiple_of3A_104, %get3A_418] : memref<512x64xf32, #tpu.memory_space<vmem>> -> memref<8x64xf32, #tpu.memory_space<vmem>>
      %get3A_420 = arith.index_cast %get3A_417 : i32 to index
      %get3A_421 = arith.constant 0 : index
      %get3A_422 = tpu.vector_load %get3A_419[%get3A_420, %get3A_421] {strides = array<i32>} : memref<8x64xf32, #tpu.memory_space<vmem>>, vector<16xf32>,
      %get3A_423 = arith.constant 5 : i32
      %get3A_424 = arith.constant 0 : i32
      %get3A_425 = tpu.memref_slice %arg8[%multiple_of3A_118, %get3A_424] : memref<256x128xf32, #tpu.memory_space<vmem>> -> memref<8x128xf32, #tpu.memory_space<vmem>>
      %get3A_426 = arith.index_cast %get3A_423 : i32 to index
      %get3A_427 = arith.constant 0 : index
      %get3A_428 = tpu.vector_load %get3A_425[%get3A_426, %get3A_427] {strides = array<i32>} : memref<8x128xf32, #tpu.memory_space<vmem>>, vector<16xf32>,
      %sub3A_429 = arith.subf %get3A_422, %get3A_428 : vector<16xf32>
      %mul3A_430 = arith.mulf %sub3A_429, %sub3A_429 : vector<16xf32>
      %add3A_431 = arith.addf %add3A_416, %mul3A_430 : vector<16xf32>
      %get3A_432 = arith.constant 5 : i32
      %get3A_433 = arith.constant 0 : i32
      %get3A_434 = tpu.memref_slice %arg7[%multiple_of3A_104, %get3A_433] : memref<512x64xf32, #tpu.memory_space<vmem>> -> memref<8x64xf32, #tpu.memory_space<vmem>>
      %get3A_435 = arith.index_cast %get3A_432 : i32 to index
      %get3A_436 = arith.constant 16 : index
      %get3A_437 = tpu.vector_load %get3A_434[%get3A_435, %get3A_436] {strides = array<i32>} : memref<8x64xf32, #tpu.memory_space<vmem>>, vector<16xf32>,
      %get3A_438 = arith.constant 5 : i32
      %get3A_439 = arith.constant 0 : i32
      %get3A_440 = tpu.memref_slice %arg8[%multiple_of3A_118, %get3A_439] : memref<256x128xf32, #tpu.memory_space<vmem>> -> memref<8x128xf32, #tpu.memory_space<vmem>>
      %get3A_441 = arith.index_cast %get3A_438 : i32 to index
      %get3A_442 = arith.constant 16 : index
      %get3A_443 = tpu.vector_load %get3A_440[%get3A_441, %get3A_442] {strides = array<i32>} : memref<8x128xf32, #tpu.memory_space<vmem>>, vector<16xf32>,
      %sub3A_444 = arith.subf %get3A_437, %get3A_443 : vector<16xf32>
      %mul3A_445 = arith.mulf %sub3A_444, %sub3A_444 : vector<16xf32>
      %add3A_446 = arith.addf %add3A_431, %mul3A_445 : vector<16xf32>
      %get3A_447 = arith.constant 5 : i32
      %get3A_448 = arith.constant 0 : i32
      %get3A_449 = tpu.memref_slice %arg7[%multiple_of3A_104, %get3A_448] : memref<512x64xf32, #tpu.memory_space<vmem>> -> memref<8x64xf32, #tpu.memory_space<vmem>>
      %get3A_450 = arith.index_cast %get3A_447 : i32 to index
      %get3A_451 = arith.constant 32 : index
      %get3A_452 = tpu.vector_load %get3A_449[%get3A_450, %get3A_451] {strides = array<i32>} : memref<8x64xf32, #tpu.memory_space<vmem>>, vector<16xf32>,
      %get3A_453 = arith.constant 5 : i32
      %get3A_454 = arith.constant 0 : i32
      %get3A_455 = tpu.memref_slice %arg8[%multiple_of3A_118, %get3A_454] : memref<256x128xf32, #tpu.memory_space<vmem>> -> memref<8x128xf32, #tpu.memory_space<vmem>>
      %get3A_456 = arith.index_cast %get3A_453 : i32 to index
      %get3A_457 = arith.constant 32 : index
      %get3A_458 = tpu.vector_load %get3A_455[%get3A_456, %get3A_457] {strides = array<i32>} : memref<8x128xf32, #tpu.memory_space<vmem>>, vector<16xf32>,
      %sub3A_459 = arith.subf %get3A_452, %get3A_458 : vector<16xf32>
      %mul3A_460 = arith.mulf %sub3A_459, %sub3A_459 : vector<16xf32>
      %add3A_461 = arith.addf %add3A_446, %mul3A_460 : vector<16xf32>
      %get3A_462 = arith.constant 5 : i32
      %get3A_463 = arith.constant 0 : i32
      %get3A_464 = tpu.memref_slice %arg7[%multiple_of3A_104, %get3A_463] : memref<512x64xf32, #tpu.memory_space<vmem>> -> memref<8x64xf32, #tpu.memory_space<vmem>>
      %get3A_465 = arith.index_cast %get3A_462 : i32 to index
      %get3A_466 = arith.constant 48 : index
      %get3A_467 = tpu.vector_load %get3A_464[%get3A_465, %get3A_466] {strides = array<i32>} : memref<8x64xf32, #tpu.memory_space<vmem>>, vector<16xf32>,
      %get3A_468 = arith.constant 5 : i32
      %get3A_469 = arith.constant 0 : i32
      %get3A_470 = tpu.memref_slice %arg8[%multiple_of3A_118, %get3A_469] : memref<256x128xf32, #tpu.memory_space<vmem>> -> memref<8x128xf32, #tpu.memory_space<vmem>>
      %get3A_471 = arith.index_cast %get3A_468 : i32 to index
      %get3A_472 = arith.constant 48 : index
      %get3A_473 = tpu.vector_load %get3A_470[%get3A_471, %get3A_472] {strides = array<i32>} : memref<8x128xf32, #tpu.memory_space<vmem>>, vector<16xf32>,
      %sub3A_474 = arith.subf %get3A_467, %get3A_473 : vector<16xf32>
      %mul3A_475 = arith.mulf %sub3A_474, %sub3A_474 : vector<16xf32>
      %add3A_476 = arith.addf %add3A_461, %mul3A_475 : vector<16xf32>
      %get3A_477 = arith.constant 6 : i32
      %get3A_478 = arith.constant 0 : i32
      %get3A_479 = tpu.memref_slice %arg7[%multiple_of3A_104, %get3A_478] : memref<512x64xf32, #tpu.memory_space<vmem>> -> memref<8x64xf32, #tpu.memory_space<vmem>>
      %get3A_480 = arith.index_cast %get3A_477 : i32 to index
      %get3A_481 = arith.constant 0 : index
      %get3A_482 = tpu.vector_load %get3A_479[%get3A_480, %get3A_481] {strides = array<i32>} : memref<8x64xf32, #tpu.memory_space<vmem>>, vector<16xf32>,
      %get3A_483 = arith.constant 6 : i32
      %get3A_484 = arith.constant 0 : i32
      %get3A_485 = tpu.memref_slice %arg8[%multiple_of3A_118, %get3A_484] : memref<256x128xf32, #tpu.memory_space<vmem>> -> memref<8x128xf32, #tpu.memory_space<vmem>>
      %get3A_486 = arith.index_cast %get3A_483 : i32 to index
      %get3A_487 = arith.constant 0 : index
      %get3A_488 = tpu.vector_load %get3A_485[%get3A_486, %get3A_487] {strides = array<i32>} : memref<8x128xf32, #tpu.memory_space<vmem>>, vector<16xf32>,
      %sub3A_489 = arith.subf %get3A_482, %get3A_488 : vector<16xf32>
      %mul3A_490 = arith.mulf %sub3A_489, %sub3A_489 : vector<16xf32>
      %add3A_491 = arith.addf %add3A_476, %mul3A_490 : vector<16xf32>
      %get3A_492 = arith.constant 6 : i32
      %get3A_493 = arith.constant 0 : i32
      %get3A_494 = tpu.memref_slice %arg7[%multiple_of3A_104, %get3A_493] : memref<512x64xf32, #tpu.memory_space<vmem>> -> memref<8x64xf32, #tpu.memory_space<vmem>>
      %get3A_495 = arith.index_cast %get3A_492 : i32 to index
      %get3A_496 = arith.constant 16 : index
      %get3A_497 = tpu.vector_load %get3A_494[%get3A_495, %get3A_496] {strides = array<i32>} : memref<8x64xf32, #tpu.memory_space<vmem>>, vector<16xf32>,
      %get3A_498 = arith.constant 6 : i32
      %get3A_499 = arith.constant 0 : i32
      %get3A_500 = tpu.memref_slice %arg8[%multiple_of3A_118, %get3A_499] : memref<256x128xf32, #tpu.memory_space<vmem>> -> memref<8x128xf32, #tpu.memory_space<vmem>>
      %get3A_501 = arith.index_cast %get3A_498 : i32 to index
      %get3A_502 = arith.constant 16 : index
      %get3A_503 = tpu.vector_load %get3A_500[%get3A_501, %get3A_502] {strides = array<i32>} : memref<8x128xf32, #tpu.memory_space<vmem>>, vector<16xf32>,
      %sub3A_504 = arith.subf %get3A_497, %get3A_503 : vector<16xf32>
      %mul3A_505 = arith.mulf %sub3A_504, %sub3A_504 : vector<16xf32>
      %add3A_506 = arith.addf %add3A_491, %mul3A_505 : vector<16xf32>
      %get3A_507 = arith.constant 6 : i32
      %get3A_508 = arith.constant 0 : i32
      %get3A_509 = tpu.memref_slice %arg7[%multiple_of3A_104, %get3A_508] : memref<512x64xf32, #tpu.memory_space<vmem>> -> memref<8x64xf32, #tpu.memory_space<vmem>>
      %get3A_510 = arith.index_cast %get3A_507 : i32 to index
      %get3A_511 = arith.constant 32 : index
      %get3A_512 = tpu.vector_load %get3A_509[%get3A_510, %get3A_511] {strides = array<i32>} : memref<8x64xf32, #tpu.memory_space<vmem>>, vector<16xf32>,
      %get3A_513 = arith.constant 6 : i32
      %get3A_514 = arith.constant 0 : i32
      %get3A_515 = tpu.memref_slice %arg8[%multiple_of3A_118, %get3A_514] : memref<256x128xf32, #tpu.memory_space<vmem>> -> memref<8x128xf32, #tpu.memory_space<vmem>>
      %get3A_516 = arith.index_cast %get3A_513 : i32 to index
      %get3A_517 = arith.constant 32 : index
      %get3A_518 = tpu.vector_load %get3A_515[%get3A_516, %get3A_517] {strides = array<i32>} : memref<8x128xf32, #tpu.memory_space<vmem>>, vector<16xf32>,
      %sub3A_519 = arith.subf %get3A_512, %get3A_518 : vector<16xf32>
      %mul3A_520 = arith.mulf %sub3A_519, %sub3A_519 : vector<16xf32>
      %add3A_521 = arith.addf %add3A_506, %mul3A_520 : vector<16xf32>
      %get3A_522 = arith.constant 6 : i32
      %get3A_523 = arith.constant 0 : i32
      %get3A_524 = tpu.memref_slice %arg7[%multiple_of3A_104, %get3A_523] : memref<512x64xf32, #tpu.memory_space<vmem>> -> memref<8x64xf32, #tpu.memory_space<vmem>>
      %get3A_525 = arith.index_cast %get3A_522 : i32 to index
      %get3A_526 = arith.constant 48 : index
      %get3A_527 = tpu.vector_load %get3A_524[%get3A_525, %get3A_526] {strides = array<i32>} : memref<8x64xf32, #tpu.memory_space<vmem>>, vector<16xf32>,
      %get3A_528 = arith.constant 6 : i32
      %get3A_529 = arith.constant 0 : i32
      %get3A_530 = tpu.memref_slice %arg8[%multiple_of3A_118, %get3A_529] : memref<256x128xf32, #tpu.memory_space<vmem>> -> memref<8x128xf32, #tpu.memory_space<vmem>>
      %get3A_531 = arith.index_cast %get3A_528 : i32 to index
      %get3A_532 = arith.constant 48 : index
      %get3A_533 = tpu.vector_load %get3A_530[%get3A_531, %get3A_532] {strides = array<i32>} : memref<8x128xf32, #tpu.memory_space<vmem>>, vector<16xf32>,
      %sub3A_534 = arith.subf %get3A_527, %get3A_533 : vector<16xf32>
      %mul3A_535 = arith.mulf %sub3A_534, %sub3A_534 : vector<16xf32>
      %add3A_536 = arith.addf %add3A_521, %mul3A_535 : vector<16xf32>
      %get3A_537 = arith.constant 7 : i32
      %get3A_538 = arith.constant 0 : i32
      %get3A_539 = tpu.memref_slice %arg7[%multiple_of3A_104, %get3A_538] : memref<512x64xf32, #tpu.memory_space<vmem>> -> memref<8x64xf32, #tpu.memory_space<vmem>>
      %get3A_540 = arith.index_cast %get3A_537 : i32 to index
      %get3A_541 = arith.constant 0 : index
      %get3A_542 = tpu.vector_load %get3A_539[%get3A_540, %get3A_541] {strides = array<i32>} : memref<8x64xf32, #tpu.memory_space<vmem>>, vector<16xf32>,
      %get3A_543 = arith.constant 7 : i32
      %get3A_544 = arith.constant 0 : i32
      %get3A_545 = tpu.memref_slice %arg8[%multiple_of3A_118, %get3A_544] : memref<256x128xf32, #tpu.memory_space<vmem>> -> memref<8x128xf32, #tpu.memory_space<vmem>>
      %get3A_546 = arith.index_cast %get3A_543 : i32 to index
      %get3A_547 = arith.constant 0 : index
      %get3A_548 = tpu.vector_load %get3A_545[%get3A_546, %get3A_547] {strides = array<i32>} : memref<8x128xf32, #tpu.memory_space<vmem>>, vector<16xf32>,
      %sub3A_549 = arith.subf %get3A_542, %get3A_548 : vector<16xf32>
      %mul3A_550 = arith.mulf %sub3A_549, %sub3A_549 : vector<16xf32>
      %add3A_551 = arith.addf %add3A_536, %mul3A_550 : vector<16xf32>
      %get3A_552 = arith.constant 7 : i32
      %get3A_553 = arith.constant 0 : i32
      %get3A_554 = tpu.memref_slice %arg7[%multiple_of3A_104, %get3A_553] : memref<512x64xf32, #tpu.memory_space<vmem>> -> memref<8x64xf32, #tpu.memory_space<vmem>>
      %get3A_555 = arith.index_cast %get3A_552 : i32 to index
      %get3A_556 = arith.constant 16 : index
      %get3A_557 = tpu.vector_load %get3A_554[%get3A_555, %get3A_556] {strides = array<i32>} : memref<8x64xf32, #tpu.memory_space<vmem>>, vector<16xf32>,
      %get3A_558 = arith.constant 7 : i32
      %get3A_559 = arith.constant 0 : i32
      %get3A_560 = tpu.memref_slice %arg8[%multiple_of3A_118, %get3A_559] : memref<256x128xf32, #tpu.memory_space<vmem>> -> memref<8x128xf32, #tpu.memory_space<vmem>>
      %get3A_561 = arith.index_cast %get3A_558 : i32 to index
      %get3A_562 = arith.constant 16 : index
      %get3A_563 = tpu.vector_load %get3A_560[%get3A_561, %get3A_562] {strides = array<i32>} : memref<8x128xf32, #tpu.memory_space<vmem>>, vector<16xf32>,
      %sub3A_564 = arith.subf %get3A_557, %get3A_563 : vector<16xf32>
      %mul3A_565 = arith.mulf %sub3A_564, %sub3A_564 : vector<16xf32>
      %add3A_566 = arith.addf %add3A_551, %mul3A_565 : vector<16xf32>
      %get3A_567 = arith.constant 7 : i32
      %get3A_568 = arith.constant 0 : i32
      %get3A_569 = tpu.memref_slice %arg7[%multiple_of3A_104, %get3A_568] : memref<512x64xf32, #tpu.memory_space<vmem>> -> memref<8x64xf32, #tpu.memory_space<vmem>>
      %get3A_570 = arith.index_cast %get3A_567 : i32 to index
      %get3A_571 = arith.constant 32 : index
      %get3A_572 = tpu.vector_load %get3A_569[%get3A_570, %get3A_571] {strides = array<i32>} : memref<8x64xf32, #tpu.memory_space<vmem>>, vector<16xf32>,
      %get3A_573 = arith.constant 7 : i32
      %get3A_574 = arith.constant 0 : i32
      %get3A_575 = tpu.memref_slice %arg8[%multiple_of3A_118, %get3A_574] : memref<256x128xf32, #tpu.memory_space<vmem>> -> memref<8x128xf32, #tpu.memory_space<vmem>>
      %get3A_576 = arith.index_cast %get3A_573 : i32 to index
      %get3A_577 = arith.constant 32 : index
      %get3A_578 = tpu.vector_load %get3A_575[%get3A_576, %get3A_577] {strides = array<i32>} : memref<8x128xf32, #tpu.memory_space<vmem>>, vector<16xf32>,
      %sub3A_579 = arith.subf %get3A_572, %get3A_578 : vector<16xf32>
      %mul3A_580 = arith.mulf %sub3A_579, %sub3A_579 : vector<16xf32>
      %add3A_581 = arith.addf %add3A_566, %mul3A_580 : vector<16xf32>
      %get3A_582 = arith.constant 7 : i32
      %get3A_583 = arith.constant 0 : i32
      %get3A_584 = tpu.memref_slice %arg7[%multiple_of3A_104, %get3A_583] : memref<512x64xf32, #tpu.memory_space<vmem>> -> memref<8x64xf32, #tpu.memory_space<vmem>>
      %get3A_585 = arith.index_cast %get3A_582 : i32 to index
      %get3A_586 = arith.constant 48 : index
      %get3A_587 = tpu.vector_load %get3A_584[%get3A_585, %get3A_586] {strides = array<i32>} : memref<8x64xf32, #tpu.memory_space<vmem>>, vector<16xf32>,
      %get3A_588 = arith.constant 7 : i32
      %get3A_589 = arith.constant 0 : i32
      %get3A_590 = tpu.memref_slice %arg8[%multiple_of3A_118, %get3A_589] : memref<256x128xf32, #tpu.memory_space<vmem>> -> memref<8x128xf32, #tpu.memory_space<vmem>>
      %get3A_591 = arith.index_cast %get3A_588 : i32 to index
      %get3A_592 = arith.constant 48 : index
      %get3A_593 = tpu.vector_load %get3A_590[%get3A_591, %get3A_592] {strides = array<i32>} : memref<8x128xf32, #tpu.memory_space<vmem>>, vector<16xf32>,
      %sub3A_594 = arith.subf %get3A_587, %get3A_593 : vector<16xf32>
      %mul3A_595 = arith.mulf %sub3A_594, %sub3A_594 : vector<16xf32>
      %add3A_596 = arith.addf %add3A_581, %mul3A_595 : vector<16xf32>
      scf.yield %add3A_596 : vector<16xf32>
    }
    %scan3A_96 = arith.constant 16 : i32
    %swap3A = arith.constant 0 : index
    %swap3A_97 = tpu.vector_load %arg9[%swap3A] {strides = array<i32>} : memref<16xf32, #tpu.memory_space<vmem>>, vector<16xf32>,
    tpu.vector_store %arg9[%swap3A], %scan3A_95 {strides = array<i32>} : memref<16xf32, #tpu.memory_space<vmem>>, vector<16xf32>,
    %mul3A_98 = arith.constant 16 : i32
    %mul3A_99 = arith.muli %add3A, %mul3A_98 : i32
    "tpu.region"() ({
      %run_scoped3A = tpu.sem_alloc : memref<!tpu.dma_semaphore, #tpu.memory_space<semaphore_mem>>
      %dma_start3A_100 = tpu.memref_slice %arg5[%mul3A_99] : memref<512xf32, #tpu.memory_space<hbm>> -> memref<16xf32, #tpu.memory_space<hbm>>
      %dma_start3A_101 = tpu.memref_slice %arg5[%mul3A_99] : memref<512xf32, #tpu.memory_space<hbm>> -> memref<16xf32, #tpu.memory_space<hbm>>
      tpu.enqueue_dma source(%arg9 : memref<16xf32, #tpu.memory_space<vmem>>) target(%dma_start3A_101 : memref<16xf32, #tpu.memory_space<hbm>>) target_semaphore(%run_scoped3A : memref<!tpu.dma_semaphore, #tpu.memory_space<semaphore_mem>>)
      %dma_wait3A_102 = tpu.memref_slice %arg5[%mul3A_99] : memref<512xf32, #tpu.memory_space<hbm>> -> memref<16xf32, #tpu.memory_space<hbm>>
      %dma_wait3A_103 = tpu.memref_slice %arg5[%mul3A_99] : memref<512xf32, #tpu.memory_space<hbm>> -> memref<16xf32, #tpu.memory_space<hbm>>
      tpu.wait_dma2 semaphore(%run_scoped3A : memref<!tpu.dma_semaphore, #tpu.memory_space<semaphore_mem>>) src(%arg9 : memref<16xf32, #tpu.memory_space<vmem>>) dst(%dma_wait3A_103 : memref<16xf32, #tpu.memory_space<hbm>>)
      tpu.yield
    }) : () -> ()
    return
  }
}

module attributes {stable_mosaic.version = 14 : i64} {
  func.func @body(%arg0: i32, %arg1: memref<64x4096xf32, #tpu.memory_space<vmem>>, %arg2: memref<4096x128xf32, #tpu.memory_space<vmem>>) attributes {dimension_semantics = [#tpu.dimension_semantics<arbitrary>], iteration_bounds = array<i64: 25>, scalar_prefetch = 0 : i64, scratch_operands = 0 : i64, tpu.core_type = #tpu.core_type<tc>, window_params = [{transform_indices = @transform_0, window_bounds = array<i64: 64, 4096>}, {transform_indices = @transform_1, window_bounds = array<i64: 4096, 128>}]} {
    %iota3A = tpu.iota {dimensions = array<i32: 0>} : vector<64x64xi32>
    %iota3A_0 = tpu.iota {dimensions = array<i32: 1>} : vector<64x64xi32>
    %add3A = arith.constant 0 : i32
    %add3A_1 = vector.broadcast %add3A : i32 to vector<64x64xi32>
    %add3A_2 = arith.addi %iota3A, %add3A_1 : vector<64x64xi32>
    %eq3A = arith.cmpi eq, %add3A_2, %iota3A_0 : vector<64x64xi32>
    %convert_element_type3A = arith.extui %eq3A : vector<64x64xi1> to vector<64x64xi32>
    %convert_element_type3A_3 = arith.sitofp %convert_element_type3A : vector<64x64xi32> to vector<64x64xf32>
    %concatenate3A = tpu.concatenate %convert_element_type3A_3, %convert_element_type3A_3 in 1 : vector<64x64xf32>, vector<64x64xf32> -> vector<64x128xf32>
    %get3A = arith.constant 0 : index
    %get3A_4 = arith.constant 0 : index
    %get3A_5 = vector.load %arg1[%get3A, %get3A_4] : memref<64x4096xf32, #tpu.memory_space<vmem>>, vector<64x4096xf32>
    %dot_general3A = arith.constant dense<0.000000e+00> : vector<4096x128xf32>
    %dot_general3A_6 = tpu.matmul %get3A_5, %concatenate3A, %dot_general3A {dimension_numbers = #tpu.dot_dimension_numbers<[0], [0], [1], [1], [0, 1, 1, 1], [], []>, transpose_lhs_hint = false} : vector<64x4096xf32>, vector<64x128xf32>, vector<4096x128xf32> -> vector<4096x128xf32>
    %swap3A = arith.constant 0 : index
    %swap3A_7 = arith.constant 0 : index
    %swap3A_8 = vector.load %arg2[%swap3A, %swap3A_7] : memref<4096x128xf32, #tpu.memory_space<vmem>>, vector<4096x128xf32>
    tpu.vector_store %arg2[%swap3A, %swap3A_7], %dot_general3A_6 {strides = array<i32>} : memref<4096x128xf32, #tpu.memory_space<vmem>>, vector<4096x128xf32>,
    return
  }
  func.func @transform_0(%arg0: i32) -> (i32, i32) {
    %c0_i32 = arith.constant 0 : i32
    %c0_i32_0 = arith.constant 0 : i32
    return %c0_i32, %arg0 : i32, i32
  }
  func.func @transform_1(%arg0: i32) -> (i32, i32) {
    %c0_i32 = arith.constant 0 : i32
    %c0_i32_0 = arith.constant 0 : i32
    return %arg0, %c0_i32 : i32, i32
  }
}

</mosaic_0001>

<sc_bundles>
// kernel: kernel.4.cloned.1.call-start
scs
__scs_entry_jumppad:
0x0: {  	(pc) =	sbr.rel $0x88, $3  }
0x1: {  	(tag) =	ssettag $0x0;
	lr =	simm.s32 $0x1  }
0x2: {  	[smem:$0x3F9E] =	sst lr;
	_ =	strace $0xD0000000  }
0x3: {  	_ = 	snop  }
0x4: {  	_ = 	snop  }
0x5: {  	_ = 	snop  }
0x6: {  	_ = 	snop  }
0x7: {  	_ = 	snop  }
__scs_overlays_trampoline_lowered:
0x8: {  	[smem:$0x3FAD] =	sst s0  }
0x9: {  	[smem:$0x3FAE] =	sst s1  }
0xa: {  	[smem:$0x3FAF] =	sst s2  }
0xb: {  	[smem:$0x3FB0] =	sst s3  }
0xc: {  	[smem:$0x3FB1] =	sst s4  }
0xd: {  	[smem:$0x3FB2] =	sst s5  }
0xe: {  	[smem:$0x3FB3] =	sst s6  }
0xf: {  	[smem:$0x3FB4] =	sst s7  }
0x10: {  	[smem:$0x3FB5] =	sst s8  }
0x11: {  	[smem:$0x3FB6] =	sst s9;
	s0 =	simm.s32 @!p0 $0x0  }
0x12: {  	s1 =	sld [smem:$0x3F9C];
	s0 =	simm.s32 @p0 $0x1  }
0x13: {  	[smem:$0x3FB7] =	sst s0;
	s0 =	simm.s32 @!p1 $0x0  }
0x14: {  	s2 =	sld [smem:$0x3F9B];
	s0 =	simm.s32 @p1 $0x1  }
0x15: {  	[smem:$0x3FB8] =	sst s0;
	s0 =	simm.s32 @!p2 $0x0  }
0x16: {  	s3 =	sld [smem:$0x3FDB];
	s0 =	simm.s32 @p2 $0x1  }
0x17: {  	s4 =	simm.s32 $0x1BF5;
	[smem:$0x3FBA] =	sst s0  }
0x18: {  	s0 =	sld [smem:$0x3F9D];
	_ =	swait.ge [sflag:s4], $0x0  }
0x19: {  	s7 =	sld [smem:$0x3F9E]  }
0x1a: {  	s8 =	sadd.s32 $0xFFFFE003, lr  }
0x1b: {  	s9 =	sadd.s32 $0xFFFFFEF7, lr;
	s5 =	simm.s32 $0xFFFFFFFF;
	p2 =	slt.u32 s8, $0xFFFFF086  }
0x1c: {  	p1 =	slt.u32 s9, $0xF7A;
	s5 =	simm.s32 @!p2 $0x0  }
0x1d: {  	s5 =	simm.s32 @p1 $0x1;
	p0 =	seq.s32 s7, s2  }
0x1e: {  	s7 =	smul.u32 @!p0 $0xF7A, s2;
	p2 =	seq.s32 @!p0 s5, $0x0  }
0x1f: {  	s9 =	smul.u32 $0xF7A, s1;
	s8 =	simm.s32 @!p0 $0x1BF5;
	p2 =	por !p2, p0  }
0x20: {  	[sflag:s8] =	ssyncset.s32 @!p0 $0xFFFFF086;
	s6 =	sadd.s32 @!p0 s3, s7;
	s7 =	simm.s32 @!p0 $0x108  }
0x21: {  	s3 =	sadd.s32 s3, s9;
	s6 =	sadd.s32 @!p0 $0x88, s6;
	s7 =	simm.s32 @p2 $0x1082  }
0x22: {  	[simem:s7], [sflag:s8] =	dma.local @!p0 [hbm:s6], $0xF7A  }
0x23: {  	s9 =	sor.u32 $0xD0000000, s2;
	s6 =	simm.s32 $0x108;
	_ =	swait.ge @!p0 [sflag:s8], $0x0  }
0x24: {  	s3 =	sadd.s32 $0x88, s3;
	s6 =	simm.s32 @!p1 $0x1082;
	[sflag:s4] =	ssyncset.s32 $0xFFFFF086  }
0x25: {  	[simem:s6], [sflag:s4] =	dma.local [hbm:s3], $0xF7A  }
0x26: {  	[smem:$0x3F9E] =	sst s1;
	(tag) =	ssettag s2;
	_ =	strace s9  }
0x27: {  	s1 =	sld [smem:$0x3FAE]  }
0x28: {  	s2 =	sld [smem:$0x3FAF]  }
0x29: {  	s4 =	sld [smem:$0x3FB1]  }
0x2a: {  	p0 =	seq.s32 s5, $0x0;
	s5 =	sld [smem:$0x3FB2]  }
0x2b: {  	s6 =	sld [smem:$0x3FB3]  }
0x2c: {  	s7 =	sld [smem:$0x3FB4]  }
0x2d: {  	s3 =	simm.s32 $0x108;
	s8 =	sld [smem:$0x3FB5]  }
0x2e: {  	s3 =	simm.s32 @!p0 $0x1082;
	s9 =	sld [smem:$0x3FB6]  }
0x2f: {  	lr =	sadd.s32 s0, s3;
	s0 =	sld [smem:$0x3FAD]  }
0x30: {  	s3 =	sld [smem:$0x3FB0]  }
0x31: {  	[smem:$0x3FB9] =	sst s10  }
0x32: {  	s10 =	sld [smem:$0x3FB7];
	_ =	sdelay $0x3  }
0x33: {  	p0 =	seq.s32 s10, $0x1;
	s10 =	sld [smem:$0x3FB9];
	_ =	sdelay $0x3  }
0x34: {  	[smem:$0x3FB9] =	sst s10  }
0x35: {  	s10 =	sld [smem:$0x3FB8];
	_ =	sdelay $0x3  }
0x36: {  	p1 =	seq.s32 s10, $0x1;
	s10 =	sld [smem:$0x3FB9];
	_ =	sdelay $0x3  }
0x37: {  	[smem:$0x3FB9] =	sst s10  }
0x38: {  	s10 =	sld [smem:$0x3FBA]  }
0x39: {  	_ = 	snop;
	(pc) =	sbr.ind lr, $3  }
0x3a: {  	_ = 	snop  }
0x3b: {  	_ = 	snop  }
0x3c: {  	p2 =	seq.s32 s10, $0x1;
	s10 =	sld [smem:$0x3FB9]  }
0x3d: {  	_ =	shalt  }
0x3e: {  	_ =	shalt  }
0x3f: {  	_ =	shalt  }
0x40: {  	_ =	shalt  }
0x41: {  	_ =	shalt  }
0x42: {  	_ =	shalt  }
0x43: {  	_ =	shalt  }
0x44: {  	_ =	shalt  }
0x45: {  	_ =	shalt  }
0x46: {  	_ =	shalt  }
0x47: {  	_ =	shalt  }
0x48: {  	_ =	shalt  }
0x49: {  	_ =	shalt  }
0x4a: {  	_ =	shalt  }
0x4b: {  	_ =	shalt  }
0x4c: {  	_ =	shalt  }
0x4d: {  	_ =	shalt  }
0x4e: {  	_ =	shalt  }
0x4f: {  	_ =	shalt  }
0x50: {  	_ =	shalt  }
0x51: {  	_ =	shalt  }
0x52: {  	_ =	shalt  }
0x53: {  	_ =	shalt  }
0x54: {  	_ =	shalt  }
0x55: {  	_ =	shalt  }
0x56: {  	_ =	shalt  }
0x57: {  	_ =	shalt  }
0x58: {  	_ =	shalt  }
0x59: {  	_ =	shalt  }
0x5a: {  	_ =	shalt  }
0x5b: {  	_ =	shalt  }
0x5c: {  	_ =	shalt  }
0x5d: {  	_ =	shalt  }
0x5e: {  	_ =	shalt  }
0x5f: {  	_ =	shalt  }
0x60: {  	_ =	shalt  }
0x61: {  	_ =	shalt  }
0x62: {  	_ =	shalt  }
0x63: {  	_ =	shalt  }
0x64: {  	_ =	shalt  }
0x65: {  	_ =	shalt  }
0x66: {  	_ =	shalt  }
0x67: {  	_ =	shalt  }
0x68: {  	_ =	shalt  }
0x69: {  	_ =	shalt  }
0x6a: {  	_ =	shalt  }
0x6b: {  	_ =	shalt  }
0x6c: {  	_ =	shalt  }
0x6d: {  	_ =	shalt  }
0x6e: {  	_ =	shalt  }
0x6f: {  	_ =	shalt  }
0x70: {  	_ =	shalt  }
0x71: {  	_ =	shalt  }
0x72: {  	_ =	shalt  }
0x73: {  	_ =	shalt  }
0x74: {  	_ =	shalt  }
0x75: {  	_ =	shalt  }
0x76: {  	_ =	shalt  }
0x77: {  	_ =	shalt  }
0x78: {  	_ =	shalt  }
0x79: {  	_ =	shalt  }
0x7a: {  	_ =	shalt  }
0x7b: {  	_ =	shalt  }
0x7c: {  	_ =	shalt  }
0x7d: {  	_ =	shalt  }
0x7e: {  	_ =	shalt  }
0x7f: {  	_ =	shalt  }
0x80: {  	_ =	shalt  }
0x81: {  	_ =	shalt  }
0x82: {  	_ =	shalt  }
0x83: {  	_ =	shalt  }
0x84: {  	_ =	shalt  }
0x85: {  	_ =	shalt  }
0x86: {  	_ =	shalt  }
0x87: {  	_ =	shalt  }
.Lfunc_end0:
.L_simem_size_0:
called_computation_lowered:
.L_overlay_start_0:
0x88: {  	s2 =	sld [smem:$0x3FD9]  }
0x89: {  	s3 =	sld [smem:$0x3FFE];
	_ =	sdelay $0x1  }
0x8a: {  	s1 =	srdreg.scid  }
0x8b: {  	s0 =	sand.u32 $0x1, s1  }
0x8c: {  	s17 =	sshll.u32 s0, $0xA;
	s2 =	sadd.s32 s3, s2  }
0x8d: {  	s2 =	sadd.s32 s2, s17  }
0x8e: {  	[smem:$0x3FC5] =	sst s2  }
0x8f: {  	_ = 	snop  }
0x90: {  	s2 =	sld [smem:$0x3FC8];
	(tm) =	ssettm $0x1  }
0x91: {  	s18 =	sld [smem:$0x3FFB];
	_ =	sdelay $0x3  }
0x92: {  	_ =	strace s18  }
0x93: {  	s3 =	sld [smem:$0x3FFC];
	_ =	sdelay $0x3  }
0x94: {  	_ =	strace s3  }
0x95: {  	s3 =	sld [smem:$0x3FFD];
	_ =	sdelay $0x3  }
0x96: {  	_ =	strace s3  }
0x97: {  	_ =	strace $0x8FFFFFFF  }
0x98: {  	s19 =	sld [smem:$0x3FDB];
	_ =	sdelay $0x1  }
0x99: {  	s4 =	simm.s32 $_scs_section_size  }
0x9a: {  	s5 =	simm.s32 $_size__tile_overlayer_lowered;
	s6 =	simm.s32 $_tile_overlayer_lowered  }
0x9b: {  	s22 =	simm.s32 $0x1BFF;
	s21 =	sshll.u32 s6, $0x1;
	s3 =	sadd.s32 s4, s19  }
0x9c: {  	s7 =	simm.s32 $0x0;
	s20 =	sshll.u32 s5, $0x1;
	s5 =	sadd.s32 s21, s3  }
0x9d: {  	[timem:s7], [sflag:s22] =	dma.local [hbm:s5], s20  }
0x9e: {  	_ =	swait.ge [sflag:s22], s20  }
0x9f: {  	s4 =	ssub.s32 $0x0, s20;
	[sflag:s22] =	ssyncset.done $0x0  }
0xa0: {  	[sflag:s22] =	ssyncadd.s32 s4;
	_ =	sdelay $0x1  }
0xa1: {  	s23 =	simm.s32 $0x1B8B  }
0xa2: {  	_ =	swait.ge [sflag:s23], $0x1  }
0xa3: {  	[sflag:s23] =	ssyncset.done $0x0  }
0xa4: {  	s25 =	simm.s32 $0x1B8E;
	s24 =	sld [smem:$0x3FFE];
	[sflag:s23] =	ssyncadd.s32 $0xFFFFFFFF  }
0xa5: {  	s26 =	simm.s32 $execute0_lowered;
	[smem:$0x3FD2] =	sst s25  }
0xa6: {  	s5 =	sshll.u32 s26, $0x1;
	_ =	strace $0x80000046;
	[dreg:$0x1] =	wrdreg $0xFFFFFFFF  }
0xa7: {  	s28 =	simm.s32 $_size_execute0_lowered;
	s3 =	sadd.s32 s3, s5;
	[dreg:$0x0] =	wrdreg $0x0  }
0xa8: {  	s5 =	sshll.u32 s28, $0x1;
	[dreg:$0x2] =	wrdreg s3  }
0xa9: {  	[dreg:$0x3] =	wrdreg s5  }
0xaa: {  	[dreg:$0x4] =	wrdreg $0xC0  }
0xab: {  	_ =	task [dreg:s7], $0x5FFFF  }
0xac: {  	[dreg:$0x1] =	wrdreg $0xFFFFFFFF  }
0xad: {  	[dreg:$0x0] =	wrdreg $0x60  }
0xae: {  	[dreg:$0x2] =	wrdreg s24  }
0xaf: {  	[dreg:$0x3] =	wrdreg s2  }
0xb0: {  	[dreg:$0x4] =	wrdreg $0x9  }
0xb1: {  	_ =	task.clear_ibuf [dreg:s7], $0x5FFFF;
	_ =	strace $0x90000046  }
0xb2: {  	s29 =	simm.s32 $0x9;
	_ =	strace $0x80000048  }
0xb3: {  	_ =	swait.ge [sflag:s29], $0x1  }
0xb4: {  	[sflag:s29] =	ssyncadd.s32 $0xFFFFFFFF  }
0xb5: {  	_ =	strace $0x90000048  }
0xb6: {  	_ =	sfence  }
0xb7: {  	s30 =	sld [smem:$0x0];
	_ =	sdelay $0x2  }
0xb8: {  	s31 =	sshll.u32 s1, $0xD;
	s1 =	sshrl.u32 s1, $0x2  }
0xb9: {  	s3 =	sand.u32 $0x4000, s31;
	s1 =	sadd.s32 s1, s30  }
0xba: {  	s0 =	sor.u32 s3, s0;
	s1 =	sshll.u32 s1, $0x11  }
0xbb: {  	s0 =	sor.u32 s1, s0  }
0xbc: {  	s0 =	sadd.s32 $0x8F2B, s0  }
0xbd: {  	[sflag:s0] =	ssyncadd.remote.s32 $0x1  }
0xbe: {  	_ =	sfence.sel $0xFFFF  }
0xbf: {  	[dreg:$0x0] =	wrdreg $0xFFFFFFFF;
	(pc) =	sbr.abs _section_cstart, $3  }
0xc0: {  	[dreg:$0x1] =	wrdreg $0xFFFFFFFF  }
0xc1: {  	_ =	task.clear_ibuf [dreg:s7], $0x2FFFF;
	_ =	strace $0x9FFFFFFF  }
0xc2: {  	(tm) =	ssettm $0x7FFFFFFF  }
0xc3: {  	_ =	shalt  }
tec
execute0_lowered:
.L_overlay_start_1:
0x0: {  	(tag) =	ssettag $0x1  }
0x1: {  	s4 =	rddreg [dreg:$0x0]  }
0x2: {  	s5 =	rddreg [dreg:$0x1]  }
0x3: {  	s0 =	rddreg [dreg:$0x2];
	s2 =	simm.s32 $0x0;
	s3 =	srdreg.scid  }
0x4: {  	s1 =	stileid.u32;
	s11 =	simm.s32 $0x10200;
	s12 =	simm.s32 $0x14200  }
0x5: {  	s13 =	simm.s32 $0x1;
	s14 =	simm.s32 $0x2;
	s15 =	simm.s32 $0x100  }
0x6: {  	s16 =	simm.s32 $0x3;
	s17 =	simm.s32 $0x180;
	s18 =	simm.s32 $0x18200  }
0x7: {  	s19 =	simm.s32 $0x0;
	s6 =	sand.u32 $0x1, s3;
	s30 =	sshll.u32 s1, $0x1  }
0x8: {  	[smem:$0x7FF] =	sst s2;
	s3 =	sadd.s32 $0x40000, s4;
	s7 =	sor.u32 s6, s30  }
0x9: {  	_ =	strace $0x80000047;
	s6 =	ssub.s32 $0x2, s6;
	s8 =	sshll.u32 s7, $0x1  }
0xa: {  	s9 =	sshrl.u32 s6, $0x1;
	s10 =	sshll.u32 s7, $0xD;
	s31 =	sshll.u32 s7, $0x6  }
0xb: {  	s8 =	sadd.s32 s8, s4;
	s9 =	ssub.s32 s6, s9;
	s4 =	sadd.s32 s4, s10  }
0xc: {  	s5 =	sadd.s32 s5, s31;
	s10 =	simm.s32 $0x80;
	s6 =	sadd.s32 $0x1C6A00, s8  }
0xd: {  	s7 =	smax.u32 s9, $0x1;
	s8 =	simm.s32 $0x200;
	s9 =	simm.s32 $0x4  }
.LBB2_1:
0xe: {  	[tilespmem:s8], [sflag:$0x1] =	stream.linear.gather [hbm4b:s4+s2], $0x10000, $0x38;
	[tilespmem:$0x18280] =	vst v63  }
0xf: {  	_ = 	snop  }
0x10: {  	[tilespmem:s2], [sflag:$0x4] =	stream.linear.gather [hbm4b:s5+s2], $0x200, $0x38;
	[tilespmem:$0x18280] =	vst v63  }
0x11: {  	_ =	swait.ge [sflag:s9], $0x200  }
0x12: {  	[sflag:s9] =	ssyncset.done $0x0  }
0x13: {  	[sflag:s9] =	ssyncadd.s32 $0xFFFFFE00  }
0x14: {  	[tilespmem:s11], [sflag:$0x2] =	stream.indirect.gather [hbm4b:s3+s10], $0x80, s2, s10, $0xb8;
	[tilespmem:$0x18280] =	vst v63  }
0x15: {  	_ = 	snop  }
0x16: {  	[tilespmem:s12], [sflag:$0x3] =	stream.indirect.gather [hbm4b:s3+s10], $0x80, s10, s10, $0xb8;
	[tilespmem:$0x18280] =	vst v63  }
0x17: {  	_ =	swait.ge [sflag:s13], $0x10000  }
0x18: {  	[sflag:s13] =	ssyncset.done $0x0  }
0x19: {  	[sflag:s13] =	ssyncadd.s32 $0xFFFF0000  }
0x1a: {  	_ =	swait.ge [sflag:s14], $0x4000  }
0x1b: {  	[sflag:s14] =	ssyncset.done $0x0  }
0x1c: {  	s21 =	simm.s32 $0x0;
	[sflag:s14] =	ssyncadd.s32 $0xFFFFC000  }
0x1d: {  	v0 =	vld [tilespmem:s21+$0x200]  }
0x1e: {  	v1 =	vld [tilespmem:s21+$0x10200]  }
0x1f: {  	v2 =	vld [tilespmem:s21+$0x210]  }
0x20: {  	v3 =	vld [tilespmem:s21+$0x10210]  }
0x21: {  	v4 =	vld [tilespmem:s21+$0x220]  }
0x22: {  	v5 =	vld [tilespmem:s21+$0x10220]  }
0x23: {  	v6 =	vld [tilespmem:s21+$0x10230];
	v0 =	vsub.f32 v0, v1  }
0x24: {  	v1 =	vld [tilespmem:s21+$0x230]  }
0x25: {  	v8 =	vld [tilespmem:s21+$0x10280];
	v2 =	vsub.f32 v2, v3;
	v0 =	vmul.f32 v0, v0  }
0x26: {  	v7 =	vimm.f32 $0.0e+00;
	v3 =	vld [tilespmem:s21+$0x280]  }
0x27: {  	v4 =	vsub.f32 v4, v5;
	v5 =	vld [tilespmem:s21+$0x290];
	v2 =	vmul.f32 v2, v2;
	v0 =	vadd.f32 v0, v7  }
0x28: {  	v7 =	vld [tilespmem:s21+$0x10290]  }
0x29: {  	v1 =	vsub.f32 v1, v6;
	v6 =	vld [tilespmem:s21+$0x102A0];
	v0 =	vadd.f32 v2, v0;
	v2 =	vmul.f32 v4, v4  }
0x2a: {  	v4 =	vld [tilespmem:s21+$0x2A0]  }
0x2b: {  	v1 =	vmul.f32 v1, v1;
	v0 =	vadd.f32 v2, v0;
	v2 =	vsub.f32 v3, v8;
	v3 =	vld [tilespmem:s21+$0x2B0]  }
0x2c: {  	v8 =	vld [tilespmem:s21+$0x102B0]  }
0x2d: {  	v0 =	vadd.f32 v1, v0;
	v1 =	vmul.f32 v2, v2;
	v2 =	vsub.f32 v5, v7;
	v5 =	vld [tilespmem:s21+$0x300]  }
0x2e: {  	v7 =	vld [tilespmem:s21+$0x10300]  }
0x2f: {  	v0 =	vadd.f32 v1, v0;
	v1 =	vmul.f32 v2, v2;
	v2 =	vsub.f32 v4, v6;
	v4 =	vld [tilespmem:s21+$0x310]  }
0x30: {  	v6 =	vld [tilespmem:s21+$0x10310]  }
0x31: {  	v0 =	vadd.f32 v1, v0;
	v1 =	vmul.f32 v2, v2;
	v2 =	vsub.f32 v3, v8;
	v3 =	vld [tilespmem:s21+$0x320]  }
0x32: {  	v8 =	vld [tilespmem:s21+$0x10320]  }
0x33: {  	v0 =	vadd.f32 v1, v0;
	v1 =	vmul.f32 v2, v2;
	v2 =	vsub.f32 v5, v7;
	v5 =	vld [tilespmem:s21+$0x330]  }
0x34: {  	v7 =	vld [tilespmem:s21+$0x10330]  }
0x35: {  	v0 =	vadd.f32 v1, v0;
	v1 =	vmul.f32 v2, v2;
	v2 =	vsub.f32 v4, v6;
	v4 =	vld [tilespmem:s21+$0x380]  }
0x36: {  	v6 =	vld [tilespmem:s21+$0x10380]  }
0x37: {  	v0 =	vadd.f32 v1, v0;
	v1 =	vmul.f32 v2, v2;
	v2 =	vsub.f32 v3, v8;
	v3 =	vld [tilespmem:s21+$0x390]  }
0x38: {  	v8 =	vld [tilespmem:s21+$0x10390]  }
0x39: {  	v0 =	vadd.f32 v1, v0;
	v1 =	vmul.f32 v2, v2;
	v2 =	vsub.f32 v5, v7;
	v5 =	vld [tilespmem:s21+$0x3A0]  }
0x3a: {  	v7 =	vld [tilespmem:s21+$0x103A0]  }
0x3b: {  	v0 =	vadd.f32 v1, v0;
	v1 =	vmul.f32 v2, v2;
	v2 =	vsub.f32 v4, v6;
	v4 =	vld [tilespmem:s21+$0x3B0]  }
0x3c: {  	v6 =	vld [tilespmem:s21+$0x103B0]  }
0x3d: {  	v0 =	vadd.f32 v1, v0;
	v1 =	vmul.f32 v2, v2;
	v2 =	vsub.f32 v3, v8;
	v3 =	vld [tilespmem:s21+$0x400]  }
0x3e: {  	v8 =	vld [tilespmem:s21+$0x10400]  }
0x3f: {  	v0 =	vadd.f32 v1, v0;
	v1 =	vmul.f32 v2, v2;
	v2 =	vsub.f32 v5, v7;
	v5 =	vld [tilespmem:s21+$0x410]  }
0x40: {  	v7 =	vld [tilespmem:s21+$0x10410]  }
0x41: {  	v0 =	vadd.f32 v1, v0;
	v1 =	vmul.f32 v2, v2;
	v2 =	vsub.f32 v4, v6;
	v4 =	vld [tilespmem:s21+$0x420]  }
0x42: {  	v6 =	vld [tilespmem:s21+$0x10420]  }
0x43: {  	v0 =	vadd.f32 v1, v0;
	v1 =	vmul.f32 v2, v2;
	v2 =	vsub.f32 v3, v8;
	v3 =	vld [tilespmem:s21+$0x430]  }
0x44: {  	v8 =	vld [tilespmem:s21+$0x10430]  }
0x45: {  	v0 =	vadd.f32 v1, v0;
	v1 =	vmul.f32 v2, v2;
	v2 =	vsub.f32 v5, v7;
	v5 =	vld [tilespmem:s21+$0x480]  }
0x46: {  	v7 =	vld [tilespmem:s21+$0x10480]  }
0x47: {  	v0 =	vadd.f32 v1, v0;
	v1 =	vmul.f32 v2, v2;
	v2 =	vsub.f32 v4, v6;
	v4 =	vld [tilespmem:s21+$0x490]  }
0x48: {  	v6 =	vld [tilespmem:s21+$0x10490]  }
0x49: {  	v0 =	vadd.f32 v1, v0;
	v1 =	vmul.f32 v2, v2;
	v2 =	vsub.f32 v3, v8;
	v3 =	vld [tilespmem:s21+$0x4A0]  }
0x4a: {  	v8 =	vld [tilespmem:s21+$0x104A0]  }
0x4b: {  	v0 =	vadd.f32 v1, v0;
	v1 =	vmul.f32 v2, v2;
	v2 =	vsub.f32 v5, v7;
	v5 =	vld [tilespmem:s21+$0x4B0]  }
0x4c: {  	v7 =	vld [tilespmem:s21+$0x104B0]  }
0x4d: {  	v0 =	vadd.f32 v1, v0;
	v1 =	vmul.f32 v2, v2;
	v2 =	vsub.f32 v4, v6;
	v4 =	vld [tilespmem:s21+$0x500]  }
0x4e: {  	v6 =	vld [tilespmem:s21+$0x10500]  }
0x4f: {  	v0 =	vadd.f32 v1, v0;
	v1 =	vmul.f32 v2, v2;
	v2 =	vsub.f32 v3, v8;
	v3 =	vld [tilespmem:s21+$0x510]  }
0x50: {  	v8 =	vld [tilespmem:s21+$0x10510]  }
0x51: {  	v0 =	vadd.f32 v1, v0;
	v1 =	vmul.f32 v2, v2;
	v2 =	vsub.f32 v5, v7;
	v5 =	vld [tilespmem:s21+$0x520]  }
0x52: {  	v7 =	vld [tilespmem:s21+$0x10520]  }
0x53: {  	v0 =	vadd.f32 v1, v0;
	v1 =	vmul.f32 v2, v2;
	v2 =	vsub.f32 v4, v6;
	v4 =	vld [tilespmem:s21+$0x530]  }
0x54: {  	v6 =	vld [tilespmem:s21+$0x10530]  }
0x55: {  	v9 =	vld [tilespmem:s21+$0x10580];
	v0 =	vadd.f32 v1, v0;
	v1 =	vmul.f32 v2, v2;
	v2 =	vsub.f32 v3, v8  }
0x56: {  	v8 =	vld [tilespmem:s21+$0x580]  }
0x57: {  	v10 =	vld [tilespmem:s21+$0x10590];
	v0 =	vadd.f32 v1, v0;
	v1 =	vmul.f32 v2, v2;
	v2 =	vsub.f32 v5, v7  }
0x58: {  	v7 =	vld [tilespmem:s21+$0x590]  }
0x59: {  	v3 =	vld [tilespmem:s21+$0x105A0];
	v4 =	vsub.f32 v4, v6;
	v1 =	vadd.f32 v1, v0;
	v2 =	vmul.f32 v2, v2  }
0x5a: {  	v0 =	vld [tilespmem:s21+$0x5A0]  }
0x5b: {  	v6 =	vmul.f32 v4, v4;
	v8 =	vsub.f32 v8, v9;
	v4 =	vld [tilespmem:s21+$0x105B0];
	v5 =	vadd.f32 v2, v1  }
0x5c: {  	s20 =	simm.s32 $0x400;
	v1 =	vld [tilespmem:s21+$0x5B0]  }
0x5d: {  	v2 =	vld [tilespmem:s20+$0x200];
	s21 =	simm.s32 $0x2000;
	v7 =	vsub.f32 v7, v10;
	v5 =	vadd.f32 v6, v5;
	v6 =	vmul.f32 v8, v8  }
.LBB2_2:
0x5e: {  	p0 =	sne.s32 s21, $0xF000;
	v8 =	vld [tilespmem:s20+$0x10200]  }
0x5f: {  	v9 =	vld [tilespmem:s20+$0x210];
	v5 =	vadd.f32 v6, v5;
	v6 =	vmul.f32 v7, v7;
	v0 =	vsub.f32 v0, v3  }
0x60: {  	v3 =	vld [tilespmem:s20+$0x10210]  }
0x61: {  	v7 =	vld [tilespmem:s20+$0x220];
	v5 =	vadd.f32 v6, v5;
	v0 =	vmul.f32 v0, v0;
	v1 =	vsub.f32 v1, v4  }
0x62: {  	v4 =	vld [tilespmem:s20+$0x10220]  }
0x63: {  	v2 =	vsub.f32 v2, v8;
	v6 =	vld [tilespmem:s20+$0x230];
	v0 =	vadd.f32 v0, v5;
	v1 =	vmul.f32 v1, v1  }
0x64: {  	v5 =	vld [tilespmem:s20+$0x10230]  }
0x65: {  	v2 =	vmul.f32 v2, v2;
	v3 =	vsub.f32 v9, v3;
	v8 =	vld [tilespmem:s20+$0x280];
	v0 =	vadd.f32 v1, v0  }
0x66: {  	v1 =	vld [tilespmem:s20+$0x10280]  }
0x67: {  	v0 =	vadd.f32 v2, v0;
	v2 =	vmul.f32 v3, v3;
	v3 =	vsub.f32 v7, v4;
	v4 =	vld [tilespmem:s20+$0x290]  }
0x68: {  	v7 =	vld [tilespmem:s20+$0x10290]  }
0x69: {  	v0 =	vadd.f32 v2, v0;
	v2 =	vmul.f32 v3, v3;
	v3 =	vsub.f32 v6, v5;
	v5 =	vld [tilespmem:s20+$0x2A0]  }
0x6a: {  	v6 =	vld [tilespmem:s20+$0x102A0]  }
0x6b: {  	v0 =	vadd.f32 v2, v0;
	v2 =	vmul.f32 v3, v3;
	v1 =	vsub.f32 v8, v1;
	v3 =	vld [tilespmem:s20+$0x2B0]  }
0x6c: {  	v8 =	vld [tilespmem:s20+$0x102B0]  }
0x6d: {  	v0 =	vadd.f32 v2, v0;
	v1 =	vmul.f32 v1, v1;
	v2 =	vsub.f32 v4, v7;
	v4 =	vld [tilespmem:s20+$0x300]  }
0x6e: {  	v7 =	vld [tilespmem:s20+$0x10300]  }
0x6f: {  	v0 =	vadd.f32 v1, v0;
	v1 =	vmul.f32 v2, v2;
	v2 =	vsub.f32 v5, v6;
	v5 =	vld [tilespmem:s20+$0x310]  }
0x70: {  	v6 =	vld [tilespmem:s20+$0x10310]  }
0x71: {  	v0 =	vadd.f32 v1, v0;
	v1 =	vmul.f32 v2, v2;
	v2 =	vsub.f32 v3, v8;
	v3 =	vld [tilespmem:s20+$0x320]  }
0x72: {  	v8 =	vld [tilespmem:s20+$0x10320]  }
0x73: {  	v0 =	vadd.f32 v1, v0;
	v1 =	vmul.f32 v2, v2;
	v2 =	vsub.f32 v4, v7;
	v4 =	vld [tilespmem:s20+$0x330]  }
0x74: {  	v7 =	vld [tilespmem:s20+$0x10330]  }
0x75: {  	v0 =	vadd.f32 v1, v0;
	v1 =	vmul.f32 v2, v2;
	v2 =	vsub.f32 v5, v6;
	v5 =	vld [tilespmem:s20+$0x380]  }
0x76: {  	v6 =	vld [tilespmem:s20+$0x10380]  }
0x77: {  	v0 =	vadd.f32 v1, v0;
	v1 =	vmul.f32 v2, v2;
	v2 =	vsub.f32 v3, v8;
	v3 =	vld [tilespmem:s20+$0x390]  }
0x78: {  	v8 =	vld [tilespmem:s20+$0x10390]  }
0x79: {  	v0 =	vadd.f32 v1, v0;
	v1 =	vmul.f32 v2, v2;
	v2 =	vsub.f32 v4, v7;
	v4 =	vld [tilespmem:s20+$0x3A0]  }
0x7a: {  	v7 =	vld [tilespmem:s20+$0x103A0]  }
0x7b: {  	v0 =	vadd.f32 v1, v0;
	v1 =	vmul.f32 v2, v2;
	v2 =	vsub.f32 v5, v6;
	v5 =	vld [tilespmem:s20+$0x3B0]  }
0x7c: {  	v6 =	vld [tilespmem:s20+$0x103B0]  }
0x7d: {  	v0 =	vadd.f32 v1, v0;
	v1 =	vmul.f32 v2, v2;
	v2 =	vsub.f32 v3, v8;
	v3 =	vld [tilespmem:s20+$0x400]  }
0x7e: {  	v8 =	vld [tilespmem:s20+$0x10400]  }
0x7f: {  	v0 =	vadd.f32 v1, v0;
	v1 =	vmul.f32 v2, v2;
	v2 =	vsub.f32 v4, v7;
	v4 =	vld [tilespmem:s20+$0x410]  }
0x80: {  	v7 =	vld [tilespmem:s20+$0x10410]  }
0x81: {  	v0 =	vadd.f32 v1, v0;
	v1 =	vmul.f32 v2, v2;
	v2 =	vsub.f32 v5, v6;
	v5 =	vld [tilespmem:s20+$0x420]  }
0x82: {  	v6 =	vld [tilespmem:s20+$0x10420]  }
0x83: {  	v0 =	vadd.f32 v1, v0;
	v1 =	vmul.f32 v2, v2;
	v2 =	vsub.f32 v3, v8;
	v3 =	vld [tilespmem:s20+$0x430]  }
0x84: {  	v8 =	vld [tilespmem:s20+$0x10430]  }
0x85: {  	v0 =	vadd.f32 v1, v0;
	v1 =	vmul.f32 v2, v2;
	v2 =	vsub.f32 v4, v7;
	v4 =	vld [tilespmem:s20+$0x480]  }
0x86: {  	v7 =	vld [tilespmem:s20+$0x10480]  }
0x87: {  	v0 =	vadd.f32 v1, v0;
	v1 =	vmul.f32 v2, v2;
	v2 =	vsub.f32 v5, v6;
	v5 =	vld [tilespmem:s20+$0x490]  }
0x88: {  	v6 =	vld [tilespmem:s20+$0x10490]  }
0x89: {  	v0 =	vadd.f32 v1, v0;
	v1 =	vmul.f32 v2, v2;
	v2 =	vsub.f32 v3, v8;
	v3 =	vld [tilespmem:s20+$0x4A0]  }
0x8a: {  	v8 =	vld [tilespmem:s20+$0x104A0]  }
0x8b: {  	v0 =	vadd.f32 v1, v0;
	v1 =	vmul.f32 v2, v2;
	v2 =	vsub.f32 v4, v7;
	v4 =	vld [tilespmem:s20+$0x4B0]  }
0x8c: {  	v7 =	vld [tilespmem:s20+$0x104B0]  }
0x8d: {  	v0 =	vadd.f32 v1, v0;
	v1 =	vmul.f32 v2, v2;
	v2 =	vsub.f32 v5, v6;
	v5 =	vld [tilespmem:s20+$0x500]  }
0x8e: {  	v6 =	vld [tilespmem:s20+$0x10500]  }
0x8f: {  	v0 =	vadd.f32 v1, v0;
	v1 =	vmul.f32 v2, v2;
	v2 =	vsub.f32 v3, v8;
	v3 =	vld [tilespmem:s20+$0x510]  }
0x90: {  	v8 =	vld [tilespmem:s20+$0x10510]  }
0x91: {  	v0 =	vadd.f32 v1, v0;
	v1 =	vmul.f32 v2, v2;
	v2 =	vsub.f32 v4, v7;
	v4 =	vld [tilespmem:s20+$0x520]  }
0x92: {  	v7 =	vld [tilespmem:s20+$0x10520]  }
0x93: {  	v0 =	vadd.f32 v1, v0;
	v1 =	vmul.f32 v2, v2;
	v2 =	vsub.f32 v5, v6;
	v5 =	vld [tilespmem:s20+$0x530]  }
0x94: {  	v6 =	vld [tilespmem:s20+$0x10530]  }
0x95: {  	v0 =	vadd.f32 v1, v0;
	v1 =	vmul.f32 v2, v2;
	v2 =	vsub.f32 v3, v8;
	v8 =	vld [tilespmem:s20+$0x580]  }
0x96: {  	v9 =	vld [tilespmem:s20+$0x10580]  }
0x97: {  	v0 =	vadd.f32 v1, v0;
	v1 =	vmul.f32 v2, v2;
	v2 =	vsub.f32 v4, v7;
	v7 =	vld [tilespmem:s20+$0x590]  }
0x98: {  	v10 =	vld [tilespmem:s20+$0x10590]  }
.Ltmp0:
0x99: {  	v1 =	vadd.f32 v1, v0;
	v2 =	vmul.f32 v2, v2;
	v4 =	vsub.f32 v5, v6;
	v0 =	vld [tilespmem:s20+$0x5A0];
	(pc) =	sbr.rel @p0 .LBB2_2-.Ltmp0, $4  }
0x9a: {  	v3 =	vld [tilespmem:s20+$0x105A0]  }
0x9b: {  	v5 =	vadd.f32 v2, v1;
	v6 =	vmul.f32 v4, v4;
	v8 =	vsub.f32 v8, v9;
	v1 =	vld [tilespmem:s20+$0x5B0]  }
0x9c: {  	v4 =	vld [tilespmem:s20+$0x105B0];
	s20 =	sshra.s32 s21, $0x2  }
0x9d: {  	s21 =	sadd.s32 $0x1000, s21;
	v2 =	vld [tilespmem:s20+$0x200];
	v5 =	vadd.f32 v6, v5;
	v6 =	vmul.f32 v8, v8;
	v7 =	vsub.f32 v7, v10  }
0x9e: {  	v8 =	vld [tilespmem:s20+$0x10200]  }
0x9f: {  	v9 =	vld [tilespmem:s20+$0x210]  }
0xa0: {  	v10 =	vld [tilespmem:s20+$0x10210]  }
0xa1: {  	v11 =	vld [tilespmem:s20+$0x220]  }
0xa2: {  	v12 =	vld [tilespmem:s20+$0x10220];
	v5 =	vadd.f32 v6, v5;
	v6 =	vmul.f32 v7, v7;
	v0 =	vsub.f32 v0, v3  }
0xa3: {  	v40 =	vld [tilespmem:s20+$0x102A0]  }
0xa4: {  	v42 =	vld [tilespmem:s20+$0x2B0];
	v5 =	vadd.f32 v6, v5;
	v0 =	vmul.f32 v0, v0;
	v1 =	vsub.f32 v1, v4  }
0xa5: {  	v43 =	vld [tilespmem:s20+$0x102B0]  }
0xa6: {  	v3 =	vld [tilespmem:s20+$0x230];
	v2 =	vsub.f32 v2, v8;
	v0 =	vadd.f32 v0, v5;
	v1 =	vmul.f32 v1, v1  }
0xa7: {  	v7 =	vld [tilespmem:s20+$0x10230]  }
0xa8: {  	v4 =	vld [tilespmem:s20+$0x280];
	v9 =	vsub.f32 v9, v10;
	v2 =	vmul.f32 v2, v2;
	v0 =	vadd.f32 v1, v0  }
0xa9: {  	v6 =	vld [tilespmem:s20+$0x10280]  }
0xaa: {  	v5 =	vld [tilespmem:s20+$0x290];
	v41 =	vsub.f32 v11, v12;
	v0 =	vadd.f32 v2, v0;
	v2 =	vmul.f32 v9, v9  }
0xab: {  	v8 =	vld [tilespmem:s20+$0x10290]  }
0xac: {  	v44 =	vld [tilespmem:s20+$0x10300];
	v3 =	vsub.f32 v3, v7;
	v0 =	vadd.f32 v2, v0;
	v2 =	vmul.f32 v41, v41  }
0xad: {  	v1 =	vld [tilespmem:s20+$0x2A0]  }
0xae: {  	v45 =	vld [tilespmem:s20+$0x10330];
	v0 =	vadd.f32 v2, v0;
	v2 =	vmul.f32 v3, v3;
	v3 =	vsub.f32 v4, v6  }
0xaf: {  	v46 =	vld [tilespmem:s20+$0x380]  }
0xb0: {  	v47 =	vld [tilespmem:s20+$0x10380];
	v0 =	vadd.f32 v2, v0;
	v2 =	vmul.f32 v3, v3;
	v3 =	vsub.f32 v5, v8  }
0xb1: {  	v7 =	vld [tilespmem:s20+$0x300]  }
0xb2: {  	v1 =	vsub.f32 v1, v40;
	v4 =	vld [tilespmem:s20+$0x310];
	v0 =	vadd.f32 v2, v0;
	v2 =	vmul.f32 v3, v3  }
0xb3: {  	v6 =	vld [tilespmem:s20+$0x10310]  }
0xb4: {  	v1 =	vmul.f32 v1, v1;
	v5 =	vld [tilespmem:s20+$0x320];
	v0 =	vadd.f32 v2, v0;
	v2 =	vsub.f32 v42, v43  }
0xb5: {  	v8 =	vld [tilespmem:s20+$0x10320]  }
0xb6: {  	v48 =	vld [tilespmem:s20+$0x10390];
	v0 =	vadd.f32 v1, v0;
	v1 =	vmul.f32 v2, v2;
	v2 =	vsub.f32 v7, v44  }
0xb7: {  	v3 =	vld [tilespmem:s20+$0x330]  }
0xb8: {  	v49 =	vld [tilespmem:s20+$0x10400];
	v0 =	vadd.f32 v1, v0;
	v1 =	vmul.f32 v2, v2;
	v2 =	vsub.f32 v4, v6  }
0xb9: {  	v50 =	vld [tilespmem:s20+$0x410]  }
0xba: {  	v51 =	vld [tilespmem:s20+$0x10410];
	v0 =	vadd.f32 v1, v0;
	v1 =	vmul.f32 v2, v2;
	v2 =	vsub.f32 v5, v8  }
0xbb: {  	v7 =	vld [tilespmem:s20+$0x390]  }
0xbc: {  	v4 =	vld [tilespmem:s20+$0x3A0];
	v0 =	vadd.f32 v1, v0;
	v1 =	vmul.f32 v2, v2;
	v2 =	vsub.f32 v3, v45  }
0xbd: {  	v6 =	vld [tilespmem:s20+$0x103A0]  }
0xbe: {  	v5 =	vld [tilespmem:s20+$0x3B0];
	v0 =	vadd.f32 v1, v0;
	v1 =	vmul.f32 v2, v2;
	v2 =	vsub.f32 v46, v47  }
0xbf: {  	v8 =	vld [tilespmem:s20+$0x103B0]  }
0xc0: {  	v52 =	vld [tilespmem:s20+$0x10420];
	v0 =	vadd.f32 v1, v0;
	v1 =	vmul.f32 v2, v2;
	v2 =	vsub.f32 v7, v48  }
0xc1: {  	v3 =	vld [tilespmem:s20+$0x400]  }
0xc2: {  	v53 =	vld [tilespmem:s20+$0x10490];
	v0 =	vadd.f32 v1, v0;
	v1 =	vmul.f32 v2, v2;
	v2 =	vsub.f32 v4, v6  }
0xc3: {  	v54 =	vld [tilespmem:s20+$0x4A0]  }
0xc4: {  	v55 =	vld [tilespmem:s20+$0x104A0];
	v0 =	vadd.f32 v1, v0;
	v1 =	vmul.f32 v2, v2;
	v2 =	vsub.f32 v5, v8  }
0xc5: {  	v7 =	vld [tilespmem:s20+$0x420]  }
0xc6: {  	v4 =	vld [tilespmem:s20+$0x430];
	v0 =	vadd.f32 v1, v0;
	v1 =	vmul.f32 v2, v2;
	v2 =	vsub.f32 v3, v49  }
0xc7: {  	v6 =	vld [tilespmem:s20+$0x10430]  }
0xc8: {  	v5 =	vld [tilespmem:s20+$0x480];
	v0 =	vadd.f32 v1, v0;
	v1 =	vmul.f32 v2, v2;
	v2 =	vsub.f32 v50, v51  }
0xc9: {  	v8 =	vld [tilespmem:s20+$0x10480]  }
0xca: {  	v56 =	vld [tilespmem:s20+$0x104B0];
	v0 =	vadd.f32 v1, v0;
	v1 =	vmul.f32 v2, v2;
	v2 =	vsub.f32 v7, v52  }
0xcb: {  	v3 =	vld [tilespmem:s20+$0x490]  }
0xcc: {  	v57 =	vld [tilespmem:s20+$0x10520];
	v0 =	vadd.f32 v1, v0;
	v1 =	vmul.f32 v2, v2;
	v2 =	vsub.f32 v4, v6  }
0xcd: {  	v58 =	vld [tilespmem:s20+$0x530]  }
0xce: {  	v59 =	vld [tilespmem:s20+$0x10530];
	v0 =	vadd.f32 v1, v0;
	v1 =	vmul.f32 v2, v2;
	v2 =	vsub.f32 v5, v8  }
0xcf: {  	v7 =	vld [tilespmem:s20+$0x4B0]  }
0xd0: {  	v4 =	vld [tilespmem:s20+$0x500];
	v0 =	vadd.f32 v1, v0;
	v1 =	vmul.f32 v2, v2;
	v2 =	vsub.f32 v3, v53  }
0xd1: {  	v6 =	vld [tilespmem:s20+$0x10500]  }
0xd2: {  	v5 =	vld [tilespmem:s20+$0x510];
	v0 =	vadd.f32 v1, v0;
	v1 =	vmul.f32 v2, v2;
	v2 =	vsub.f32 v54, v55  }
0xd3: {  	v8 =	vld [tilespmem:s20+$0x10510]  }
0xd4: {  	v60 =	vld [tilespmem:s20+$0x10580];
	v0 =	vadd.f32 v1, v0;
	v1 =	vmul.f32 v2, v2;
	v2 =	vsub.f32 v7, v56  }
0xd5: {  	v3 =	vld [tilespmem:s20+$0x520]  }
0xd6: {  	v61 =	vld [tilespmem:s20+$0x105B0];
	v0 =	vadd.f32 v1, v0;
	v1 =	vmul.f32 v2, v2;
	v2 =	vsub.f32 v4, v6  }
0xd7: {  	v7 =	vld [tilespmem:s20+$0x580]  }
0xd8: {  	v4 =	vld [tilespmem:s20+$0x590];
	v0 =	vadd.f32 v1, v0;
	v1 =	vmul.f32 v2, v2;
	v2 =	vsub.f32 v5, v8  }
0xd9: {  	v6 =	vld [tilespmem:s20+$0x10590]  }
0xda: {  	v5 =	vld [tilespmem:s20+$0x5A0];
	v0 =	vadd.f32 v1, v0;
	v1 =	vmul.f32 v2, v2;
	v2 =	vsub.f32 v3, v57  }
0xdb: {  	v8 =	vld [tilespmem:s20+$0x105A0]  }
0xdc: {  	v3 =	vld [tilespmem:s20+$0x5B0];
	[tilespmem:s11], [sflag:$0x2] =	stream.indirect.gather [hbm4b:s3+s10], $0x80, s15, s10, $0xb8;
	v0 =	vadd.f32 v1, v0;
	v1 =	vsub.f32 v58, v59;
	v2 =	vmul.f32 v2, v2  }
0xdd: {  	_ =	swait.ge [sflag:s16], $0x4000  }
0xde: {  	[sflag:s16] =	ssyncset.done $0x0;
	v0 =	vadd.f32 v2, v0;
	v1 =	vmul.f32 v1, v1;
	v2 =	vsub.f32 v7, v60  }
0xdf: {  	s21 =	simm.s32 $0x0;
	[sflag:s16] =	ssyncadd.s32 $0xFFFFC000  }
0xe0: {  	v0 =	vadd.f32 v1, v0;
	v1 =	vmul.f32 v2, v2;
	v2 =	vsub.f32 v4, v6;
	v4 =	vld [tilespmem:s21+$0x4200]  }
0xe1: {  	v6 =	vld [tilespmem:s21+$0x14200]  }
0xe2: {  	v7 =	vld [tilespmem:s21+$0x14210];
	v0 =	vadd.f32 v1, v0;
	v1 =	vmul.f32 v2, v2;
	v2 =	vsub.f32 v5, v8  }
0xe3: {  	v5 =	vld [tilespmem:s21+$0x4210]  }
0xe4: {  	v8 =	vld [tilespmem:s21+$0x14220];
	v0 =	vadd.f32 v1, v0;
	v1 =	vmul.f32 v2, v2;
	v2 =	vsub.f32 v3, v61  }
0xe5: {  	v3 =	vld [tilespmem:s21+$0x4220]  }
0xe6: {  	v0 =	vadd.f32 v1, v0;
	v1 =	vmul.f32 v2, v2;
	v2 =	vsub.f32 v4, v6;
	v4 =	vld [tilespmem:s21+$0x4230]  }
0xe7: {  	v6 =	vld [tilespmem:s21+$0x14230]  }
0xe8: {  	v0 =	vadd.f32 v1, v0;
	v1 =	vmul.f32 v2, v2;
	v2 =	vsub.f32 v5, v7;
	v5 =	vld [tilespmem:s21+$0x4280]  }
0xe9: {  	v7 =	vld [tilespmem:s21+$0x14280]  }
0xea: {  	v0 =	vadd.f32 v1, v0;
	v1 =	vmul.f32 v2, v2;
	v2 =	vsub.f32 v3, v8;
	v3 =	vld [tilespmem:s21+$0x4290]  }
0xeb: {  	v8 =	vld [tilespmem:s21+$0x14290]  }
0xec: {  	v0 =	vadd.f32 v1, v0;
	v1 =	vmul.f32 v2, v2;
	v2 =	vsub.f32 v4, v6;
	v4 =	vld [tilespmem:s21+$0x42A0]  }
0xed: {  	v6 =	vld [tilespmem:s21+$0x142A0]  }
0xee: {  	v0 =	vadd.f32 v1, v0;
	v1 =	vmul.f32 v2, v2;
	v2 =	vsub.f32 v5, v7;
	v5 =	vld [tilespmem:s21+$0x42B0]  }
0xef: {  	v7 =	vld [tilespmem:s21+$0x142B0]  }
0xf0: {  	v0 =	vadd.f32 v1, v0;
	v1 =	vmul.f32 v2, v2;
	v2 =	vsub.f32 v3, v8;
	v3 =	vld [tilespmem:s21+$0x4300]  }
0xf1: {  	v8 =	vld [tilespmem:s21+$0x14300]  }
0xf2: {  	v0 =	vadd.f32 v1, v0;
	v1 =	vmul.f32 v2, v2;
	v2 =	vsub.f32 v4, v6;
	v4 =	vld [tilespmem:s21+$0x4310]  }
0xf3: {  	v6 =	vld [tilespmem:s21+$0x14310]  }
0xf4: {  	v0 =	vadd.f32 v1, v0;
	v1 =	vmul.f32 v2, v2;
	v2 =	vsub.f32 v5, v7;
	v5 =	vld [tilespmem:s21+$0x4320]  }
0xf5: {  	v7 =	vld [tilespmem:s21+$0x14320]  }
0xf6: {  	v0 =	vadd.f32 v1, v0;
	v1 =	vmul.f32 v2, v2;
	v2 =	vsub.f32 v3, v8;
	v3 =	vld [tilespmem:s21+$0x4330]  }
0xf7: {  	v8 =	vld [tilespmem:s21+$0x14330]  }
0xf8: {  	v0 =	vadd.f32 v1, v0;
	v1 =	vmul.f32 v2, v2;
	v2 =	vsub.f32 v4, v6;
	v4 =	vld [tilespmem:s21+$0x4380]  }
0xf9: {  	v6 =	vld [tilespmem:s21+$0x14380]  }
0xfa: {  	v0 =	vadd.f32 v1, v0;
	v1 =	vmul.f32 v2, v2;
	v2 =	vsub.f32 v5, v7;
	v5 =	vld [tilespmem:s21+$0x4390]  }
0xfb: {  	v7 =	vld [tilespmem:s21+$0x14390]  }
0xfc: {  	v0 =	vadd.f32 v1, v0;
	v1 =	vmul.f32 v2, v2;
	v2 =	vsub.f32 v3, v8;
	v3 =	vld [tilespmem:s21+$0x43A0]  }
0xfd: {  	v8 =	vld [tilespmem:s21+$0x143A0]  }
0xfe: {  	v0 =	vadd.f32 v1, v0;
	v1 =	vmul.f32 v2, v2;
	v2 =	vsub.f32 v4, v6;
	v4 =	vld [tilespmem:s21+$0x43B0]  }
0xff: {  	v6 =	vld [tilespmem:s21+$0x143B0]  }
0x100: {  	v0 =	vadd.f32 v1, v0;
	v1 =	vmul.f32 v2, v2;
	v2 =	vsub.f32 v5, v7;
	v5 =	vld [tilespmem:s21+$0x4400]  }
0x101: {  	v7 =	vld [tilespmem:s21+$0x14400]  }
0x102: {  	v0 =	vadd.f32 v1, v0;
	v1 =	vmul.f32 v2, v2;
	v2 =	vsub.f32 v3, v8;
	v3 =	vld [tilespmem:s21+$0x4410]  }
0x103: {  	v8 =	vld [tilespmem:s21+$0x14410]  }
0x104: {  	v0 =	vadd.f32 v1, v0;
	v1 =	vmul.f32 v2, v2;
	v2 =	vsub.f32 v4, v6;
	v4 =	vld [tilespmem:s21+$0x4420]  }
0x105: {  	v6 =	vld [tilespmem:s21+$0x14420]  }
0x106: {  	v0 =	vadd.f32 v1, v0;
	v1 =	vmul.f32 v2, v2;
	v2 =	vsub.f32 v5, v7;
	v5 =	vld [tilespmem:s21+$0x4430]  }
0x107: {  	v7 =	vld [tilespmem:s21+$0x14430]  }
0x108: {  	v0 =	vadd.f32 v1, v0;
	v1 =	vmul.f32 v2, v2;
	v2 =	vsub.f32 v3, v8;
	v3 =	vld [tilespmem:s21+$0x4480]  }
0x109: {  	v8 =	vld [tilespmem:s21+$0x14480]  }
0x10a: {  	v0 =	vadd.f32 v1, v0;
	v1 =	vmul.f32 v2, v2;
	v2 =	vsub.f32 v4, v6;
	v4 =	vld [tilespmem:s21+$0x4490]  }
0x10b: {  	v6 =	vld [tilespmem:s21+$0x14490]  }
0x10c: {  	v0 =	vadd.f32 v1, v0;
	v1 =	vmul.f32 v2, v2;
	v2 =	vsub.f32 v5, v7;
	v5 =	vld [tilespmem:s21+$0x44A0]  }
0x10d: {  	v7 =	vld [tilespmem:s21+$0x144A0]  }
0x10e: {  	v0 =	vadd.f32 v1, v0;
	v1 =	vmul.f32 v2, v2;
	v2 =	vsub.f32 v3, v8;
	v3 =	vld [tilespmem:s21+$0x44B0]  }
0x10f: {  	v8 =	vld [tilespmem:s21+$0x144B0]  }
0x110: {  	v0 =	vadd.f32 v1, v0;
	v1 =	vmul.f32 v2, v2;
	v2 =	vsub.f32 v4, v6;
	v4 =	vld [tilespmem:s21+$0x4500]  }
0x111: {  	v6 =	vld [tilespmem:s21+$0x14500]  }
0x112: {  	v0 =	vadd.f32 v1, v0;
	v1 =	vmul.f32 v2, v2;
	v2 =	vsub.f32 v5, v7;
	v5 =	vld [tilespmem:s21+$0x4510]  }
0x113: {  	v7 =	vld [tilespmem:s21+$0x14510]  }
0x114: {  	v0 =	vadd.f32 v1, v0;
	v1 =	vmul.f32 v2, v2;
	v2 =	vsub.f32 v3, v8;
	v3 =	vld [tilespmem:s21+$0x4520]  }
0x115: {  	v8 =	vld [tilespmem:s21+$0x14520]  }
0x116: {  	v0 =	vadd.f32 v1, v0;
	v1 =	vmul.f32 v2, v2;
	v2 =	vsub.f32 v4, v6;
	v4 =	vld [tilespmem:s21+$0x4530]  }
0x117: {  	v6 =	vld [tilespmem:s21+$0x14530]  }
0x118: {  	v0 =	vadd.f32 v1, v0;
	v1 =	vmul.f32 v2, v2;
	v2 =	vsub.f32 v5, v7;
	v5 =	vld [tilespmem:s21+$0x4580]  }
0x119: {  	v7 =	vld [tilespmem:s21+$0x14580]  }
0x11a: {  	v62 =	vld [tilespmem:s21+$0x14590];
	v0 =	vadd.f32 v1, v0;
	v1 =	vmul.f32 v2, v2;
	v2 =	vsub.f32 v3, v8  }
0x11b: {  	v8 =	vld [tilespmem:s21+$0x4590]  }
0x11c: {  	v3 =	vld [tilespmem:s21+$0x145A0];
	v4 =	vsub.f32 v4, v6;
	v1 =	vadd.f32 v1, v0;
	v2 =	vmul.f32 v2, v2  }
0x11d: {  	v0 =	vld [tilespmem:s21+$0x45A0]  }
0x11e: {  	v63 =	vmul.f32 v4, v4;
	v7 =	vsub.f32 v5, v7;
	v4 =	vld [tilespmem:s21+$0x145B0];
	v6 =	vadd.f32 v2, v1  }
0x11f: {  	s20 =	simm.s32 $0x400;
	v1 =	vld [tilespmem:s21+$0x45B0]  }
0x120: {  	v2 =	vld [tilespmem:s20+$0x4200];
	s21 =	simm.s32 $0x2000;
	v5 =	vadd.f32 v63, v6;
	v6 =	vmul.f32 v7, v7;
	v7 =	vsub.f32 v8, v62  }
.LBB2_4:
0x121: {  	p0 =	sne.s32 s21, $0xF000;
	v8 =	vld [tilespmem:s20+$0x14200]  }
0x122: {  	v9 =	vld [tilespmem:s20+$0x4210];
	v5 =	vadd.f32 v6, v5;
	v6 =	vmul.f32 v7, v7;
	v0 =	vsub.f32 v0, v3  }
0x123: {  	v3 =	vld [tilespmem:s20+$0x14210]  }
0x124: {  	v7 =	vld [tilespmem:s20+$0x4220];
	v5 =	vadd.f32 v6, v5;
	v0 =	vmul.f32 v0, v0;
	v1 =	vsub.f32 v1, v4  }
0x125: {  	v4 =	vld [tilespmem:s20+$0x14220]  }
0x126: {  	v2 =	vsub.f32 v2, v8;
	v6 =	vld [tilespmem:s20+$0x4230];
	v0 =	vadd.f32 v0, v5;
	v1 =	vmul.f32 v1, v1  }
0x127: {  	v5 =	vld [tilespmem:s20+$0x14230]  }
0x128: {  	v2 =	vmul.f32 v2, v2;
	v3 =	vsub.f32 v9, v3;
	v8 =	vld [tilespmem:s20+$0x4280];
	v0 =	vadd.f32 v1, v0  }
0x129: {  	v1 =	vld [tilespmem:s20+$0x14280]  }
0x12a: {  	v0 =	vadd.f32 v2, v0;
	v2 =	vmul.f32 v3, v3;
	v3 =	vsub.f32 v7, v4;
	v4 =	vld [tilespmem:s20+$0x4290]  }
0x12b: {  	v7 =	vld [tilespmem:s20+$0x14290]  }
0x12c: {  	v0 =	vadd.f32 v2, v0;
	v2 =	vmul.f32 v3, v3;
	v3 =	vsub.f32 v6, v5;
	v5 =	vld [tilespmem:s20+$0x42A0]  }
0x12d: {  	v6 =	vld [tilespmem:s20+$0x142A0]  }
0x12e: {  	v0 =	vadd.f32 v2, v0;
	v2 =	vmul.f32 v3, v3;
	v1 =	vsub.f32 v8, v1;
	v3 =	vld [tilespmem:s20+$0x42B0]  }
0x12f: {  	v8 =	vld [tilespmem:s20+$0x142B0]  }
0x130: {  	v0 =	vadd.f32 v2, v0;
	v1 =	vmul.f32 v1, v1;
	v2 =	vsub.f32 v4, v7;
	v4 =	vld [tilespmem:s20+$0x4300]  }
0x131: {  	v7 =	vld [tilespmem:s20+$0x14300]  }
0x132: {  	v0 =	vadd.f32 v1, v0;
	v1 =	vmul.f32 v2, v2;
	v2 =	vsub.f32 v5, v6;
	v5 =	vld [tilespmem:s20+$0x4310]  }
0x133: {  	v6 =	vld [tilespmem:s20+$0x14310]  }
0x134: {  	v0 =	vadd.f32 v1, v0;
	v1 =	vmul.f32 v2, v2;
	v2 =	vsub.f32 v3, v8;
	v3 =	vld [tilespmem:s20+$0x4320]  }
0x135: {  	v8 =	vld [tilespmem:s20+$0x14320]  }
0x136: {  	v0 =	vadd.f32 v1, v0;
	v1 =	vmul.f32 v2, v2;
	v2 =	vsub.f32 v4, v7;
	v4 =	vld [tilespmem:s20+$0x4330]  }
0x137: {  	v7 =	vld [tilespmem:s20+$0x14330]  }
0x138: {  	v0 =	vadd.f32 v1, v0;
	v1 =	vmul.f32 v2, v2;
	v2 =	vsub.f32 v5, v6;
	v5 =	vld [tilespmem:s20+$0x4380]  }
0x139: {  	v6 =	vld [tilespmem:s20+$0x14380]  }
0x13a: {  	v0 =	vadd.f32 v1, v0;
	v1 =	vmul.f32 v2, v2;
	v2 =	vsub.f32 v3, v8;
	v3 =	vld [tilespmem:s20+$0x4390]  }
0x13b: {  	v8 =	vld [tilespmem:s20+$0x14390]  }
0x13c: {  	v0 =	vadd.f32 v1, v0;
	v1 =	vmul.f32 v2, v2;
	v2 =	vsub.f32 v4, v7;
	v4 =	vld [tilespmem:s20+$0x43A0]  }
0x13d: {  	v7 =	vld [tilespmem:s20+$0x143A0]  }
0x13e: {  	v0 =	vadd.f32 v1, v0;
	v1 =	vmul.f32 v2, v2;
	v2 =	vsub.f32 v5, v6;
	v5 =	vld [tilespmem:s20+$0x43B0]  }
0x13f: {  	v6 =	vld [tilespmem:s20+$0x143B0]  }
0x140: {  	v0 =	vadd.f32 v1, v0;
	v1 =	vmul.f32 v2, v2;
	v2 =	vsub.f32 v3, v8;
	v3 =	vld [tilespmem:s20+$0x4400]  }
0x141: {  	v8 =	vld [tilespmem:s20+$0x14400]  }
0x142: {  	v0 =	vadd.f32 v1, v0;
	v1 =	vmul.f32 v2, v2;
	v2 =	vsub.f32 v4, v7;
	v4 =	vld [tilespmem:s20+$0x4410]  }
0x143: {  	v7 =	vld [tilespmem:s20+$0x14410]  }
0x144: {  	v0 =	vadd.f32 v1, v0;
	v1 =	vmul.f32 v2, v2;
	v2 =	vsub.f32 v5, v6;
	v5 =	vld [tilespmem:s20+$0x4420]  }
0x145: {  	v6 =	vld [tilespmem:s20+$0x14420]  }
0x146: {  	v0 =	vadd.f32 v1, v0;
	v1 =	vmul.f32 v2, v2;
	v2 =	vsub.f32 v3, v8;
	v3 =	vld [tilespmem:s20+$0x4430]  }
0x147: {  	v8 =	vld [tilespmem:s20+$0x14430]  }
0x148: {  	v0 =	vadd.f32 v1, v0;
	v1 =	vmul.f32 v2, v2;
	v2 =	vsub.f32 v4, v7;
	v4 =	vld [tilespmem:s20+$0x4480]  }
0x149: {  	v7 =	vld [tilespmem:s20+$0x14480]  }
0x14a: {  	v0 =	vadd.f32 v1, v0;
	v1 =	vmul.f32 v2, v2;
	v2 =	vsub.f32 v5, v6;
	v5 =	vld [tilespmem:s20+$0x4490]  }
0x14b: {  	v6 =	vld [tilespmem:s20+$0x14490]  }
0x14c: {  	v0 =	vadd.f32 v1, v0;
	v1 =	vmul.f32 v2, v2;
	v2 =	vsub.f32 v3, v8;
	v3 =	vld [tilespmem:s20+$0x44A0]  }
0x14d: {  	v8 =	vld [tilespmem:s20+$0x144A0]  }
0x14e: {  	v0 =	vadd.f32 v1, v0;
	v1 =	vmul.f32 v2, v2;
	v2 =	vsub.f32 v4, v7;
	v4 =	vld [tilespmem:s20+$0x44B0]  }
0x14f: {  	v7 =	vld [tilespmem:s20+$0x144B0]  }
0x150: {  	v0 =	vadd.f32 v1, v0;
	v1 =	vmul.f32 v2, v2;
	v2 =	vsub.f32 v5, v6;
	v5 =	vld [tilespmem:s20+$0x4500]  }
0x151: {  	v6 =	vld [tilespmem:s20+$0x14500]  }
0x152: {  	v0 =	vadd.f32 v1, v0;
	v1 =	vmul.f32 v2, v2;
	v2 =	vsub.f32 v3, v8;
	v3 =	vld [tilespmem:s20+$0x4510]  }
0x153: {  	v8 =	vld [tilespmem:s20+$0x14510]  }
0x154: {  	v0 =	vadd.f32 v1, v0;
	v1 =	vmul.f32 v2, v2;
	v2 =	vsub.f32 v4, v7;
	v4 =	vld [tilespmem:s20+$0x4520]  }
0x155: {  	v7 =	vld [tilespmem:s20+$0x14520]  }
0x156: {  	v0 =	vadd.f32 v1, v0;
	v1 =	vmul.f32 v2, v2;
	v2 =	vsub.f32 v5, v6;
	v5 =	vld [tilespmem:s20+$0x4530]  }
0x157: {  	v6 =	vld [tilespmem:s20+$0x14530]  }
0x158: {  	v0 =	vadd.f32 v1, v0;
	v1 =	vmul.f32 v2, v2;
	v2 =	vsub.f32 v3, v8;
	v8 =	vld [tilespmem:s20+$0x4580]  }
0x159: {  	v9 =	vld [tilespmem:s20+$0x14580]  }
0x15a: {  	v0 =	vadd.f32 v1, v0;
	v1 =	vmul.f32 v2, v2;
	v2 =	vsub.f32 v4, v7;
	v7 =	vld [tilespmem:s20+$0x4590]  }
0x15b: {  	v10 =	vld [tilespmem:s20+$0x14590]  }
.Ltmp1:
0x15c: {  	v1 =	vadd.f32 v1, v0;
	v2 =	vmul.f32 v2, v2;
	v4 =	vsub.f32 v5, v6;
	v0 =	vld [tilespmem:s20+$0x45A0];
	(pc) =	sbr.rel @p0 .LBB2_4-.Ltmp1, $4  }
0x15d: {  	v3 =	vld [tilespmem:s20+$0x145A0]  }
0x15e: {  	v5 =	vadd.f32 v2, v1;
	v6 =	vmul.f32 v4, v4;
	v8 =	vsub.f32 v8, v9;
	v1 =	vld [tilespmem:s20+$0x45B0]  }
0x15f: {  	v4 =	vld [tilespmem:s20+$0x145B0];
	s20 =	sshra.s32 s21, $0x2  }
0x160: {  	s21 =	sadd.s32 $0x1000, s21;
	v2 =	vld [tilespmem:s20+$0x4200];
	v5 =	vadd.f32 v6, v5;
	v6 =	vmul.f32 v8, v8;
	v7 =	vsub.f32 v7, v10  }
0x161: {  	v8 =	vld [tilespmem:s20+$0x14200]  }
0x162: {  	v9 =	vld [tilespmem:s20+$0x4210]  }
0x163: {  	v10 =	vld [tilespmem:s20+$0x14210]  }
0x164: {  	v11 =	vld [tilespmem:s20+$0x4220]  }
0x165: {  	v12 =	vld [tilespmem:s20+$0x14220];
	v5 =	vadd.f32 v6, v5;
	v6 =	vmul.f32 v7, v7;
	v0 =	vsub.f32 v0, v3  }
0x166: {  	v40 =	vld [tilespmem:s20+$0x142A0]  }
0x167: {  	v42 =	vld [tilespmem:s20+$0x42B0];
	v5 =	vadd.f32 v6, v5;
	v0 =	vmul.f32 v0, v0;
	v1 =	vsub.f32 v1, v4  }
0x168: {  	v43 =	vld [tilespmem:s20+$0x142B0]  }
0x169: {  	v3 =	vld [tilespmem:s20+$0x4230];
	v2 =	vsub.f32 v2, v8;
	v0 =	vadd.f32 v0, v5;
	v1 =	vmul.f32 v1, v1  }
0x16a: {  	v7 =	vld [tilespmem:s20+$0x14230]  }
0x16b: {  	v4 =	vld [tilespmem:s20+$0x4280];
	v9 =	vsub.f32 v9, v10;
	v2 =	vmul.f32 v2, v2;
	v0 =	vadd.f32 v1, v0  }
0x16c: {  	v6 =	vld [tilespmem:s20+$0x14280]  }
0x16d: {  	v5 =	vld [tilespmem:s20+$0x4290];
	v41 =	vsub.f32 v11, v12;
	v0 =	vadd.f32 v2, v0;
	v2 =	vmul.f32 v9, v9  }
0x16e: {  	v8 =	vld [tilespmem:s20+$0x14290]  }
0x16f: {  	v44 =	vld [tilespmem:s20+$0x14300];
	v3 =	vsub.f32 v3, v7;
	v0 =	vadd.f32 v2, v0;
	v2 =	vmul.f32 v41, v41  }
0x170: {  	v1 =	vld [tilespmem:s20+$0x42A0]  }
0x171: {  	v45 =	vld [tilespmem:s20+$0x14330];
	v0 =	vadd.f32 v2, v0;
	v2 =	vmul.f32 v3, v3;
	v3 =	vsub.f32 v4, v6  }
0x172: {  	v46 =	vld [tilespmem:s20+$0x4380]  }
0x173: {  	v47 =	vld [tilespmem:s20+$0x14380];
	v0 =	vadd.f32 v2, v0;
	v2 =	vmul.f32 v3, v3;
	v3 =	vsub.f32 v5, v8  }
0x174: {  	v7 =	vld [tilespmem:s20+$0x4300]  }
0x175: {  	v1 =	vsub.f32 v1, v40;
	v4 =	vld [tilespmem:s20+$0x4310];
	v0 =	vadd.f32 v2, v0;
	v2 =	vmul.f32 v3, v3  }
0x176: {  	v6 =	vld [tilespmem:s20+$0x14310]  }
0x177: {  	v1 =	vmul.f32 v1, v1;
	v5 =	vld [tilespmem:s20+$0x4320];
	v0 =	vadd.f32 v2, v0;
	v2 =	vsub.f32 v42, v43  }
0x178: {  	v8 =	vld [tilespmem:s20+$0x14320]  }
0x179: {  	v48 =	vld [tilespmem:s20+$0x14390];
	v0 =	vadd.f32 v1, v0;
	v1 =	vmul.f32 v2, v2;
	v2 =	vsub.f32 v7, v44  }
0x17a: {  	v3 =	vld [tilespmem:s20+$0x4330]  }
0x17b: {  	v49 =	vld [tilespmem:s20+$0x14400];
	v0 =	vadd.f32 v1, v0;
	v1 =	vmul.f32 v2, v2;
	v2 =	vsub.f32 v4, v6  }
0x17c: {  	v50 =	vld [tilespmem:s20+$0x4410]  }
0x17d: {  	v51 =	vld [tilespmem:s20+$0x14410];
	v0 =	vadd.f32 v1, v0;
	v1 =	vmul.f32 v2, v2;
	v2 =	vsub.f32 v5, v8  }
0x17e: {  	v7 =	vld [tilespmem:s20+$0x4390]  }
0x17f: {  	v4 =	vld [tilespmem:s20+$0x43A0];
	v0 =	vadd.f32 v1, v0;
	v1 =	vmul.f32 v2, v2;
	v2 =	vsub.f32 v3, v45  }
0x180: {  	v6 =	vld [tilespmem:s20+$0x143A0]  }
0x181: {  	v5 =	vld [tilespmem:s20+$0x43B0];
	v0 =	vadd.f32 v1, v0;
	v1 =	vmul.f32 v2, v2;
	v2 =	vsub.f32 v46, v47  }
0x182: {  	v8 =	vld [tilespmem:s20+$0x143B0]  }
0x183: {  	v52 =	vld [tilespmem:s20+$0x14420];
	v0 =	vadd.f32 v1, v0;
	v1 =	vmul.f32 v2, v2;
	v2 =	vsub.f32 v7, v48  }
0x184: {  	v3 =	vld [tilespmem:s20+$0x4400]  }
0x185: {  	v53 =	vld [tilespmem:s20+$0x14490];
	v0 =	vadd.f32 v1, v0;
	v1 =	vmul.f32 v2, v2;
	v2 =	vsub.f32 v4, v6  }
0x186: {  	v54 =	vld [tilespmem:s20+$0x44A0]  }
0x187: {  	v55 =	vld [tilespmem:s20+$0x144A0];
	v0 =	vadd.f32 v1, v0;
	v1 =	vmul.f32 v2, v2;
	v2 =	vsub.f32 v5, v8  }
0x188: {  	v7 =	vld [tilespmem:s20+$0x4420]  }
0x189: {  	v4 =	vld [tilespmem:s20+$0x4430];
	v0 =	vadd.f32 v1, v0;
	v1 =	vmul.f32 v2, v2;
	v2 =	vsub.f32 v3, v49  }
0x18a: {  	v6 =	vld [tilespmem:s20+$0x14430]  }
0x18b: {  	v5 =	vld [tilespmem:s20+$0x4480];
	v0 =	vadd.f32 v1, v0;
	v1 =	vmul.f32 v2, v2;
	v2 =	vsub.f32 v50, v51  }
0x18c: {  	v8 =	vld [tilespmem:s20+$0x14480]  }
0x18d: {  	v56 =	vld [tilespmem:s20+$0x144B0];
	v0 =	vadd.f32 v1, v0;
	v1 =	vmul.f32 v2, v2;
	v2 =	vsub.f32 v7, v52  }
0x18e: {  	v3 =	vld [tilespmem:s20+$0x4490]  }
0x18f: {  	v57 =	vld [tilespmem:s20+$0x14520];
	v0 =	vadd.f32 v1, v0;
	v1 =	vmul.f32 v2, v2;
	v2 =	vsub.f32 v4, v6  }
0x190: {  	v58 =	vld [tilespmem:s20+$0x4530]  }
0x191: {  	v59 =	vld [tilespmem:s20+$0x14530];
	v0 =	vadd.f32 v1, v0;
	v1 =	vmul.f32 v2, v2;
	v2 =	vsub.f32 v5, v8  }
0x192: {  	v7 =	vld [tilespmem:s20+$0x44B0]  }
0x193: {  	v4 =	vld [tilespmem:s20+$0x4500];
	v0 =	vadd.f32 v1, v0;
	v1 =	vmul.f32 v2, v2;
	v2 =	vsub.f32 v3, v53  }
0x194: {  	v6 =	vld [tilespmem:s20+$0x14500]  }
0x195: {  	v5 =	vld [tilespmem:s20+$0x4510];
	v0 =	vadd.f32 v1, v0;
	v1 =	vmul.f32 v2, v2;
	v2 =	vsub.f32 v54, v55  }
0x196: {  	v8 =	vld [tilespmem:s20+$0x14510]  }
0x197: {  	v60 =	vld [tilespmem:s20+$0x14580];
	v0 =	vadd.f32 v1, v0;
	v1 =	vmul.f32 v2, v2;
	v2 =	vsub.f32 v7, v56  }
0x198: {  	v3 =	vld [tilespmem:s20+$0x4520]  }
0x199: {  	v61 =	vld [tilespmem:s20+$0x145B0];
	v0 =	vadd.f32 v1, v0;
	v1 =	vmul.f32 v2, v2;
	v2 =	vsub.f32 v4, v6  }
0x19a: {  	v7 =	vld [tilespmem:s20+$0x4580]  }
0x19b: {  	v4 =	vld [tilespmem:s20+$0x4590];
	v0 =	vadd.f32 v1, v0;
	v1 =	vmul.f32 v2, v2;
	v2 =	vsub.f32 v5, v8  }
0x19c: {  	v6 =	vld [tilespmem:s20+$0x14590]  }
0x19d: {  	v5 =	vld [tilespmem:s20+$0x45A0];
	v0 =	vadd.f32 v1, v0;
	v1 =	vmul.f32 v2, v2;
	v2 =	vsub.f32 v3, v57  }
0x19e: {  	v8 =	vld [tilespmem:s20+$0x145A0]  }
0x19f: {  	v3 =	vld [tilespmem:s20+$0x45B0];
	[tilespmem:s12], [sflag:$0x3] =	stream.indirect.gather [hbm4b:s3+s10], $0x80, s17, s10, $0xb8;
	v0 =	vadd.f32 v1, v0;
	v1 =	vsub.f32 v58, v59;
	v2 =	vmul.f32 v2, v2  }
0x1a0: {  	_ =	swait.ge [sflag:s14], $0x4000  }
0x1a1: {  	[sflag:s14] =	ssyncset.done $0x0;
	v0 =	vadd.f32 v2, v0;
	v1 =	vmul.f32 v1, v1;
	v2 =	vsub.f32 v7, v60  }
0x1a2: {  	s21 =	simm.s32 $0x0;
	[sflag:s14] =	ssyncadd.s32 $0xFFFFC000  }
0x1a3: {  	v0 =	vadd.f32 v1, v0;
	v1 =	vmul.f32 v2, v2;
	v2 =	vsub.f32 v4, v6;
	v4 =	vld [tilespmem:s21+$0x8200]  }
0x1a4: {  	v6 =	vld [tilespmem:s21+$0x10200]  }
0x1a5: {  	v7 =	vld [tilespmem:s21+$0x10210];
	v0 =	vadd.f32 v1, v0;
	v1 =	vmul.f32 v2, v2;
	v2 =	vsub.f32 v5, v8  }
0x1a6: {  	v5 =	vld [tilespmem:s21+$0x8210]  }
0x1a7: {  	v8 =	vld [tilespmem:s21+$0x10220];
	v0 =	vadd.f32 v1, v0;
	v1 =	vmul.f32 v2, v2;
	v2 =	vsub.f32 v3, v61  }
0x1a8: {  	v3 =	vld [tilespmem:s21+$0x8220]  }
0x1a9: {  	v0 =	vadd.f32 v1, v0;
	v1 =	vmul.f32 v2, v2;
	v2 =	vsub.f32 v4, v6;
	v4 =	vld [tilespmem:s21+$0x8230]  }
0x1aa: {  	v6 =	vld [tilespmem:s21+$0x10230]  }
0x1ab: {  	v0 =	vadd.f32 v1, v0;
	v1 =	vmul.f32 v2, v2;
	v2 =	vsub.f32 v5, v7;
	v5 =	vld [tilespmem:s21+$0x8280]  }
0x1ac: {  	v7 =	vld [tilespmem:s21+$0x10280]  }
0x1ad: {  	v0 =	vadd.f32 v1, v0;
	v1 =	vmul.f32 v2, v2;
	v2 =	vsub.f32 v3, v8;
	v3 =	vld [tilespmem:s21+$0x8290]  }
0x1ae: {  	v8 =	vld [tilespmem:s21+$0x10290]  }
0x1af: {  	v0 =	vadd.f32 v1, v0;
	v1 =	vmul.f32 v2, v2;
	v2 =	vsub.f32 v4, v6;
	v4 =	vld [tilespmem:s21+$0x82A0]  }
0x1b0: {  	v6 =	vld [tilespmem:s21+$0x102A0]  }
0x1b1: {  	v0 =	vadd.f32 v1, v0;
	v1 =	vmul.f32 v2, v2;
	v2 =	vsub.f32 v5, v7;
	v5 =	vld [tilespmem:s21+$0x82B0]  }
0x1b2: {  	v7 =	vld [tilespmem:s21+$0x102B0]  }
0x1b3: {  	v0 =	vadd.f32 v1, v0;
	v1 =	vmul.f32 v2, v2;
	v2 =	vsub.f32 v3, v8;
	v3 =	vld [tilespmem:s21+$0x8300]  }
0x1b4: {  	v8 =	vld [tilespmem:s21+$0x10300]  }
0x1b5: {  	v0 =	vadd.f32 v1, v0;
	v1 =	vmul.f32 v2, v2;
	v2 =	vsub.f32 v4, v6;
	v4 =	vld [tilespmem:s21+$0x8310]  }
0x1b6: {  	v6 =	vld [tilespmem:s21+$0x10310]  }
0x1b7: {  	v0 =	vadd.f32 v1, v0;
	v1 =	vmul.f32 v2, v2;
	v2 =	vsub.f32 v5, v7;
	v5 =	vld [tilespmem:s21+$0x8320]  }
0x1b8: {  	v7 =	vld [tilespmem:s21+$0x10320]  }
0x1b9: {  	v0 =	vadd.f32 v1, v0;
	v1 =	vmul.f32 v2, v2;
	v2 =	vsub.f32 v3, v8;
	v3 =	vld [tilespmem:s21+$0x8330]  }
0x1ba: {  	v8 =	vld [tilespmem:s21+$0x10330]  }
0x1bb: {  	v0 =	vadd.f32 v1, v0;
	v1 =	vmul.f32 v2, v2;
	v2 =	vsub.f32 v4, v6;
	v4 =	vld [tilespmem:s21+$0x8380]  }
0x1bc: {  	v6 =	vld [tilespmem:s21+$0x10380]  }
0x1bd: {  	v0 =	vadd.f32 v1, v0;
	v1 =	vmul.f32 v2, v2;
	v2 =	vsub.f32 v5, v7;
	v5 =	vld [tilespmem:s21+$0x8390]  }
0x1be: {  	v7 =	vld [tilespmem:s21+$0x10390]  }
0x1bf: {  	v0 =	vadd.f32 v1, v0;
	v1 =	vmul.f32 v2, v2;
	v2 =	vsub.f32 v3, v8;
	v3 =	vld [tilespmem:s21+$0x83A0]  }
0x1c0: {  	v8 =	vld [tilespmem:s21+$0x103A0]  }
0x1c1: {  	v0 =	vadd.f32 v1, v0;
	v1 =	vmul.f32 v2, v2;
	v2 =	vsub.f32 v4, v6;
	v4 =	vld [tilespmem:s21+$0x83B0]  }
0x1c2: {  	v6 =	vld [tilespmem:s21+$0x103B0]  }
0x1c3: {  	v0 =	vadd.f32 v1, v0;
	v1 =	vmul.f32 v2, v2;
	v2 =	vsub.f32 v5, v7;
	v5 =	vld [tilespmem:s21+$0x8400]  }
0x1c4: {  	v7 =	vld [tilespmem:s21+$0x10400]  }
0x1c5: {  	v0 =	vadd.f32 v1, v0;
	v1 =	vmul.f32 v2, v2;
	v2 =	vsub.f32 v3, v8;
	v3 =	vld [tilespmem:s21+$0x8410]  }
0x1c6: {  	v8 =	vld [tilespmem:s21+$0x10410]  }
0x1c7: {  	v0 =	vadd.f32 v1, v0;
	v1 =	vmul.f32 v2, v2;
	v2 =	vsub.f32 v4, v6;
	v4 =	vld [tilespmem:s21+$0x8420]  }
0x1c8: {  	v6 =	vld [tilespmem:s21+$0x10420]  }
0x1c9: {  	v0 =	vadd.f32 v1, v0;
	v1 =	vmul.f32 v2, v2;
	v2 =	vsub.f32 v5, v7;
	v5 =	vld [tilespmem:s21+$0x8430]  }
0x1ca: {  	v7 =	vld [tilespmem:s21+$0x10430]  }
0x1cb: {  	v0 =	vadd.f32 v1, v0;
	v1 =	vmul.f32 v2, v2;
	v2 =	vsub.f32 v3, v8;
	v3 =	vld [tilespmem:s21+$0x8480]  }
0x1cc: {  	v8 =	vld [tilespmem:s21+$0x10480]  }
0x1cd: {  	v0 =	vadd.f32 v1, v0;
	v1 =	vmul.f32 v2, v2;
	v2 =	vsub.f32 v4, v6;
	v4 =	vld [tilespmem:s21+$0x8490]  }
0x1ce: {  	v6 =	vld [tilespmem:s21+$0x10490]  }
0x1cf: {  	v0 =	vadd.f32 v1, v0;
	v1 =	vmul.f32 v2, v2;
	v2 =	vsub.f32 v5, v7;
	v5 =	vld [tilespmem:s21+$0x84A0]  }
0x1d0: {  	v7 =	vld [tilespmem:s21+$0x104A0]  }
0x1d1: {  	v0 =	vadd.f32 v1, v0;
	v1 =	vmul.f32 v2, v2;
	v2 =	vsub.f32 v3, v8;
	v3 =	vld [tilespmem:s21+$0x84B0]  }
0x1d2: {  	v8 =	vld [tilespmem:s21+$0x104B0]  }
0x1d3: {  	v0 =	vadd.f32 v1, v0;
	v1 =	vmul.f32 v2, v2;
	v2 =	vsub.f32 v4, v6;
	v4 =	vld [tilespmem:s21+$0x8500]  }
0x1d4: {  	v6 =	vld [tilespmem:s21+$0x10500]  }
0x1d5: {  	v0 =	vadd.f32 v1, v0;
	v1 =	vmul.f32 v2, v2;
	v2 =	vsub.f32 v5, v7;
	v5 =	vld [tilespmem:s21+$0x8510]  }
0x1d6: {  	v7 =	vld [tilespmem:s21+$0x10510]  }
0x1d7: {  	v0 =	vadd.f32 v1, v0;
	v1 =	vmul.f32 v2, v2;
	v2 =	vsub.f32 v3, v8;
	v3 =	vld [tilespmem:s21+$0x8520]  }
0x1d8: {  	v8 =	vld [tilespmem:s21+$0x10520]  }
0x1d9: {  	v0 =	vadd.f32 v1, v0;
	v1 =	vmul.f32 v2, v2;
	v2 =	vsub.f32 v4, v6;
	v4 =	vld [tilespmem:s21+$0x8530]  }
0x1da: {  	v6 =	vld [tilespmem:s21+$0x10530]  }
0x1db: {  	v0 =	vadd.f32 v1, v0;
	v1 =	vmul.f32 v2, v2;
	v2 =	vsub.f32 v5, v7;
	v5 =	vld [tilespmem:s21+$0x8580]  }
0x1dc: {  	v7 =	vld [tilespmem:s21+$0x10580]  }
0x1dd: {  	v62 =	vld [tilespmem:s21+$0x10590];
	v0 =	vadd.f32 v1, v0;
	v1 =	vmul.f32 v2, v2;
	v2 =	vsub.f32 v3, v8  }
0x1de: {  	v8 =	vld [tilespmem:s21+$0x8590]  }
0x1df: {  	v3 =	vld [tilespmem:s21+$0x105A0];
	v4 =	vsub.f32 v4, v6;
	v1 =	vadd.f32 v1, v0;
	v2 =	vmul.f32 v2, v2  }
0x1e0: {  	v0 =	vld [tilespmem:s21+$0x85A0]  }
0x1e1: {  	v63 =	vmul.f32 v4, v4;
	v7 =	vsub.f32 v5, v7;
	v4 =	vld [tilespmem:s21+$0x105B0];
	v6 =	vadd.f32 v2, v1  }
0x1e2: {  	s20 =	simm.s32 $0x400;
	v1 =	vld [tilespmem:s21+$0x85B0]  }
0x1e3: {  	v2 =	vld [tilespmem:s20+$0x8200];
	s21 =	simm.s32 $0x2000;
	v5 =	vadd.f32 v63, v6;
	v6 =	vmul.f32 v7, v7;
	v7 =	vsub.f32 v8, v62  }
.LBB2_6:
0x1e4: {  	p0 =	sne.s32 s21, $0xF000;
	v8 =	vld [tilespmem:s20+$0x10200]  }
0x1e5: {  	v9 =	vld [tilespmem:s20+$0x8210];
	v5 =	vadd.f32 v6, v5;
	v6 =	vmul.f32 v7, v7;
	v0 =	vsub.f32 v0, v3  }
0x1e6: {  	v3 =	vld [tilespmem:s20+$0x10210]  }
0x1e7: {  	v7 =	vld [tilespmem:s20+$0x8220];
	v5 =	vadd.f32 v6, v5;
	v0 =	vmul.f32 v0, v0;
	v1 =	vsub.f32 v1, v4  }
0x1e8: {  	v4 =	vld [tilespmem:s20+$0x10220]  }
0x1e9: {  	v2 =	vsub.f32 v2, v8;
	v6 =	vld [tilespmem:s20+$0x8230];
	v0 =	vadd.f32 v0, v5;
	v1 =	vmul.f32 v1, v1  }
0x1ea: {  	v5 =	vld [tilespmem:s20+$0x10230]  }
0x1eb: {  	v2 =	vmul.f32 v2, v2;
	v3 =	vsub.f32 v9, v3;
	v8 =	vld [tilespmem:s20+$0x8280];
	v0 =	vadd.f32 v1, v0  }
0x1ec: {  	v1 =	vld [tilespmem:s20+$0x10280]  }
0x1ed: {  	v0 =	vadd.f32 v2, v0;
	v2 =	vmul.f32 v3, v3;
	v3 =	vsub.f32 v7, v4;
	v4 =	vld [tilespmem:s20+$0x8290]  }
0x1ee: {  	v7 =	vld [tilespmem:s20+$0x10290]  }
0x1ef: {  	v0 =	vadd.f32 v2, v0;
	v2 =	vmul.f32 v3, v3;
	v3 =	vsub.f32 v6, v5;
	v5 =	vld [tilespmem:s20+$0x82A0]  }
0x1f0: {  	v6 =	vld [tilespmem:s20+$0x102A0]  }
0x1f1: {  	v0 =	vadd.f32 v2, v0;
	v2 =	vmul.f32 v3, v3;
	v1 =	vsub.f32 v8, v1;
	v3 =	vld [tilespmem:s20+$0x82B0]  }
0x1f2: {  	v8 =	vld [tilespmem:s20+$0x102B0]  }
0x1f3: {  	v0 =	vadd.f32 v2, v0;
	v1 =	vmul.f32 v1, v1;
	v2 =	vsub.f32 v4, v7;
	v4 =	vld [tilespmem:s20+$0x8300]  }
0x1f4: {  	v7 =	vld [tilespmem:s20+$0x10300]  }
0x1f5: {  	v0 =	vadd.f32 v1, v0;
	v1 =	vmul.f32 v2, v2;
	v2 =	vsub.f32 v5, v6;
	v5 =	vld [tilespmem:s20+$0x8310]  }
0x1f6: {  	v6 =	vld [tilespmem:s20+$0x10310]  }
0x1f7: {  	v0 =	vadd.f32 v1, v0;
	v1 =	vmul.f32 v2, v2;
	v2 =	vsub.f32 v3, v8;
	v3 =	vld [tilespmem:s20+$0x8320]  }
0x1f8: {  	v8 =	vld [tilespmem:s20+$0x10320]  }
0x1f9: {  	v0 =	vadd.f32 v1, v0;
	v1 =	vmul.f32 v2, v2;
	v2 =	vsub.f32 v4, v7;
	v4 =	vld [tilespmem:s20+$0x8330]  }
0x1fa: {  	v7 =	vld [tilespmem:s20+$0x10330]  }
0x1fb: {  	v0 =	vadd.f32 v1, v0;
	v1 =	vmul.f32 v2, v2;
	v2 =	vsub.f32 v5, v6;
	v5 =	vld [tilespmem:s20+$0x8380]  }
0x1fc: {  	v6 =	vld [tilespmem:s20+$0x10380]  }
0x1fd: {  	v0 =	vadd.f32 v1, v0;
	v1 =	vmul.f32 v2, v2;
	v2 =	vsub.f32 v3, v8;
	v3 =	vld [tilespmem:s20+$0x8390]  }
0x1fe: {  	v8 =	vld [tilespmem:s20+$0x10390]  }
0x1ff: {  	v0 =	vadd.f32 v1, v0;
	v1 =	vmul.f32 v2, v2;
	v2 =	vsub.f32 v4, v7;
	v4 =	vld [tilespmem:s20+$0x83A0]  }
0x200: {  	v7 =	vld [tilespmem:s20+$0x103A0]  }
0x201: {  	v0 =	vadd.f32 v1, v0;
	v1 =	vmul.f32 v2, v2;
	v2 =	vsub.f32 v5, v6;
	v5 =	vld [tilespmem:s20+$0x83B0]  }
0x202: {  	v6 =	vld [tilespmem:s20+$0x103B0]  }
0x203: {  	v0 =	vadd.f32 v1, v0;
	v1 =	vmul.f32 v2, v2;
	v2 =	vsub.f32 v3, v8;
	v3 =	vld [tilespmem:s20+$0x8400]  }
0x204: {  	v8 =	vld [tilespmem:s20+$0x10400]  }
0x205: {  	v0 =	vadd.f32 v1, v0;
	v1 =	vmul.f32 v2, v2;
	v2 =	vsub.f32 v4, v7;
	v4 =	vld [tilespmem:s20+$0x8410]  }
0x206: {  	v7 =	vld [tilespmem:s20+$0x10410]  }
0x207: {  	v0 =	vadd.f32 v1, v0;
	v1 =	vmul.f32 v2, v2;
	v2 =	vsub.f32 v5, v6;
	v5 =	vld [tilespmem:s20+$0x8420]  }
0x208: {  	v6 =	vld [tilespmem:s20+$0x10420]  }
0x209: {  	v0 =	vadd.f32 v1, v0;
	v1 =	vmul.f32 v2, v2;
	v2 =	vsub.f32 v3, v8;
	v3 =	vld [tilespmem:s20+$0x8430]  }
0x20a: {  	v8 =	vld [tilespmem:s20+$0x10430]  }
0x20b: {  	v0 =	vadd.f32 v1, v0;
	v1 =	vmul.f32 v2, v2;
	v2 =	vsub.f32 v4, v7;
	v4 =	vld [tilespmem:s20+$0x8480]  }
0x20c: {  	v7 =	vld [tilespmem:s20+$0x10480]  }
0x20d: {  	v0 =	vadd.f32 v1, v0;
	v1 =	vmul.f32 v2, v2;
	v2 =	vsub.f32 v5, v6;
	v5 =	vld [tilespmem:s20+$0x8490]  }
0x20e: {  	v6 =	vld [tilespmem:s20+$0x10490]  }
0x20f: {  	v0 =	vadd.f32 v1, v0;
	v1 =	vmul.f32 v2, v2;
	v2 =	vsub.f32 v3, v8;
	v3 =	vld [tilespmem:s20+$0x84A0]  }
0x210: {  	v8 =	vld [tilespmem:s20+$0x104A0]  }
0x211: {  	v0 =	vadd.f32 v1, v0;
	v1 =	vmul.f32 v2, v2;
	v2 =	vsub.f32 v4, v7;
	v4 =	vld [tilespmem:s20+$0x84B0]  }
0x212: {  	v7 =	vld [tilespmem:s20+$0x104B0]  }
0x213: {  	v0 =	vadd.f32 v1, v0;
	v1 =	vmul.f32 v2, v2;
	v2 =	vsub.f32 v5, v6;
	v5 =	vld [tilespmem:s20+$0x8500]  }
0x214: {  	v6 =	vld [tilespmem:s20+$0x10500]  }
0x215: {  	v0 =	vadd.f32 v1, v0;
	v1 =	vmul.f32 v2, v2;
	v2 =	vsub.f32 v3, v8;
	v3 =	vld [tilespmem:s20+$0x8510]  }
0x216: {  	v8 =	vld [tilespmem:s20+$0x10510]  }
0x217: {  	v0 =	vadd.f32 v1, v0;
	v1 =	vmul.f32 v2, v2;
	v2 =	vsub.f32 v4, v7;
	v4 =	vld [tilespmem:s20+$0x8520]  }
0x218: {  	v7 =	vld [tilespmem:s20+$0x10520]  }
0x219: {  	v0 =	vadd.f32 v1, v0;
	v1 =	vmul.f32 v2, v2;
	v2 =	vsub.f32 v5, v6;
	v5 =	vld [tilespmem:s20+$0x8530]  }
0x21a: {  	v6 =	vld [tilespmem:s20+$0x10530]  }
0x21b: {  	v0 =	vadd.f32 v1, v0;
	v1 =	vmul.f32 v2, v2;
	v2 =	vsub.f32 v3, v8;
	v8 =	vld [tilespmem:s20+$0x8580]  }
0x21c: {  	v9 =	vld [tilespmem:s20+$0x10580]  }
0x21d: {  	v0 =	vadd.f32 v1, v0;
	v1 =	vmul.f32 v2, v2;
	v2 =	vsub.f32 v4, v7;
	v7 =	vld [tilespmem:s20+$0x8590]  }
0x21e: {  	v10 =	vld [tilespmem:s20+$0x10590]  }
.Ltmp2:
0x21f: {  	v1 =	vadd.f32 v1, v0;
	v2 =	vmul.f32 v2, v2;
	v4 =	vsub.f32 v5, v6;
	v0 =	vld [tilespmem:s20+$0x85A0];
	(pc) =	sbr.rel @p0 .LBB2_6-.Ltmp2, $4  }
0x220: {  	v3 =	vld [tilespmem:s20+$0x105A0]  }
0x221: {  	v5 =	vadd.f32 v2, v1;
	v6 =	vmul.f32 v4, v4;
	v8 =	vsub.f32 v8, v9;
	v1 =	vld [tilespmem:s20+$0x85B0]  }
0x222: {  	v4 =	vld [tilespmem:s20+$0x105B0];
	s20 =	sshra.s32 s21, $0x2  }
0x223: {  	s21 =	sadd.s32 $0x1000, s21;
	v2 =	vld [tilespmem:s20+$0x8200];
	v5 =	vadd.f32 v6, v5;
	v6 =	vmul.f32 v8, v8;
	v7 =	vsub.f32 v7, v10  }
0x224: {  	v8 =	vld [tilespmem:s20+$0x10200]  }
0x225: {  	v9 =	vld [tilespmem:s20+$0x8210]  }
0x226: {  	v10 =	vld [tilespmem:s20+$0x10210]  }
0x227: {  	v11 =	vld [tilespmem:s20+$0x8220];
	v5 =	vadd.f32 v6, v5;
	v6 =	vmul.f32 v7, v7;
	v0 =	vsub.f32 v0, v3  }
0x228: {  	v45 =	vld [tilespmem:s20+$0x82A0]  }
0x229: {  	v46 =	vld [tilespmem:s20+$0x102A0];
	v5 =	vadd.f32 v6, v5;
	v0 =	vmul.f32 v0, v0;
	v1 =	vsub.f32 v1, v4  }
0x22a: {  	v3 =	vld [tilespmem:s20+$0x10220]  }
0x22b: {  	v7 =	vld [tilespmem:s20+$0x8230];
	v2 =	vsub.f32 v2, v8;
	v0 =	vadd.f32 v0, v5;
	v1 =	vmul.f32 v1, v1  }
0x22c: {  	v4 =	vld [tilespmem:s20+$0x10230]  }
0x22d: {  	v6 =	vld [tilespmem:s20+$0x8280];
	v9 =	vsub.f32 v9, v10;
	v2 =	vmul.f32 v2, v2;
	v0 =	vadd.f32 v1, v0  }
0x22e: {  	v5 =	vld [tilespmem:s20+$0x10280]  }
0x22f: {  	v8 =	vld [tilespmem:s20+$0x8290];
	v3 =	vsub.f32 v11, v3;
	v0 =	vadd.f32 v2, v0;
	v2 =	vmul.f32 v9, v9  }
0x230: {  	v1 =	vld [tilespmem:s20+$0x10290]  }
0x231: {  	v47 =	vld [tilespmem:s20+$0x82B0];
	v0 =	vadd.f32 v2, v0;
	v2 =	vmul.f32 v3, v3;
	v3 =	vsub.f32 v7, v4  }
0x232: {  	v48 =	vld [tilespmem:s20+$0x10320]  }
0x233: {  	v49 =	vld [tilespmem:s20+$0x8330];
	v0 =	vadd.f32 v2, v0;
	v2 =	vmul.f32 v3, v3;
	v3 =	vsub.f32 v6, v5  }
0x234: {  	v4 =	vld [tilespmem:s20+$0x102B0]  }
0x235: {  	v7 =	vld [tilespmem:s20+$0x8300];
	v1 =	vsub.f32 v8, v1;
	v0 =	vadd.f32 v2, v0;
	v2 =	vmul.f32 v3, v3  }
0x236: {  	v5 =	vld [tilespmem:s20+$0x10300]  }
0x237: {  	v6 =	vld [tilespmem:s20+$0x8310];
	v1 =	vmul.f32 v1, v1;
	v0 =	vadd.f32 v2, v0;
	v2 =	vsub.f32 v45, v46  }
0x238: {  	v3 =	vld [tilespmem:s20+$0x10310]  }
0x239: {  	v50 =	vld [tilespmem:s20+$0x8380];
	v0 =	vadd.f32 v1, v0;
	v1 =	vmul.f32 v2, v2;
	v2 =	vsub.f32 v47, v4  }
0x23a: {  	v8 =	vld [tilespmem:s20+$0x8320]  }
0x23b: {  	v51 =	vld [tilespmem:s20+$0x83B0];
	v0 =	vadd.f32 v1, v0;
	v1 =	vmul.f32 v2, v2;
	v2 =	vsub.f32 v7, v5  }
0x23c: {  	v4 =	vld [tilespmem:s20+$0x10330]  }
0x23d: {  	v52 =	vld [tilespmem:s20+$0x8400];
	v0 =	vadd.f32 v1, v0;
	v1 =	vmul.f32 v2, v2;
	v2 =	vsub.f32 v6, v3  }
0x23e: {  	v5 =	vld [tilespmem:s20+$0x10380]  }
0x23f: {  	v7 =	vld [tilespmem:s20+$0x8390];
	v0 =	vadd.f32 v1, v0;
	v1 =	vmul.f32 v2, v2;
	v2 =	vsub.f32 v8, v48  }
0x240: {  	v3 =	vld [tilespmem:s20+$0x10390]  }
0x241: {  	v6 =	vld [tilespmem:s20+$0x83A0];
	v0 =	vadd.f32 v1, v0;
	v1 =	vmul.f32 v2, v2;
	v2 =	vsub.f32 v49, v4  }
0x242: {  	v8 =	vld [tilespmem:s20+$0x103A0]  }
0x243: {  	v53 =	vld [tilespmem:s20+$0x8410];
	v0 =	vadd.f32 v1, v0;
	v1 =	vmul.f32 v2, v2;
	v2 =	vsub.f32 v50, v5  }
0x244: {  	v4 =	vld [tilespmem:s20+$0x103B0]  }
0x245: {  	v54 =	vld [tilespmem:s20+$0x8480];
	v0 =	vadd.f32 v1, v0;
	v1 =	vmul.f32 v2, v2;
	v2 =	vsub.f32 v7, v3  }
0x246: {  	v5 =	vld [tilespmem:s20+$0x10400]  }
0x247: {  	v55 =	vld [tilespmem:s20+$0x8490];
	v0 =	vadd.f32 v1, v0;
	v1 =	vmul.f32 v2, v2;
	v2 =	vsub.f32 v6, v8  }
0x248: {  	v3 =	vld [tilespmem:s20+$0x10410]  }
0x249: {  	v7 =	vld [tilespmem:s20+$0x8420];
	v0 =	vadd.f32 v1, v0;
	v1 =	vmul.f32 v2, v2;
	v2 =	vsub.f32 v51, v4  }
0x24a: {  	v6 =	vld [tilespmem:s20+$0x10420]  }
0x24b: {  	v8 =	vld [tilespmem:s20+$0x8430];
	v0 =	vadd.f32 v1, v0;
	v1 =	vmul.f32 v2, v2;
	v2 =	vsub.f32 v52, v5  }
0x24c: {  	v4 =	vld [tilespmem:s20+$0x10430]  }
0x24d: {  	v56 =	vld [tilespmem:s20+$0x84A0];
	v0 =	vadd.f32 v1, v0;
	v1 =	vmul.f32 v2, v2;
	v2 =	vsub.f32 v53, v3  }
0x24e: {  	v5 =	vld [tilespmem:s20+$0x10480]  }
0x24f: {  	v57 =	vld [tilespmem:s20+$0x8510];
	v0 =	vadd.f32 v1, v0;
	v1 =	vmul.f32 v2, v2;
	v2 =	vsub.f32 v7, v6  }
0x250: {  	v3 =	vld [tilespmem:s20+$0x10490]  }
0x251: {  	v58 =	vld [tilespmem:s20+$0x8520];
	v0 =	vadd.f32 v1, v0;
	v1 =	vmul.f32 v2, v2;
	v2 =	vsub.f32 v8, v4  }
0x252: {  	v6 =	vld [tilespmem:s20+$0x104A0]  }
0x253: {  	v7 =	vld [tilespmem:s20+$0x84B0];
	v0 =	vadd.f32 v1, v0;
	v1 =	vmul.f32 v2, v2;
	v2 =	vsub.f32 v54, v5  }
0x254: {  	v4 =	vld [tilespmem:s20+$0x104B0]  }
0x255: {  	v8 =	vld [tilespmem:s20+$0x8500];
	v0 =	vadd.f32 v1, v0;
	v1 =	vmul.f32 v2, v2;
	v2 =	vsub.f32 v55, v3  }
0x256: {  	v5 =	vld [tilespmem:s20+$0x10500]  }
0x257: {  	v59 =	vld [tilespmem:s20+$0x8530];
	v0 =	vadd.f32 v1, v0;
	v1 =	vmul.f32 v2, v2;
	v2 =	vsub.f32 v56, v6  }
0x258: {  	v3 =	vld [tilespmem:s20+$0x10510]  }
0x259: {  	v60 =	vld [tilespmem:s20+$0x85A0];
	v0 =	vadd.f32 v1, v0;
	v1 =	vmul.f32 v2, v2;
	v2 =	vsub.f32 v7, v4  }
0x25a: {  	v6 =	vld [tilespmem:s20+$0x10520]  }
0x25b: {  	v61 =	vld [tilespmem:s20+$0x85B0];
	v0 =	vadd.f32 v1, v0;
	v1 =	vmul.f32 v2, v2;
	v2 =	vsub.f32 v8, v5  }
0x25c: {  	v4 =	vld [tilespmem:s20+$0x10530]  }
0x25d: {  	v7 =	vld [tilespmem:s20+$0x8580];
	v0 =	vadd.f32 v1, v0;
	v1 =	vmul.f32 v2, v2;
	v2 =	vsub.f32 v57, v3  }
0x25e: {  	v5 =	vld [tilespmem:s20+$0x10580]  }
0x25f: {  	v8 =	vld [tilespmem:s20+$0x8590];
	v0 =	vadd.f32 v1, v0;
	v1 =	vmul.f32 v2, v2;
	v2 =	vsub.f32 v58, v6  }
0x260: {  	v3 =	vld [tilespmem:s20+$0x10590]  }
0x261: {  	v6 =	vld [tilespmem:s20+$0x105A0];
	v0 =	vadd.f32 v1, v0;
	v1 =	vmul.f32 v2, v2;
	v2 =	vsub.f32 v59, v4  }
0x262: {  	v4 =	vld [tilespmem:s20+$0x105B0];
	_ =	swait.ge [sflag:s16], $0x4000  }
0x263: {  	[sflag:s16] =	ssyncset.done $0x0;
	v0 =	vadd.f32 v1, v0;
	v1 =	vmul.f32 v2, v2;
	v2 =	vsub.f32 v7, v5  }
0x264: {  	s21 =	simm.s32 $0x0;
	[sflag:s16] =	ssyncadd.s32 $0xFFFFC000  }
0x265: {  	v5 =	vld [tilespmem:s21+$0x14200];
	v0 =	vadd.f32 v1, v0;
	v1 =	vmul.f32 v2, v2;
	v2 =	vsub.f32 v8, v3  }
0x266: {  	v3 =	vld [tilespmem:s21+$0xC200]  }
0x267: {  	v7 =	vld [tilespmem:s21+$0x14210];
	v0 =	vadd.f32 v1, v0;
	v1 =	vmul.f32 v2, v2;
	v2 =	vsub.f32 v60, v6  }
0x268: {  	v6 =	vld [tilespmem:s21+$0xC210]  }
0x269: {  	v8 =	vld [tilespmem:s21+$0x14220];
	v0 =	vadd.f32 v1, v0;
	v1 =	vmul.f32 v2, v2;
	v2 =	vsub.f32 v61, v4  }
0x26a: {  	v4 =	vld [tilespmem:s21+$0xC220]  }
0x26b: {  	v0 =	vadd.f32 v1, v0;
	v1 =	vmul.f32 v2, v2;
	v2 =	vsub.f32 v3, v5;
	v3 =	vld [tilespmem:s21+$0xC230]  }
0x26c: {  	v5 =	vld [tilespmem:s21+$0x14230]  }
0x26d: {  	v0 =	vadd.f32 v1, v0;
	v1 =	vmul.f32 v2, v2;
	v2 =	vsub.f32 v6, v7;
	v6 =	vld [tilespmem:s21+$0xC280]  }
0x26e: {  	v7 =	vld [tilespmem:s21+$0x14280]  }
0x26f: {  	v0 =	vadd.f32 v1, v0;
	v1 =	vmul.f32 v2, v2;
	v2 =	vsub.f32 v4, v8;
	v4 =	vld [tilespmem:s21+$0xC290]  }
0x270: {  	v8 =	vld [tilespmem:s21+$0x14290]  }
0x271: {  	v0 =	vadd.f32 v1, v0;
	v1 =	vmul.f32 v2, v2;
	v2 =	vsub.f32 v3, v5;
	v3 =	vld [tilespmem:s21+$0xC2A0]  }
0x272: {  	v5 =	vld [tilespmem:s21+$0x142A0]  }
0x273: {  	v0 =	vadd.f32 v1, v0;
	v1 =	vmul.f32 v2, v2;
	v2 =	vsub.f32 v6, v7;
	v6 =	vld [tilespmem:s21+$0xC2B0]  }
0x274: {  	v7 =	vld [tilespmem:s21+$0x142B0]  }
0x275: {  	v0 =	vadd.f32 v1, v0;
	v1 =	vmul.f32 v2, v2;
	v2 =	vsub.f32 v4, v8;
	v4 =	vld [tilespmem:s21+$0xC300]  }
0x276: {  	v8 =	vld [tilespmem:s21+$0x14300]  }
0x277: {  	v0 =	vadd.f32 v1, v0;
	v1 =	vmul.f32 v2, v2;
	v2 =	vsub.f32 v3, v5;
	v3 =	vld [tilespmem:s21+$0xC310]  }
0x278: {  	v5 =	vld [tilespmem:s21+$0x14310]  }
0x279: {  	v0 =	vadd.f32 v1, v0;
	v1 =	vmul.f32 v2, v2;
	v2 =	vsub.f32 v6, v7;
	v6 =	vld [tilespmem:s21+$0xC320]  }
0x27a: {  	v7 =	vld [tilespmem:s21+$0x14320]  }
0x27b: {  	v0 =	vadd.f32 v1, v0;
	v1 =	vmul.f32 v2, v2;
	v2 =	vsub.f32 v4, v8;
	v4 =	vld [tilespmem:s21+$0xC330]  }
0x27c: {  	v8 =	vld [tilespmem:s21+$0x14330]  }
0x27d: {  	v0 =	vadd.f32 v1, v0;
	v1 =	vmul.f32 v2, v2;
	v2 =	vsub.f32 v3, v5;
	v3 =	vld [tilespmem:s21+$0xC380]  }
0x27e: {  	v5 =	vld [tilespmem:s21+$0x14380]  }
0x27f: {  	v0 =	vadd.f32 v1, v0;
	v1 =	vmul.f32 v2, v2;
	v2 =	vsub.f32 v6, v7;
	v6 =	vld [tilespmem:s21+$0xC390]  }
0x280: {  	v7 =	vld [tilespmem:s21+$0x14390]  }
0x281: {  	v0 =	vadd.f32 v1, v0;
	v1 =	vmul.f32 v2, v2;
	v2 =	vsub.f32 v4, v8;
	v4 =	vld [tilespmem:s21+$0xC3A0]  }
0x282: {  	v8 =	vld [tilespmem:s21+$0x143A0]  }
0x283: {  	v0 =	vadd.f32 v1, v0;
	v1 =	vmul.f32 v2, v2;
	v2 =	vsub.f32 v3, v5;
	v3 =	vld [tilespmem:s21+$0xC3B0]  }
0x284: {  	v5 =	vld [tilespmem:s21+$0x143B0]  }
0x285: {  	v0 =	vadd.f32 v1, v0;
	v1 =	vmul.f32 v2, v2;
	v2 =	vsub.f32 v6, v7;
	v6 =	vld [tilespmem:s21+$0xC400]  }
0x286: {  	v7 =	vld [tilespmem:s21+$0x14400]  }
0x287: {  	v0 =	vadd.f32 v1, v0;
	v1 =	vmul.f32 v2, v2;
	v2 =	vsub.f32 v4, v8;
	v4 =	vld [tilespmem:s21+$0xC410]  }
0x288: {  	v8 =	vld [tilespmem:s21+$0x14410]  }
0x289: {  	v0 =	vadd.f32 v1, v0;
	v1 =	vmul.f32 v2, v2;
	v2 =	vsub.f32 v3, v5;
	v3 =	vld [tilespmem:s21+$0xC420]  }
0x28a: {  	v5 =	vld [tilespmem:s21+$0x14420]  }
0x28b: {  	v0 =	vadd.f32 v1, v0;
	v1 =	vmul.f32 v2, v2;
	v2 =	vsub.f32 v6, v7;
	v6 =	vld [tilespmem:s21+$0xC430]  }
0x28c: {  	v7 =	vld [tilespmem:s21+$0x14430]  }
0x28d: {  	v0 =	vadd.f32 v1, v0;
	v1 =	vmul.f32 v2, v2;
	v2 =	vsub.f32 v4, v8;
	v4 =	vld [tilespmem:s21+$0xC480]  }
0x28e: {  	v8 =	vld [tilespmem:s21+$0x14480]  }
0x28f: {  	v0 =	vadd.f32 v1, v0;
	v1 =	vmul.f32 v2, v2;
	v2 =	vsub.f32 v3, v5;
	v3 =	vld [tilespmem:s21+$0xC490]  }
0x290: {  	v5 =	vld [tilespmem:s21+$0x14490]  }
0x291: {  	v0 =	vadd.f32 v1, v0;
	v1 =	vmul.f32 v2, v2;
	v2 =	vsub.f32 v6, v7;
	v6 =	vld [tilespmem:s21+$0xC4A0]  }
0x292: {  	v7 =	vld [tilespmem:s21+$0x144A0]  }
0x293: {  	v0 =	vadd.f32 v1, v0;
	v1 =	vmul.f32 v2, v2;
	v2 =	vsub.f32 v4, v8;
	v4 =	vld [tilespmem:s21+$0xC4B0]  }
0x294: {  	v8 =	vld [tilespmem:s21+$0x144B0]  }
0x295: {  	v0 =	vadd.f32 v1, v0;
	v1 =	vmul.f32 v2, v2;
	v2 =	vsub.f32 v3, v5;
	v3 =	vld [tilespmem:s21+$0xC500]  }
0x296: {  	v5 =	vld [tilespmem:s21+$0x14500]  }
0x297: {  	v0 =	vadd.f32 v1, v0;
	v1 =	vmul.f32 v2, v2;
	v2 =	vsub.f32 v6, v7;
	v6 =	vld [tilespmem:s21+$0xC510]  }
0x298: {  	v7 =	vld [tilespmem:s21+$0x14510]  }
0x299: {  	v0 =	vadd.f32 v1, v0;
	v1 =	vmul.f32 v2, v2;
	v2 =	vsub.f32 v4, v8;
	v4 =	vld [tilespmem:s21+$0xC520]  }
0x29a: {  	v8 =	vld [tilespmem:s21+$0x14520]  }
0x29b: {  	v0 =	vadd.f32 v1, v0;
	v1 =	vmul.f32 v2, v2;
	v2 =	vsub.f32 v3, v5;
	v3 =	vld [tilespmem:s21+$0xC530]  }
0x29c: {  	v5 =	vld [tilespmem:s21+$0x14530]  }
0x29d: {  	v0 =	vadd.f32 v1, v0;
	v1 =	vmul.f32 v2, v2;
	v2 =	vsub.f32 v6, v7;
	v6 =	vld [tilespmem:s21+$0xC580]  }
0x29e: {  	v7 =	vld [tilespmem:s21+$0x14580]  }
0x29f: {  	v62 =	vld [tilespmem:s21+$0x14590];
	v0 =	vadd.f32 v1, v0;
	v1 =	vmul.f32 v2, v2;
	v2 =	vsub.f32 v4, v8  }
0x2a0: {  	v8 =	vld [tilespmem:s21+$0xC590]  }
0x2a1: {  	v4 =	vsub.f32 v3, v5;
	v3 =	vld [tilespmem:s21+$0x145A0];
	v1 =	vadd.f32 v1, v0;
	v2 =	vmul.f32 v2, v2  }
0x2a2: {  	v0 =	vld [tilespmem:s21+$0xC5A0]  }
0x2a3: {  	v63 =	vmul.f32 v4, v4;
	v6 =	vsub.f32 v6, v7;
	v4 =	vld [tilespmem:s21+$0x145B0];
	v5 =	vadd.f32 v2, v1  }
0x2a4: {  	s20 =	simm.s32 $0x400;
	v1 =	vld [tilespmem:s21+$0xC5B0]  }
0x2a5: {  	v2 =	vld [tilespmem:s20+$0xC200];
	s21 =	simm.s32 $0x2000;
	v6 =	vmul.f32 v6, v6;
	v7 =	vsub.f32 v8, v62;
	v5 =	vadd.f32 v63, v5  }
.LBB2_8:
0x2a6: {  	p0 =	sne.s32 s21, $0xF000;
	v8 =	vld [tilespmem:s20+$0x14200]  }
0x2a7: {  	v9 =	vld [tilespmem:s20+$0xC210];
	v5 =	vadd.f32 v6, v5;
	v6 =	vmul.f32 v7, v7;
	v0 =	vsub.f32 v0, v3  }
0x2a8: {  	v3 =	vld [tilespmem:s20+$0x14210]  }
0x2a9: {  	v7 =	vld [tilespmem:s20+$0xC220];
	v5 =	vadd.f32 v6, v5;
	v0 =	vmul.f32 v0, v0;
	v1 =	vsub.f32 v1, v4  }
0x2aa: {  	v4 =	vld [tilespmem:s20+$0x14220]  }
0x2ab: {  	v2 =	vsub.f32 v2, v8;
	v6 =	vld [tilespmem:s20+$0xC230];
	v0 =	vadd.f32 v0, v5;
	v1 =	vmul.f32 v1, v1  }
0x2ac: {  	v5 =	vld [tilespmem:s20+$0x14230]  }
0x2ad: {  	v2 =	vmul.f32 v2, v2;
	v3 =	vsub.f32 v9, v3;
	v8 =	vld [tilespmem:s20+$0xC280];
	v0 =	vadd.f32 v1, v0  }
0x2ae: {  	v1 =	vld [tilespmem:s20+$0x14280]  }
0x2af: {  	v0 =	vadd.f32 v2, v0;
	v2 =	vmul.f32 v3, v3;
	v3 =	vsub.f32 v7, v4;
	v4 =	vld [tilespmem:s20+$0xC290]  }
0x2b0: {  	v7 =	vld [tilespmem:s20+$0x14290]  }
0x2b1: {  	v0 =	vadd.f32 v2, v0;
	v2 =	vmul.f32 v3, v3;
	v3 =	vsub.f32 v6, v5;
	v5 =	vld [tilespmem:s20+$0xC2A0]  }
0x2b2: {  	v6 =	vld [tilespmem:s20+$0x142A0]  }
0x2b3: {  	v0 =	vadd.f32 v2, v0;
	v2 =	vmul.f32 v3, v3;
	v1 =	vsub.f32 v8, v1;
	v3 =	vld [tilespmem:s20+$0xC2B0]  }
0x2b4: {  	v8 =	vld [tilespmem:s20+$0x142B0]  }
0x2b5: {  	v0 =	vadd.f32 v2, v0;
	v1 =	vmul.f32 v1, v1;
	v2 =	vsub.f32 v4, v7;
	v4 =	vld [tilespmem:s20+$0xC300]  }
0x2b6: {  	v7 =	vld [tilespmem:s20+$0x14300]  }
0x2b7: {  	v0 =	vadd.f32 v1, v0;
	v1 =	vmul.f32 v2, v2;
	v2 =	vsub.f32 v5, v6;
	v5 =	vld [tilespmem:s20+$0xC310]  }
0x2b8: {  	v6 =	vld [tilespmem:s20+$0x14310]  }
0x2b9: {  	v0 =	vadd.f32 v1, v0;
	v1 =	vmul.f32 v2, v2;
	v2 =	vsub.f32 v3, v8;
	v3 =	vld [tilespmem:s20+$0xC320]  }
0x2ba: {  	v8 =	vld [tilespmem:s20+$0x14320]  }
0x2bb: {  	v0 =	vadd.f32 v1, v0;
	v1 =	vmul.f32 v2, v2;
	v2 =	vsub.f32 v4, v7;
	v4 =	vld [tilespmem:s20+$0xC330]  }
0x2bc: {  	v7 =	vld [tilespmem:s20+$0x14330]  }
0x2bd: {  	v0 =	vadd.f32 v1, v0;
	v1 =	vmul.f32 v2, v2;
	v2 =	vsub.f32 v5, v6;
	v5 =	vld [tilespmem:s20+$0xC380]  }
0x2be: {  	v6 =	vld [tilespmem:s20+$0x14380]  }
0x2bf: {  	v0 =	vadd.f32 v1, v0;
	v1 =	vmul.f32 v2, v2;
	v2 =	vsub.f32 v3, v8;
	v3 =	vld [tilespmem:s20+$0xC390]  }
0x2c0: {  	v8 =	vld [tilespmem:s20+$0x14390]  }
0x2c1: {  	v0 =	vadd.f32 v1, v0;
	v1 =	vmul.f32 v2, v2;
	v2 =	vsub.f32 v4, v7;
	v4 =	vld [tilespmem:s20+$0xC3A0]  }
0x2c2: {  	v7 =	vld [tilespmem:s20+$0x143A0]  }
0x2c3: {  	v0 =	vadd.f32 v1, v0;
	v1 =	vmul.f32 v2, v2;
	v2 =	vsub.f32 v5, v6;
	v5 =	vld [tilespmem:s20+$0xC3B0]  }
0x2c4: {  	v6 =	vld [tilespmem:s20+$0x143B0]  }
0x2c5: {  	v0 =	vadd.f32 v1, v0;
	v1 =	vmul.f32 v2, v2;
	v2 =	vsub.f32 v3, v8;
	v3 =	vld [tilespmem:s20+$0xC400]  }
0x2c6: {  	v8 =	vld [tilespmem:s20+$0x14400]  }
0x2c7: {  	v0 =	vadd.f32 v1, v0;
	v1 =	vmul.f32 v2, v2;
	v2 =	vsub.f32 v4, v7;
	v4 =	vld [tilespmem:s20+$0xC410]  }
0x2c8: {  	v7 =	vld [tilespmem:s20+$0x14410]  }
0x2c9: {  	v0 =	vadd.f32 v1, v0;
	v1 =	vmul.f32 v2, v2;
	v2 =	vsub.f32 v5, v6;
	v5 =	vld [tilespmem:s20+$0xC420]  }
0x2ca: {  	v6 =	vld [tilespmem:s20+$0x14420]  }
0x2cb: {  	v0 =	vadd.f32 v1, v0;
	v1 =	vmul.f32 v2, v2;
	v2 =	vsub.f32 v3, v8;
	v3 =	vld [tilespmem:s20+$0xC430]  }
0x2cc: {  	v8 =	vld [tilespmem:s20+$0x14430]  }
0x2cd: {  	v0 =	vadd.f32 v1, v0;
	v1 =	vmul.f32 v2, v2;
	v2 =	vsub.f32 v4, v7;
	v4 =	vld [tilespmem:s20+$0xC480]  }
0x2ce: {  	v7 =	vld [tilespmem:s20+$0x14480]  }
0x2cf: {  	v0 =	vadd.f32 v1, v0;
	v1 =	vmul.f32 v2, v2;
	v2 =	vsub.f32 v5, v6;
	v5 =	vld [tilespmem:s20+$0xC490]  }
0x2d0: {  	v6 =	vld [tilespmem:s20+$0x14490]  }
0x2d1: {  	v0 =	vadd.f32 v1, v0;
	v1 =	vmul.f32 v2, v2;
	v2 =	vsub.f32 v3, v8;
	v3 =	vld [tilespmem:s20+$0xC4A0]  }
0x2d2: {  	v8 =	vld [tilespmem:s20+$0x144A0]  }
0x2d3: {  	v0 =	vadd.f32 v1, v0;
	v1 =	vmul.f32 v2, v2;
	v2 =	vsub.f32 v4, v7;
	v4 =	vld [tilespmem:s20+$0xC4B0]  }
0x2d4: {  	v7 =	vld [tilespmem:s20+$0x144B0]  }
0x2d5: {  	v0 =	vadd.f32 v1, v0;
	v1 =	vmul.f32 v2, v2;
	v2 =	vsub.f32 v5, v6;
	v5 =	vld [tilespmem:s20+$0xC500]  }
0x2d6: {  	v6 =	vld [tilespmem:s20+$0x14500]  }
0x2d7: {  	v0 =	vadd.f32 v1, v0;
	v1 =	vmul.f32 v2, v2;
	v2 =	vsub.f32 v3, v8;
	v3 =	vld [tilespmem:s20+$0xC510]  }
0x2d8: {  	v8 =	vld [tilespmem:s20+$0x14510]  }
0x2d9: {  	v0 =	vadd.f32 v1, v0;
	v1 =	vmul.f32 v2, v2;
	v2 =	vsub.f32 v4, v7;
	v4 =	vld [tilespmem:s20+$0xC520]  }
0x2da: {  	v7 =	vld [tilespmem:s20+$0x14520]  }
0x2db: {  	v0 =	vadd.f32 v1, v0;
	v1 =	vmul.f32 v2, v2;
	v2 =	vsub.f32 v5, v6;
	v5 =	vld [tilespmem:s20+$0xC530]  }
0x2dc: {  	v6 =	vld [tilespmem:s20+$0x14530]  }
0x2dd: {  	v0 =	vadd.f32 v1, v0;
	v1 =	vmul.f32 v2, v2;
	v2 =	vsub.f32 v3, v8;
	v8 =	vld [tilespmem:s20+$0xC580]  }
0x2de: {  	v9 =	vld [tilespmem:s20+$0x14580]  }
0x2df: {  	v0 =	vadd.f32 v1, v0;
	v1 =	vmul.f32 v2, v2;
	v2 =	vsub.f32 v4, v7;
	v7 =	vld [tilespmem:s20+$0xC590]  }
0x2e0: {  	v10 =	vld [tilespmem:s20+$0x14590]  }
.Ltmp3:
0x2e1: {  	v1 =	vadd.f32 v1, v0;
	v2 =	vmul.f32 v2, v2;
	v4 =	vsub.f32 v5, v6;
	v0 =	vld [tilespmem:s20+$0xC5A0];
	(pc) =	sbr.rel @p0 .LBB2_8-.Ltmp3, $4  }
0x2e2: {  	v3 =	vld [tilespmem:s20+$0x145A0]  }
0x2e3: {  	v5 =	vadd.f32 v2, v1;
	v6 =	vmul.f32 v4, v4;
	v8 =	vsub.f32 v8, v9;
	v1 =	vld [tilespmem:s20+$0xC5B0]  }
0x2e4: {  	v4 =	vld [tilespmem:s20+$0x145B0];
	s20 =	sshra.s32 s21, $0x2  }
0x2e5: {  	s21 =	sadd.s32 $0x1000, s21;
	v2 =	vld [tilespmem:s20+$0xC200];
	v5 =	vadd.f32 v6, v5;
	v6 =	vmul.f32 v8, v8;
	v7 =	vsub.f32 v7, v10  }
0x2e6: {  	v8 =	vld [tilespmem:s20+$0x14200]  }
0x2e7: {  	v9 =	vld [tilespmem:s20+$0xC210];
	v5 =	vadd.f32 v6, v5;
	v47 =	vmul.f32 v7, v7;
	v0 =	vsub.f32 v0, v3  }
0x2e8: {  	v48 =	vld [tilespmem:s20+$0x14210]  }
0x2e9: {  	v49 =	vld [tilespmem:s20+$0xC220];
	v5 =	vadd.f32 v47, v5;
	v0 =	vmul.f32 v0, v0;
	v1 =	vsub.f32 v1, v4  }
0x2ea: {  	v50 =	vld [tilespmem:s20+$0x14220]  }
0x2eb: {  	v51 =	vld [tilespmem:s20+$0xC230];
	v2 =	vsub.f32 v2, v8;
	v0 =	vadd.f32 v0, v5;
	v1 =	vmul.f32 v1, v1  }
0x2ec: {  	v52 =	vld [tilespmem:s20+$0x14230]  }
0x2ed: {  	v53 =	vld [tilespmem:s20+$0xC280];
	v3 =	vsub.f32 v9, v48;
	v2 =	vmul.f32 v2, v2;
	v0 =	vadd.f32 v1, v0  }
0x2ee: {  	v54 =	vld [tilespmem:s20+$0x14280]  }
0x2ef: {  	v57 =	vld [tilespmem:s20+$0xC290];
	v56 =	vsub.f32 v49, v50;
	v55 =	vmul.f32 v3, v3;
	v0 =	vadd.f32 v2, v0  }
0x2f0: {  	v58 =	vld [tilespmem:s20+$0x14290]  }
0x2f1: {  	v61 =	vld [tilespmem:s20+$0xC2A0];
	v60 =	vsub.f32 v51, v52;
	v59 =	vmul.f32 v56, v56;
	v0 =	vadd.f32 v55, v0  }
0x2f2: {  	v62 =	vld [tilespmem:s20+$0x142A0]  }
0x2f3: {  	v12 =	vld [tilespmem:s20+$0xC2B0];
	v63 =	vmul.f32 v60, v60;
	v1 =	vsub.f32 v53, v54;
	v0 =	vadd.f32 v59, v0  }
0x2f4: {  	v13 =	vld [tilespmem:s20+$0x142B0]  }
0x2f5: {  	v15 =	vld [tilespmem:s20+$0xC300];
	v14 =	vsub.f32 v57, v58;
	v1 =	vmul.f32 v1, v1;
	v0 =	vadd.f32 v63, v0  }
0x2f6: {  	v16 =	vld [tilespmem:s20+$0x14300]  }
0x2f7: {  	v19 =	vld [tilespmem:s20+$0xC310];
	v18 =	vsub.f32 v61, v62;
	v17 =	vmul.f32 v14, v14;
	v0 =	vadd.f32 v1, v0  }
0x2f8: {  	v20 =	vld [tilespmem:s20+$0x14310]  }
0x2f9: {  	v23 =	vld [tilespmem:s20+$0xC320];
	v22 =	vsub.f32 v12, v13;
	v21 =	vmul.f32 v18, v18;
	v0 =	vadd.f32 v17, v0  }
0x2fa: {  	v24 =	vld [tilespmem:s20+$0x14320]  }
0x2fb: {  	v27 =	vld [tilespmem:s20+$0xC330];
	v26 =	vsub.f32 v15, v16;
	v25 =	vmul.f32 v22, v22;
	v0 =	vadd.f32 v21, v0  }
0x2fc: {  	v28 =	vld [tilespmem:s20+$0x14330]  }
0x2fd: {  	v31 =	vld [tilespmem:s20+$0xC380];
	v30 =	vsub.f32 v19, v20;
	v29 =	vmul.f32 v26, v26;
	v0 =	vadd.f32 v25, v0  }
0x2fe: {  	v32 =	vld [tilespmem:s20+$0x14380]  }
0x2ff: {  	v35 =	vld [tilespmem:s20+$0xC390];
	v34 =	vsub.f32 v23, v24;
	v33 =	vmul.f32 v30, v30;
	v0 =	vadd.f32 v29, v0  }
0x300: {  	v36 =	vld [tilespmem:s20+$0x14390]  }
0x301: {  	v39 =	vld [tilespmem:s20+$0xC3A0];
	v38 =	vsub.f32 v27, v28;
	v37 =	vmul.f32 v34, v34;
	v0 =	vadd.f32 v33, v0  }
0x302: {  	v40 =	vld [tilespmem:s20+$0x143A0]  }
0x303: {  	v43 =	vld [tilespmem:s20+$0xC3B0];
	v42 =	vsub.f32 v31, v32;
	v41 =	vmul.f32 v38, v38;
	v0 =	vadd.f32 v37, v0  }
0x304: {  	v44 =	vld [tilespmem:s20+$0x143B0]  }
0x305: {  	v47 =	vld [tilespmem:s20+$0xC400];
	v46 =	vsub.f32 v35, v36;
	v45 =	vmul.f32 v42, v42;
	v0 =	vadd.f32 v41, v0  }
0x306: {  	v48 =	vld [tilespmem:s20+$0x14400]  }
0x307: {  	v50 =	vsub.f32 v39, v40;
	v51 =	vld [tilespmem:s20+$0xC410];
	v49 =	vmul.f32 v46, v46;
	v0 =	vadd.f32 v45, v0  }
0x308: {  	v52 =	vld [tilespmem:s20+$0x14410]  }
0x309: {  	v53 =	vmul.f32 v50, v50;
	v54 =	vsub.f32 v43, v44;
	v56 =	vld [tilespmem:s20+$0x14420];
	v0 =	vadd.f32 v49, v0  }
0x30a: {  	v55 =	vld [tilespmem:s20+$0xC420]  }
0x30b: {  	v60 =	vld [tilespmem:s20+$0x14430];
	v57 =	vmul.f32 v54, v54;
	v58 =	vsub.f32 v47, v48;
	v0 =	vadd.f32 v53, v0  }
0x30c: {  	v59 =	vld [tilespmem:s20+$0xC430]  }
0x30d: {  	v12 =	vld [tilespmem:s20+$0x14480];
	v62 =	vsub.f32 v51, v52;
	v61 =	vmul.f32 v58, v58;
	v0 =	vadd.f32 v57, v0  }
0x30e: {  	v63 =	vld [tilespmem:s20+$0xC480]  }
0x30f: {  	v15 =	vld [tilespmem:s20+$0xC490];
	v13 =	vmul.f32 v62, v62;
	v14 =	vsub.f32 v55, v56;
	v0 =	vadd.f32 v61, v0  }
0x310: {  	v16 =	vld [tilespmem:s20+$0x14490]  }
0x311: {  	v19 =	vld [tilespmem:s20+$0xC4A0];
	v18 =	vsub.f32 v59, v60;
	v17 =	vmul.f32 v14, v14;
	v0 =	vadd.f32 v13, v0  }
0x312: {  	v20 =	vld [tilespmem:s20+$0x144A0]  }
0x313: {  	v23 =	vld [tilespmem:s20+$0xC4B0];
	v22 =	vsub.f32 v63, v12;
	v21 =	vmul.f32 v18, v18;
	v0 =	vadd.f32 v17, v0  }
0x314: {  	v24 =	vld [tilespmem:s20+$0x144B0]  }
0x315: {  	v27 =	vld [tilespmem:s20+$0xC500];
	v26 =	vsub.f32 v15, v16;
	v25 =	vmul.f32 v22, v22;
	v0 =	vadd.f32 v21, v0  }
0x316: {  	v28 =	vld [tilespmem:s20+$0x14500]  }
0x317: {  	v31 =	vld [tilespmem:s20+$0xC510];
	v30 =	vsub.f32 v19, v20;
	v29 =	vmul.f32 v26, v26;
	v0 =	vadd.f32 v25, v0  }
0x318: {  	v32 =	vld [tilespmem:s20+$0x14510]  }
0x319: {  	v35 =	vld [tilespmem:s20+$0xC520];
	v34 =	vsub.f32 v23, v24;
	v33 =	vmul.f32 v30, v30;
	v0 =	vadd.f32 v29, v0  }
0x31a: {  	v36 =	vld [tilespmem:s20+$0x14520]  }
0x31b: {  	v39 =	vld [tilespmem:s20+$0xC530];
	v38 =	vsub.f32 v27, v28;
	v37 =	vmul.f32 v34, v34;
	v0 =	vadd.f32 v33, v0  }
0x31c: {  	v40 =	vld [tilespmem:s20+$0x14530]  }
0x31d: {  	v43 =	vld [tilespmem:s20+$0xC580];
	v42 =	vsub.f32 v31, v32;
	v41 =	vmul.f32 v38, v38;
	v0 =	vadd.f32 v37, v0  }
0x31e: {  	v44 =	vld [tilespmem:s20+$0x14580]  }
0x31f: {  	v46 =	vsub.f32 v35, v36;
	v47 =	vld [tilespmem:s20+$0xC590];
	v45 =	vmul.f32 v42, v42;
	v0 =	vadd.f32 v41, v0  }
0x320: {  	v48 =	vld [tilespmem:s20+$0x14590]  }
0x321: {  	v50 =	vsub.f32 v39, v40;
	v51 =	vld [tilespmem:s20+$0xC5A0];
	v49 =	vmul.f32 v46, v46;
	v0 =	vadd.f32 v45, v0  }
0x322: {  	v52 =	vld [tilespmem:s20+$0x145A0]  }
0x323: {  	v54 =	vsub.f32 v43, v44;
	v55 =	vld [tilespmem:s20+$0xC5B0];
	v53 =	vmul.f32 v50, v50;
	v0 =	vadd.f32 v49, v0  }
0x324: {  	v56 =	vld [tilespmem:s20+$0x145B0]  }
0x325: {  	v58 =	vsub.f32 v47, v48;
	v57 =	vmul.f32 v54, v54;
	v0 =	vadd.f32 v53, v0;
	_ =	sdelay $0x1  }
0x326: {  	v59 =	vmul.f32 v58, v58;
	v60 =	vsub.f32 v51, v52;
	v0 =	vadd.f32 v57, v0;
	_ =	sdelay $0x1  }
0x327: {  	v62 =	vsub.f32 v55, v56;
	v61 =	vmul.f32 v60, v60;
	v0 =	vadd.f32 v59, v0;
	_ =	sdelay $0x1  }
0x328: {  	v63 =	vmul.f32 v62, v62;
	v0 =	vadd.f32 v61, v0;
	_ =	sdelay $0x1  }
0x329: {  	s19 =	sadd.s32 $0x1, s19;
	v0 =	vadd.f32 v63, v0  }
0x32a: {  	p0 =	sne.s32 s19, s7  }
.Ltmp4:
0x32b: {  	[tilespmem:$0x18200] =	vst v0;
	(pc) =	sbr.rel @p0 .LBB2_1-.Ltmp4, $4  }
0x32c: {  	[hbm4b:s6+s2] =	stream.linear.scatter [tilespmem:s18], [sflag:$0x4], $0x10, $0x38;
	[tilespmem:$0x18280] =	vst v63  }
0x32d: {  	_ =	swait.ge [sflag:s9], $0x10  }
0x32e: {  	[sflag:s9] =	ssyncset.done $0x0  }
0x32f: {  	[sflag:s9] =	ssyncadd.s32 $0xFFFFFFF0  }
0x330: {  	_ =	sfence.sel $0x180000  }
0x331: {  	[bflag:$0x0] =	sbarrier.arrive $0xFFFF  }
0x332: {  	p0 =	sne.s32 s1, $0x0;
	_ =	strace $0x90000047  }
0x333: {  	s0 =	sadd.s32 @!p0 $0x100000, s0;
	[bflag:$0x2] =	sbarrier.arrive $0xFFFF  }
0x334: {  	[sflag:s0] =	ssyncadd.tile.s32 @!p0 $0x1;
	_ =	shalt  }
.Lfunc_end2:
_tile_overlayer_lowered:
.L_overlay_start_2:
0x335: {  	(tag) =	ssettag $0x2  }
0x336: {  	s0 =	rddreg [dreg:$0x0];
	s2 =	stileid.u32  }
0x337: {  	s1 =	rddreg [dreg:$0x1];
	p0 =	sne.s32 s2, $0x0  }
0x338: {  	s3 =	rddreg [dreg:$0x2];
	[bflag:$0x3] =	sbarrier.arrive $0xFFFF;
	s2 =	simm.s32 @!p0 $0x1C04  }
0x339: {  	[timem:s3], [sflag:s2] =	dma.local @!p0 [hbm:s0], s1  }
0x33a: {  	s0 =	simm.s32 @!p0 $0x4  }
0x33b: {  	_ =	swait.ge @!p0 [sflag:s0], s1  }
0x33c: {  	s1 =	ssub.s32 @!p0 $0x0, s1;
	[sflag:s0] =	ssyncset.done @!p0 $0x0  }
0x33d: {  	[sflag:s0] =	ssyncadd.s32 @!p0 s1  }
0x33e: {  	[bflag:$0x3] =	sbarrier.arrive $0xFFFF  }
0x33f: {  	_ =	shalt  }

</sc_bundles>
